<compile_context>
chip_gen: v7x
topology: tpu7x:2x2x1
jax: 0.10.2.dev20260603
libtpu: 0.0.44.dev20260713+nightly
codegen_flags: <defaults>
</compile_context>

<pallas_src>
import functools

import jax
import jax.numpy as jnp
from jax import lax
from jax.experimental import pallas as pl
from jax.experimental.pallas import tpu as pltpu
from jax.experimental.pallas import tpu_sc as plsc

N = 10000
D = 128
E = 320000

NC = 2
NS = 16
G = 64
GROUPS = -(-((E + NS * G - 1) // (NS * G)) // 8) * 8
E_TILE = GROUPS * G
E_PAD = NS * E_TILE
ACC = N + 112
ROWS_T = ACC // NS
NBUF = 4
IBLK = 40
NIB = GROUPS // IBLK


def _agg_body(x_hbm, srcs_hbm, dsts_hbm, zeros_hbm, out_hbm,
              acc, sidx, didx, rows, gsem0, ssem0, gsem1, ssem1):
    c = lax.axis_index("c")
    s = lax.axis_index("s")

    base_r = s * ROWS_T
    pltpu.sync_copy(zeros_hbm, acc.at[pl.ds(base_r, ROWS_T)])
    plsc.subcore_barrier()

    tb = s * GROUPS
    sems = ((gsem0, ssem0), (gsem1, ssem1))

    def start_gather(r, j, b):
        pltpu.async_copy(x_hbm.at[sidx.at[j]], rows.at[2 * r + b], sems[r][0])

    def wait_gather(r):
        pltpu.make_async_copy(x_hbm.at[pl.ds(0, G)], rows.at[0], sems[r][0]).wait()

    def start_scatter(r, j, b):
        pltpu.async_copy(rows.at[2 * r + b], acc.at[didx.at[j]], sems[r][1], add=True)

    def wait_scatter(r):
        pltpu.make_async_copy(x_hbm.at[pl.ds(0, G)], rows.at[0], sems[r][1]).wait()

    PAIRS = IBLK // 2

    def block(ib, carry):
        boff = tb + ib * IBLK
        pltpu.sync_copy(srcs_hbm.at[c, pl.ds(boff, IBLK)], sidx)
        pltpu.sync_copy(dsts_hbm.at[c, pl.ds(boff, IBLK)], didx)
        start_gather(0, 0, 0)
        start_gather(1, 1, 0)

        def body(p, carry2):
            pb = lax.rem(p, 2)
            for r in range(2):
                wait_gather(r)

                @pl.when(p > 0)
                def _():
                    wait_scatter(r)

                @pl.when(p + 1 < PAIRS)
                def _():
                    start_gather(r, 2 * (p + 1) + r, 1 - pb)

                start_scatter(r, 2 * p + r, pb)
            return carry2

        lax.fori_loop(0, PAIRS, body, 0)
        wait_scatter(0)
        wait_scatter(1)
        return carry

    lax.fori_loop(0, NIB, block, 0)
    plsc.subcore_barrier()

    pltpu.sync_copy(acc.at[pl.ds(base_r, ROWS_T)], out_hbm.at[c, pl.ds(base_r, ROWS_T)])


_agg_call = pl.kernel(
    _agg_body,
    out_type=jax.ShapeDtypeStruct((NC, ACC, D), jnp.float32),
    mesh=plsc.VectorSubcoreMesh(core_axis_name="c", subcore_axis_name="s"),
    scratch_types=[
        pltpu.VMEM_SHARED((ACC, D), jnp.float32),
        pltpu.VMEM((IBLK, G), jnp.int32),
        pltpu.VMEM((IBLK, G), jnp.int32),
        pltpu.VMEM((NBUF, G, D), jnp.float32),
        pltpu.SemaphoreType.DMA,
        pltpu.SemaphoreType.DMA,
        pltpu.SemaphoreType.DMA,
        pltpu.SemaphoreType.DMA,
    ],
)


SLAG = 8


def _deg_body(dsts_hbm, ones_hbm, zeros_hbm, out_hbm, acc, didx, ones_buf, ssem):
    c = lax.axis_index("c")
    s = lax.axis_index("s")
    base_r = s * ROWS_T
    pltpu.sync_copy(zeros_hbm, acc.at[pl.ds(base_r, ROWS_T)])
    pltpu.sync_copy(ones_hbm, ones_buf)
    plsc.subcore_barrier()

    tb = s * GROUPS

    def wait_scatter():
        pltpu.make_async_copy(ones_buf, acc.at[pl.ds(0, G)], ssem).wait()

    def block(ib, carry):
        boff = tb + ib * IBLK
        pltpu.sync_copy(dsts_hbm.at[c, pl.ds(boff, IBLK)], didx)

        def body(j, c2):
            pltpu.async_copy(ones_buf, acc.at[didx.at[j]], ssem, add=True)

            @pl.when(j >= SLAG)
            def _():
                wait_scatter()

            return c2

        lax.fori_loop(0, IBLK, body, 0)
        lax.fori_loop(0, SLAG, lambda j, c2: (wait_scatter(), c2)[1], 0)
        return carry

    lax.fori_loop(0, NIB, block, 0)
    plsc.subcore_barrier()
    pltpu.sync_copy(acc.at[pl.ds(base_r, ROWS_T)], out_hbm.at[c, pl.ds(base_r, ROWS_T)])


_deg_call = pl.kernel(
    _deg_body,
    out_type=jax.ShapeDtypeStruct((NC, ACC, D), jnp.float32),
    mesh=plsc.VectorSubcoreMesh(core_axis_name="c", subcore_axis_name="s"),
    scratch_types=[
        pltpu.VMEM_SHARED((ACC, D), jnp.float32),
        pltpu.VMEM((IBLK, G), jnp.int32),
        pltpu.VMEM((G, D), jnp.float32),
        pltpu.SemaphoreType.DMA,
    ],
)


BLK = 1000


def _tc_layer_body(x_ref, ss_ref, deg_ref, W_ref, b_ref, o_ref):
    xb = x_ref[...]
    W = W_ref[...]
    b = b_ref[...]
    acc = None
    for r in range(2):
        deg = deg_ref[r, :, 0:1]
        inv = 1.0 / jnp.maximum(deg, 1.0)
        ss = ss_ref[r]
        o = (
            jnp.dot(xb, W[r, 0], preferred_element_type=jnp.float32,
                    precision=lax.Precision.HIGHEST)
            + b[r, 0]
            + jnp.dot(ss * inv, W[r, 1], preferred_element_type=jnp.float32,
                      precision=lax.Precision.HIGHEST)
            + b[r, 1]
        )
        o = jnp.maximum(o, 0.0)
        acc = o if acc is None else acc + o
    o_ref[...] = acc * 0.5


def _tc_layer(x, ss, deg, W, b):
    return pl.pallas_call(
        _tc_layer_body,
        grid=(N // BLK,),
        in_specs=[
            pl.BlockSpec((BLK, D), lambda i: (i, 0)),
            pl.BlockSpec((NC, BLK, D), lambda i: (0, i, 0)),
            pl.BlockSpec((NC, BLK, D), lambda i: (0, i, 0)),
            pl.BlockSpec((NC, NC, D, D), lambda i: (0, 0, 0, 0)),
            pl.BlockSpec((NC, NC, D), lambda i: (0, 0, 0)),
        ],
        out_specs=pl.BlockSpec((BLK, D), lambda i: (i, 0)),
        out_shape=jax.ShapeDtypeStruct((N, D), jnp.float32),
    )(x, ss, deg, W, b)


def _pad_stack(eb, et):
    pad = E_PAD - E
    srcs = jnp.stack([
        jnp.concatenate([eb[0], jnp.zeros((pad,), jnp.int32)]),
        jnp.concatenate([et[0], jnp.zeros((pad,), jnp.int32)]),
    ]).reshape(NC, NS * GROUPS, G)
    dsts = jnp.stack([
        jnp.concatenate([eb[1], jnp.full((pad,), N, jnp.int32)]),
        jnp.concatenate([et[1], jnp.full((pad,), N, jnp.int32)]),
    ]).reshape(NC, NS * GROUPS, G)
    return srcs, dsts


def kernel(h, edge_belongs, edge_transfers, Ws, bs):
    srcs, dsts = _pad_stack(edge_belongs, edge_transfers)
    zeros_d = jnp.zeros((ROWS_T, D), jnp.float32)
    ones_gd = jnp.ones((G, D), jnp.float32)
    deg = _deg_call(dsts, ones_gd, zeros_d)
    x = h
    for l in range(Ws.shape[0]):
        ss = _agg_call(x, srcs, dsts, zeros_d)
        x = _tc_layer(x, ss, deg, Ws[l], bs[l])
    return x

# --- scband reference (transcript-rebuilt; emitter-appended) ---
"""Pipeline reference for scband-hgcn-27685359190468 (READ-ONLY COPY).

The authoritative reference and input builder live on the scoring server;
editing this copy changes nothing except your own understanding.
"""

import jax, jax.numpy as jnp
import numpy as np

N = 10000
E = 320000
D = 128
L = 3  # conv4 is constructed but never used in forward


def setup_inputs(seed: int = 0):
    key = jax.random.key(seed)
    ks = jax.random.split(key, 5)
    h = jax.random.normal(ks[0], (N, D), dtype=jnp.float32)
    edge_belongs = jax.random.randint(ks[1], (2, E), 0, N, dtype=jnp.int32)
    edge_transfers = jax.random.randint(ks[2], (2, E), 0, N, dtype=jnp.int32)
    # Parameters: [layer, relation (0=BELONGS_TO,1=TRANSFERS_TO), linear (0=fc_self,1=fc_neigh)]
    Ws = jax.random.normal(ks[3], (L, 2, 2, D, D), dtype=jnp.float32) * 0.05
    bs = jnp.zeros((L, 2, 2, D), dtype=jnp.float32)
    return {"h": h, "edge_belongs": edge_belongs, "edge_transfers": edge_transfers, "Ws": Ws, "bs": bs}


def _sage_mean(h, src, dst, W_self, b_self, W_neigh, b_neigh):
    # DGL SAGEConv with aggregator_type='mean' (feat_drop=0):
    # rst = fc_self(h_dst) + fc_neigh(mean_{u in N(v)} h_u)
    msg = jnp.take(h, src, axis=0)
    summed = jax.ops.segment_sum(msg, dst, num_segments=N)
    deg = jax.ops.segment_sum(jnp.ones((src.shape[0],), jnp.float32), dst, num_segments=N)
    mean = summed / jnp.maximum(deg, 1.0)[:, None]
    return h @ W_self + b_self + mean @ W_neigh + b_neigh


def reference(h, edge_belongs, edge_transfers, Ws, bs):
    x = h
    for l in range(L):
        o_b = jax.nn.relu(_sage_mean(x, edge_belongs[0], edge_belongs[1], Ws[l, 0, 0], bs[l, 0, 0], Ws[l, 0, 1], bs[l, 0, 1]))
        o_t = jax.nn.relu(_sage_mean(x, edge_transfers[0], edge_transfers[1], Ws[l, 1, 0], bs[l, 1, 0], Ws[l, 1, 1], bs[l, 1, 1]))
        # HeteroGraphConv(aggregate='mean'): average outputs of relations hitting the same dst type
        x = (o_b + o_t) * 0.5
    return x

if __name__ == "__main__":
    import jax
    _d = setup_inputs()
    print(jax.jit(kernel)(*tuple(_d.values())))

</pallas_src>

<mosaic_0001>
#map = affine_map<(d0, d1) -> (0, 0, 0)>
#map1 = affine_map<(d0, d1) -> (0, 0)>
module attributes {stable_mosaic.version = 14 : i64} {
  func.func @_deg_body(%arg0: i32, %arg1: i32, %arg2: memref<2x5120x64xi32, #tpu.memory_space<hbm>>, %arg3: memref<64x128xf32, #tpu.memory_space<hbm>>, %arg4: memref<632x128xf32, #tpu.memory_space<hbm>>, %arg5: memref<2x10112x128xf32, #tpu.memory_space<hbm>>, %arg6: memref<10112x128xf32, #tpu.memory_space<vmem_shared>>, %arg7: memref<40x64xi32, #tpu.memory_space<vmem>>, %arg8: memref<64x128xf32, #tpu.memory_space<vmem>>, %arg9: memref<!tpu.dma_semaphore, #tpu.memory_space<semaphore_mem>>) attributes {dimension_semantics = [#tpu.dimension_semantics<core_parallel>, #tpu.dimension_semantics<subcore_parallel>], iteration_bounds = array<i64: 2, 16>, scalar_prefetch = 0 : i64, scratch_operands = 4 : i64, tpu.core_type = #tpu.core_type<sc_vector_subcore>, window_params = [{transform_indices = #map}, {transform_indices = #map1}, {transform_indices = #map1}, {transform_indices = #map}]} {
    %mul3A = arith.constant 632 : i32
    %mul3A_0 = arith.muli %arg1, %mul3A : i32
    "tpu.region"() ({
      %run_scoped3A = tpu.sem_alloc : memref<!tpu.dma_semaphore, #tpu.memory_space<semaphore_mem>>
      %dma_start3A = arith.constant 0 : i32
      %dma_start3A_9 = tpu.memref_slice %arg6[%mul3A_0, %dma_start3A] : memref<10112x128xf32, #tpu.memory_space<vmem_shared>> -> memref<632x128xf32, #tpu.memory_space<vmem_shared>>
      tpu.enqueue_dma source(%arg4 : memref<632x128xf32, #tpu.memory_space<hbm>>) target(%dma_start3A_9 : memref<632x128xf32, #tpu.memory_space<vmem_shared>>) target_semaphore(%run_scoped3A : memref<!tpu.dma_semaphore, #tpu.memory_space<semaphore_mem>>)
      %dma_wait3A = arith.constant 0 : i32
      %dma_wait3A_10 = tpu.memref_slice %arg6[%mul3A_0, %dma_wait3A] : memref<10112x128xf32, #tpu.memory_space<vmem_shared>> -> memref<632x128xf32, #tpu.memory_space<vmem_shared>>
      tpu.wait_dma2 semaphore(%run_scoped3A : memref<!tpu.dma_semaphore, #tpu.memory_space<semaphore_mem>>) src(%arg4 : memref<632x128xf32, #tpu.memory_space<hbm>>) dst(%dma_wait3A_10 : memref<632x128xf32, #tpu.memory_space<vmem_shared>>)
      tpu.yield
    }) : () -> ()
    "tpu.region"() ({
      %run_scoped3A = tpu.sem_alloc : memref<!tpu.dma_semaphore, #tpu.memory_space<semaphore_mem>>
      tpu.enqueue_dma source(%arg3 : memref<64x128xf32, #tpu.memory_space<hbm>>) target(%arg8 : memref<64x128xf32, #tpu.memory_space<vmem>>) target_semaphore(%run_scoped3A : memref<!tpu.dma_semaphore, #tpu.memory_space<semaphore_mem>>)
      tpu.wait_dma2 semaphore(%run_scoped3A : memref<!tpu.dma_semaphore, #tpu.memory_space<semaphore_mem>>) src(%arg3 : memref<64x128xf32, #tpu.memory_space<hbm>>) dst(%arg8 : memref<64x128xf32, #tpu.memory_space<vmem>>)
      tpu.yield
    }) : () -> ()
    %barrier3A = arith.constant 0 : index
    tpu.barrier barrier_id(%barrier3A)
    %mul3A_1 = arith.constant 320 : i32
    %mul3A_2 = arith.muli %arg1, %mul3A_1 : i32
    %scan3A = arith.constant 0 : i32
    %scan3A_3 = arith.constant 0 : i32
    %scan3A_4 = arith.constant 8 : i32
    %scan3A_5 = arith.addi %scan3A_3, %scan3A_4 : i32
    %scan3A_6 = arith.constant 1 : i32
    scf.for %scan3A_9 = %scan3A_3 to %scan3A_5 step %scan3A_6  : i32 {
      %mul3A_10 = arith.constant 40 : i32
      %mul3A_11 = arith.muli %scan3A_9, %mul3A_10 : i32
      %add3A = arith.addi %mul3A_2, %mul3A_11 : i32
      "tpu.region"() ({
        %run_scoped3A = tpu.sem_alloc : memref<!tpu.dma_semaphore, #tpu.memory_space<semaphore_mem>>
        %dma_start3A = arith.constant 0 : i32
        %dma_start3A_24 = tpu.memref_slice %arg2[%arg0, %add3A, %dma_start3A] : memref<2x5120x64xi32, #tpu.memory_space<hbm>> -> memref<1x40x64xi32, #tpu.memory_space<hbm>>
        %dma_start3A_25 = tpu.memref_squeeze %dma_start3A_24 : memref<1x40x64xi32, #tpu.memory_space<hbm>> -> memref<40x64xi32, #tpu.memory_space<hbm>>
        %dma_start3A_26 = arith.constant 0 : i32
        %dma_start3A_27 = tpu.memref_slice %arg2[%arg0, %add3A, %dma_start3A_26] : memref<2x5120x64xi32, #tpu.memory_space<hbm>> -> memref<1x40x64xi32, #tpu.memory_space<hbm>>
        %dma_start3A_28 = tpu.memref_squeeze %dma_start3A_27 : memref<1x40x64xi32, #tpu.memory_space<hbm>> -> memref<40x64xi32, #tpu.memory_space<hbm>>
        tpu.enqueue_dma source(%dma_start3A_28 : memref<40x64xi32, #tpu.memory_space<hbm>>) target(%arg7 : memref<40x64xi32, #tpu.memory_space<vmem>>) target_semaphore(%run_scoped3A : memref<!tpu.dma_semaphore, #tpu.memory_space<semaphore_mem>>)
        %dma_wait3A = arith.constant 0 : i32
        %dma_wait3A_29 = tpu.memref_slice %arg2[%arg0, %add3A, %dma_wait3A] : memref<2x5120x64xi32, #tpu.memory_space<hbm>> -> memref<1x40x64xi32, #tpu.memory_space<hbm>>
        %dma_wait3A_30 = tpu.memref_squeeze %dma_wait3A_29 : memref<1x40x64xi32, #tpu.memory_space<hbm>> -> memref<40x64xi32, #tpu.memory_space<hbm>>
        %dma_wait3A_31 = arith.constant 0 : i32
        %dma_wait3A_32 = tpu.memref_slice %arg2[%arg0, %add3A, %dma_wait3A_31] : memref<2x5120x64xi32, #tpu.memory_space<hbm>> -> memref<1x40x64xi32, #tpu.memory_space<hbm>>
        %dma_wait3A_33 = tpu.memref_squeeze %dma_wait3A_32 : memref<1x40x64xi32, #tpu.memory_space<hbm>> -> memref<40x64xi32, #tpu.memory_space<hbm>>
        tpu.wait_dma2 semaphore(%run_scoped3A : memref<!tpu.dma_semaphore, #tpu.memory_space<semaphore_mem>>) src(%dma_wait3A_33 : memref<40x64xi32, #tpu.memory_space<hbm>>) dst(%arg7 : memref<40x64xi32, #tpu.memory_space<vmem>>)
        tpu.yield
      }) : () -> ()
      %scan3A_12 = arith.constant 0 : i32
      %scan3A_13 = arith.constant 0 : i32
      %scan3A_14 = arith.constant 40 : i32
      %scan3A_15 = arith.addi %scan3A_13, %scan3A_14 : i32
      %scan3A_16 = arith.constant 1 : i32
      scf.for %scan3A_24 = %scan3A_13 to %scan3A_15 step %scan3A_16  : i32 {
        %dma_start3A = arith.constant 0 : i32
        %dma_start3A_25 = tpu.memref_slice %arg7[%scan3A_24, %dma_start3A] : memref<40x64xi32, #tpu.memory_space<vmem>> -> memref<1x64xi32, #tpu.memory_space<vmem>>
        %dma_start3A_26 = tpu.memref_squeeze %dma_start3A_25 : memref<1x64xi32, #tpu.memory_space<vmem>> -> memref<64xi32, #tpu.memory_space<vmem>>
        %dma_start3A_27 = arith.constant 0 : i32
        %dma_start3A_28 = arith.constant 0 : i32
        %dma_start3A_29 = tpu.memref_slice %arg6[%dma_start3A_27, %dma_start3A_28] : memref<10112x128xf32, #tpu.memory_space<vmem_shared>> -> memref<10112x128xf32, #tpu.memory_space<vmem_shared>>
        tpu.enqueue_indirect_dma source(%arg8 : memref<64x128xf32, #tpu.memory_space<vmem>>) target(%dma_start3A_29 : memref<10112x128xf32, #tpu.memory_space<vmem_shared>>) offsets(%dma_start3A_26 : memref<64xi32, #tpu.memory_space<vmem>>) semaphore(%arg9 : memref<!tpu.dma_semaphore, #tpu.memory_space<semaphore_mem>>) {add = true}
        %ge3A = arith.constant 8 : i32
        %ge3A_30 = arith.cmpi sge, %scan3A_24, %ge3A : i32
        %convert_element_type3A = arith.extui %ge3A_30 : i1 to i32
        %cond3A = arith.constant 0 : i32
        %cond3A_31 = arith.cmpi ne, %convert_element_type3A, %cond3A : i32
        scf.if %cond3A_31 {
          %dma_wait3A = arith.constant 0 : i32
          %dma_wait3A_32 = arith.constant 0 : i32
          %dma_wait3A_33 = tpu.memref_slice %arg6[%dma_wait3A, %dma_wait3A_32] : memref<10112x128xf32, #tpu.memory_space<vmem_shared>> -> memref<64x128xf32, #tpu.memory_space<vmem_shared>>
          %dma_wait3A_34 = arith.constant 0 : i32
          %dma_wait3A_35 = arith.constant 0 : i32
          %dma_wait3A_36 = tpu.memref_slice %arg6[%dma_wait3A_34, %dma_wait3A_35] : memref<10112x128xf32, #tpu.memory_space<vmem_shared>> -> memref<64x128xf32, #tpu.memory_space<vmem_shared>>
          tpu.wait_dma2 semaphore(%arg9 : memref<!tpu.dma_semaphore, #tpu.memory_space<semaphore_mem>>) src(%arg8 : memref<64x128xf32, #tpu.memory_space<vmem>>) dst(%dma_wait3A_36 : memref<64x128xf32, #tpu.memory_space<vmem_shared>>)
        } else {
        }
      }
      %scan3A_17 = arith.constant 40 : i32
      %scan3A_18 = arith.constant 0 : i32
      %scan3A_19 = arith.constant 0 : i32
      %scan3A_20 = arith.constant 8 : i32
      %scan3A_21 = arith.addi %scan3A_19, %scan3A_20 : i32
      %scan3A_22 = arith.constant 1 : i32
      scf.for %scan3A_24 = %scan3A_19 to %scan3A_21 step %scan3A_22  : i32 {
        %dma_wait3A = arith.constant 0 : i32
        %dma_wait3A_25 = arith.constant 0 : i32
        %dma_wait3A_26 = tpu.memref_slice %arg6[%dma_wait3A, %dma_wait3A_25] : memref<10112x128xf32, #tpu.memory_space<vmem_shared>> -> memref<64x128xf32, #tpu.memory_space<vmem_shared>>
        %dma_wait3A_27 = arith.constant 0 : i32
        %dma_wait3A_28 = arith.constant 0 : i32
        %dma_wait3A_29 = tpu.memref_slice %arg6[%dma_wait3A_27, %dma_wait3A_28] : memref<10112x128xf32, #tpu.memory_space<vmem_shared>> -> memref<64x128xf32, #tpu.memory_space<vmem_shared>>
        tpu.wait_dma2 semaphore(%arg9 : memref<!tpu.dma_semaphore, #tpu.memory_space<semaphore_mem>>) src(%arg8 : memref<64x128xf32, #tpu.memory_space<vmem>>) dst(%dma_wait3A_29 : memref<64x128xf32, #tpu.memory_space<vmem_shared>>)
      }
      %scan3A_23 = arith.constant 8 : i32
    }
    %scan3A_7 = arith.constant 8 : i32
    %barrier3A_8 = arith.constant 0 : index
    tpu.barrier barrier_id(%barrier3A_8)
    "tpu.region"() ({
      %run_scoped3A = tpu.sem_alloc : memref<!tpu.dma_semaphore, #tpu.memory_space<semaphore_mem>>
      %dma_start3A = arith.constant 0 : i32
      %dma_start3A_9 = tpu.memref_slice %arg5[%arg0, %mul3A_0, %dma_start3A] : memref<2x10112x128xf32, #tpu.memory_space<hbm>> -> memref<1x632x128xf32, #tpu.memory_space<hbm>>
      %dma_start3A_10 = tpu.memref_squeeze %dma_start3A_9 : memref<1x632x128xf32, #tpu.memory_space<hbm>> -> memref<632x128xf32, #tpu.memory_space<hbm>>
      %dma_start3A_11 = arith.constant 0 : i32
      %dma_start3A_12 = tpu.memref_slice %arg6[%mul3A_0, %dma_start3A_11] : memref<10112x128xf32, #tpu.memory_space<vmem_shared>> -> memref<632x128xf32, #tpu.memory_space<vmem_shared>>
      tpu.enqueue_dma source(%dma_start3A_12 : memref<632x128xf32, #tpu.memory_space<vmem_shared>>) target(%dma_start3A_10 : memref<632x128xf32, #tpu.memory_space<hbm>>) target_semaphore(%run_scoped3A : memref<!tpu.dma_semaphore, #tpu.memory_space<semaphore_mem>>)
      %dma_wait3A = arith.constant 0 : i32
      %dma_wait3A_13 = tpu.memref_slice %arg5[%arg0, %mul3A_0, %dma_wait3A] : memref<2x10112x128xf32, #tpu.memory_space<hbm>> -> memref<1x632x128xf32, #tpu.memory_space<hbm>>
      %dma_wait3A_14 = tpu.memref_squeeze %dma_wait3A_13 : memref<1x632x128xf32, #tpu.memory_space<hbm>> -> memref<632x128xf32, #tpu.memory_space<hbm>>
      %dma_wait3A_15 = arith.constant 0 : i32
      %dma_wait3A_16 = tpu.memref_slice %arg6[%mul3A_0, %dma_wait3A_15] : memref<10112x128xf32, #tpu.memory_space<vmem_shared>> -> memref<632x128xf32, #tpu.memory_space<vmem_shared>>
      tpu.wait_dma2 semaphore(%run_scoped3A : memref<!tpu.dma_semaphore, #tpu.memory_space<semaphore_mem>>) src(%dma_wait3A_16 : memref<632x128xf32, #tpu.memory_space<vmem_shared>>) dst(%dma_wait3A_14 : memref<632x128xf32, #tpu.memory_space<hbm>>)
      tpu.yield
    }) : () -> ()
    return
  }
}

#map = affine_map<(d0, d1) -> (0, 0)>
#map1 = affine_map<(d0, d1) -> (0, 0, 0)>
module attributes {stable_mosaic.version = 14 : i64} {
  func.func @_agg_body(%arg0: i32, %arg1: i32, %arg2: memref<10000x128xf32, #tpu.memory_space<hbm>>, %arg3: memref<2x5120x64xi32, #tpu.memory_space<hbm>>, %arg4: memref<2x5120x64xi32, #tpu.memory_space<hbm>>, %arg5: memref<632x128xf32, #tpu.memory_space<hbm>>, %arg6: memref<2x10112x128xf32, #tpu.memory_space<hbm>>, %arg7: memref<10112x128xf32, #tpu.memory_space<vmem_shared>>, %arg8: memref<40x64xi32, #tpu.memory_space<vmem>>, %arg9: memref<40x64xi32, #tpu.memory_space<vmem>>, %arg10: memref<4x64x128xf32, #tpu.memory_space<vmem>>, %arg11: memref<!tpu.dma_semaphore, #tpu.memory_space<semaphore_mem>>, %arg12: memref<!tpu.dma_semaphore, #tpu.memory_space<semaphore_mem>>, %arg13: memref<!tpu.dma_semaphore, #tpu.memory_space<semaphore_mem>>, %arg14: memref<!tpu.dma_semaphore, #tpu.memory_space<semaphore_mem>>) attributes {dimension_semantics = [#tpu.dimension_semantics<core_parallel>, #tpu.dimension_semantics<subcore_parallel>], iteration_bounds = array<i64: 2, 16>, scalar_prefetch = 0 : i64, scratch_operands = 8 : i64, tpu.core_type = #tpu.core_type<sc_vector_subcore>, window_params = [{transform_indices = #map}, {transform_indices = #map1}, {transform_indices = #map1}, {transform_indices = #map}, {transform_indices = #map1}]} {
    %mul3A = arith.constant 632 : i32
    %mul3A_0 = arith.muli %arg1, %mul3A : i32
    "tpu.region"() ({
      %run_scoped3A = tpu.sem_alloc : memref<!tpu.dma_semaphore, #tpu.memory_space<semaphore_mem>>
      %dma_start3A = arith.constant 0 : i32
      %dma_start3A_9 = tpu.memref_slice %arg7[%mul3A_0, %dma_start3A] : memref<10112x128xf32, #tpu.memory_space<vmem_shared>> -> memref<632x128xf32, #tpu.memory_space<vmem_shared>>
      tpu.enqueue_dma source(%arg5 : memref<632x128xf32, #tpu.memory_space<hbm>>) target(%dma_start3A_9 : memref<632x128xf32, #tpu.memory_space<vmem_shared>>) target_semaphore(%run_scoped3A : memref<!tpu.dma_semaphore, #tpu.memory_space<semaphore_mem>>)
      %dma_wait3A = arith.constant 0 : i32
      %dma_wait3A_10 = tpu.memref_slice %arg7[%mul3A_0, %dma_wait3A] : memref<10112x128xf32, #tpu.memory_space<vmem_shared>> -> memref<632x128xf32, #tpu.memory_space<vmem_shared>>
      tpu.wait_dma2 semaphore(%run_scoped3A : memref<!tpu.dma_semaphore, #tpu.memory_space<semaphore_mem>>) src(%arg5 : memref<632x128xf32, #tpu.memory_space<hbm>>) dst(%dma_wait3A_10 : memref<632x128xf32, #tpu.memory_space<vmem_shared>>)
      tpu.yield
    }) : () -> ()
    %barrier3A = arith.constant 0 : index
    tpu.barrier barrier_id(%barrier3A)
    %mul3A_1 = arith.constant 320 : i32
    %mul3A_2 = arith.muli %arg1, %mul3A_1 : i32
    %scan3A = arith.constant 0 : i32
    %scan3A_3 = arith.constant 0 : i32
    %scan3A_4 = arith.constant 8 : i32
    %scan3A_5 = arith.addi %scan3A_3, %scan3A_4 : i32
    %scan3A_6 = arith.constant 1 : i32
    scf.for %scan3A_9 = %scan3A_3 to %scan3A_5 step %scan3A_6  : i32 {
      %mul3A_10 = arith.constant 40 : i32
      %mul3A_11 = arith.muli %scan3A_9, %mul3A_10 : i32
      %add3A = arith.addi %mul3A_2, %mul3A_11 : i32
      "tpu.region"() ({
        %run_scoped3A = tpu.sem_alloc : memref<!tpu.dma_semaphore, #tpu.memory_space<semaphore_mem>>
        %dma_start3A_70 = arith.constant 0 : i32
        %dma_start3A_71 = tpu.memref_slice %arg3[%arg0, %add3A, %dma_start3A_70] : memref<2x5120x64xi32, #tpu.memory_space<hbm>> -> memref<1x40x64xi32, #tpu.memory_space<hbm>>
        %dma_start3A_72 = tpu.memref_squeeze %dma_start3A_71 : memref<1x40x64xi32, #tpu.memory_space<hbm>> -> memref<40x64xi32, #tpu.memory_space<hbm>>
        %dma_start3A_73 = arith.constant 0 : i32
        %dma_start3A_74 = tpu.memref_slice %arg3[%arg0, %add3A, %dma_start3A_73] : memref<2x5120x64xi32, #tpu.memory_space<hbm>> -> memref<1x40x64xi32, #tpu.memory_space<hbm>>
        %dma_start3A_75 = tpu.memref_squeeze %dma_start3A_74 : memref<1x40x64xi32, #tpu.memory_space<hbm>> -> memref<40x64xi32, #tpu.memory_space<hbm>>
        tpu.enqueue_dma source(%dma_start3A_75 : memref<40x64xi32, #tpu.memory_space<hbm>>) target(%arg8 : memref<40x64xi32, #tpu.memory_space<vmem>>) target_semaphore(%run_scoped3A : memref<!tpu.dma_semaphore, #tpu.memory_space<semaphore_mem>>)
        %dma_wait3A_76 = arith.constant 0 : i32
        %dma_wait3A_77 = tpu.memref_slice %arg3[%arg0, %add3A, %dma_wait3A_76] : memref<2x5120x64xi32, #tpu.memory_space<hbm>> -> memref<1x40x64xi32, #tpu.memory_space<hbm>>
        %dma_wait3A_78 = tpu.memref_squeeze %dma_wait3A_77 : memref<1x40x64xi32, #tpu.memory_space<hbm>> -> memref<40x64xi32, #tpu.memory_space<hbm>>
        %dma_wait3A_79 = arith.constant 0 : i32
        %dma_wait3A_80 = tpu.memref_slice %arg3[%arg0, %add3A, %dma_wait3A_79] : memref<2x5120x64xi32, #tpu.memory_space<hbm>> -> memref<1x40x64xi32, #tpu.memory_space<hbm>>
        %dma_wait3A_81 = tpu.memref_squeeze %dma_wait3A_80 : memref<1x40x64xi32, #tpu.memory_space<hbm>> -> memref<40x64xi32, #tpu.memory_space<hbm>>
        tpu.wait_dma2 semaphore(%run_scoped3A : memref<!tpu.dma_semaphore, #tpu.memory_space<semaphore_mem>>) src(%dma_wait3A_81 : memref<40x64xi32, #tpu.memory_space<hbm>>) dst(%arg8 : memref<40x64xi32, #tpu.memory_space<vmem>>)
        tpu.yield
      }) : () -> ()
      "tpu.region"() ({
        %run_scoped3A = tpu.sem_alloc : memref<!tpu.dma_semaphore, #tpu.memory_space<semaphore_mem>>
        %dma_start3A_70 = arith.constant 0 : i32
        %dma_start3A_71 = tpu.memref_slice %arg4[%arg0, %add3A, %dma_start3A_70] : memref<2x5120x64xi32, #tpu.memory_space<hbm>> -> memref<1x40x64xi32, #tpu.memory_space<hbm>>
        %dma_start3A_72 = tpu.memref_squeeze %dma_start3A_71 : memref<1x40x64xi32, #tpu.memory_space<hbm>> -> memref<40x64xi32, #tpu.memory_space<hbm>>
        %dma_start3A_73 = arith.constant 0 : i32
        %dma_start3A_74 = tpu.memref_slice %arg4[%arg0, %add3A, %dma_start3A_73] : memref<2x5120x64xi32, #tpu.memory_space<hbm>> -> memref<1x40x64xi32, #tpu.memory_space<hbm>>
        %dma_start3A_75 = tpu.memref_squeeze %dma_start3A_74 : memref<1x40x64xi32, #tpu.memory_space<hbm>> -> memref<40x64xi32, #tpu.memory_space<hbm>>
        tpu.enqueue_dma source(%dma_start3A_75 : memref<40x64xi32, #tpu.memory_space<hbm>>) target(%arg9 : memref<40x64xi32, #tpu.memory_space<vmem>>) target_semaphore(%run_scoped3A : memref<!tpu.dma_semaphore, #tpu.memory_space<semaphore_mem>>)
        %dma_wait3A_76 = arith.constant 0 : i32
        %dma_wait3A_77 = tpu.memref_slice %arg4[%arg0, %add3A, %dma_wait3A_76] : memref<2x5120x64xi32, #tpu.memory_space<hbm>> -> memref<1x40x64xi32, #tpu.memory_space<hbm>>
        %dma_wait3A_78 = tpu.memref_squeeze %dma_wait3A_77 : memref<1x40x64xi32, #tpu.memory_space<hbm>> -> memref<40x64xi32, #tpu.memory_space<hbm>>
        %dma_wait3A_79 = arith.constant 0 : i32
        %dma_wait3A_80 = tpu.memref_slice %arg4[%arg0, %add3A, %dma_wait3A_79] : memref<2x5120x64xi32, #tpu.memory_space<hbm>> -> memref<1x40x64xi32, #tpu.memory_space<hbm>>
        %dma_wait3A_81 = tpu.memref_squeeze %dma_wait3A_80 : memref<1x40x64xi32, #tpu.memory_space<hbm>> -> memref<40x64xi32, #tpu.memory_space<hbm>>
        tpu.wait_dma2 semaphore(%run_scoped3A : memref<!tpu.dma_semaphore, #tpu.memory_space<semaphore_mem>>) src(%dma_wait3A_81 : memref<40x64xi32, #tpu.memory_space<hbm>>) dst(%arg9 : memref<40x64xi32, #tpu.memory_space<vmem>>)
        tpu.yield
      }) : () -> ()
      %dma_start3A = arith.constant 0 : i32
      %dma_start3A_12 = arith.constant 0 : i32
      %dma_start3A_13 = arith.constant 0 : i32
      %dma_start3A_14 = arith.constant 0 : i32
      %dma_start3A_15 = tpu.memref_slice %arg10[%dma_start3A_12, %dma_start3A_13, %dma_start3A_14] : memref<4x64x128xf32, #tpu.memory_space<vmem>> -> memref<1x64x128xf32, #tpu.memory_space<vmem>>
      %dma_start3A_16 = tpu.memref_squeeze %dma_start3A_15 : memref<1x64x128xf32, #tpu.memory_space<vmem>> -> memref<64x128xf32, #tpu.memory_space<vmem>>
      %dma_start3A_17 = arith.constant 0 : i32
      %dma_start3A_18 = tpu.memref_slice %arg8[%dma_start3A, %dma_start3A_17] : memref<40x64xi32, #tpu.memory_space<vmem>> -> memref<1x64xi32, #tpu.memory_space<vmem>>
      %dma_start3A_19 = tpu.memref_squeeze %dma_start3A_18 : memref<1x64xi32, #tpu.memory_space<vmem>> -> memref<64xi32, #tpu.memory_space<vmem>>
      %dma_start3A_20 = arith.constant 0 : i32
      %dma_start3A_21 = arith.constant 0 : i32
      %dma_start3A_22 = tpu.memref_slice %arg2[%dma_start3A_20, %dma_start3A_21] : memref<10000x128xf32, #tpu.memory_space<hbm>> -> memref<10000x128xf32, #tpu.memory_space<hbm>>
      tpu.enqueue_indirect_dma source(%dma_start3A_22 : memref<10000x128xf32, #tpu.memory_space<hbm>>) target(%dma_start3A_16 : memref<64x128xf32, #tpu.memory_space<vmem>>) offsets(%dma_start3A_19 : memref<64xi32, #tpu.memory_space<vmem>>) semaphore(%arg11 : memref<!tpu.dma_semaphore, #tpu.memory_space<semaphore_mem>>)
      %dma_start3A_23 = arith.constant 1 : i32
      %dma_start3A_24 = arith.constant 2 : i32
      %dma_start3A_25 = arith.constant 0 : i32
      %dma_start3A_26 = arith.constant 0 : i32
      %dma_start3A_27 = tpu.memref_slice %arg10[%dma_start3A_24, %dma_start3A_25, %dma_start3A_26] : memref<4x64x128xf32, #tpu.memory_space<vmem>> -> memref<1x64x128xf32, #tpu.memory_space<vmem>>
      %dma_start3A_28 = tpu.memref_squeeze %dma_start3A_27 : memref<1x64x128xf32, #tpu.memory_space<vmem>> -> memref<64x128xf32, #tpu.memory_space<vmem>>
      %dma_start3A_29 = arith.constant 0 : i32
      %dma_start3A_30 = tpu.memref_slice %arg8[%dma_start3A_23, %dma_start3A_29] : memref<40x64xi32, #tpu.memory_space<vmem>> -> memref<1x64xi32, #tpu.memory_space<vmem>>
      %dma_start3A_31 = tpu.memref_squeeze %dma_start3A_30 : memref<1x64xi32, #tpu.memory_space<vmem>> -> memref<64xi32, #tpu.memory_space<vmem>>
      %dma_start3A_32 = arith.constant 0 : i32
      %dma_start3A_33 = arith.constant 0 : i32
      %dma_start3A_34 = tpu.memref_slice %arg2[%dma_start3A_32, %dma_start3A_33] : memref<10000x128xf32, #tpu.memory_space<hbm>> -> memref<10000x128xf32, #tpu.memory_space<hbm>>
      tpu.enqueue_indirect_dma source(%dma_start3A_34 : memref<10000x128xf32, #tpu.memory_space<hbm>>) target(%dma_start3A_28 : memref<64x128xf32, #tpu.memory_space<vmem>>) offsets(%dma_start3A_31 : memref<64xi32, #tpu.memory_space<vmem>>) semaphore(%arg13 : memref<!tpu.dma_semaphore, #tpu.memory_space<semaphore_mem>>)
      %scan3A_35 = arith.constant 0 : i32
      %scan3A_36 = arith.constant 0 : i32
      %scan3A_37 = arith.constant 20 : i32
      %scan3A_38 = arith.addi %scan3A_36, %scan3A_37 : i32
      %scan3A_39 = arith.constant 1 : i32
      scf.for %scan3A_70 = %scan3A_36 to %scan3A_38 step %scan3A_39  : i32 {
        %rem3A = arith.constant 2 : i32
        %rem3A_71 = arith.remsi %scan3A_70, %rem3A : i32
        %dma_wait3A_72 = arith.constant 0 : i32
        %dma_wait3A_73 = arith.constant 0 : i32
        %dma_wait3A_74 = arith.constant 0 : i32
        %dma_wait3A_75 = tpu.memref_slice %arg10[%dma_wait3A_72, %dma_wait3A_73, %dma_wait3A_74] : memref<4x64x128xf32, #tpu.memory_space<vmem>> -> memref<1x64x128xf32, #tpu.memory_space<vmem>>
        %dma_wait3A_76 = tpu.memref_squeeze %dma_wait3A_75 : memref<1x64x128xf32, #tpu.memory_space<vmem>> -> memref<64x128xf32, #tpu.memory_space<vmem>>
        %dma_wait3A_77 = arith.constant 0 : i32
        %dma_wait3A_78 = arith.constant 0 : i32
        %dma_wait3A_79 = tpu.memref_slice %arg2[%dma_wait3A_77, %dma_wait3A_78] : memref<10000x128xf32, #tpu.memory_space<hbm>> -> memref<64x128xf32, #tpu.memory_space<hbm>>
        %dma_wait3A_80 = arith.constant 0 : i32
        %dma_wait3A_81 = arith.constant 0 : i32
        %dma_wait3A_82 = tpu.memref_slice %arg10[%dma_wait3A_72, %dma_wait3A_80, %dma_wait3A_81] : memref<4x64x128xf32, #tpu.memory_space<vmem>> -> memref<1x64x128xf32, #tpu.memory_space<vmem>>
        %dma_wait3A_83 = tpu.memref_squeeze %dma_wait3A_82 : memref<1x64x128xf32, #tpu.memory_space<vmem>> -> memref<64x128xf32, #tpu.memory_space<vmem>>
        %dma_wait3A_84 = arith.constant 0 : i32
        %dma_wait3A_85 = arith.constant 0 : i32
        %dma_wait3A_86 = tpu.memref_slice %arg2[%dma_wait3A_84, %dma_wait3A_85] : memref<10000x128xf32, #tpu.memory_space<hbm>> -> memref<64x128xf32, #tpu.memory_space<hbm>>
        tpu.wait_dma2 semaphore(%arg11 : memref<!tpu.dma_semaphore, #tpu.memory_space<semaphore_mem>>) src(%dma_wait3A_86 : memref<64x128xf32, #tpu.memory_space<hbm>>) dst(%dma_wait3A_83 : memref<64x128xf32, #tpu.memory_space<vmem>>)
        %gt3A = arith.constant 0 : i32
        %gt3A_87 = arith.cmpi sgt, %scan3A_70, %gt3A : i32
        %convert_element_type3A = arith.extui %gt3A_87 : i1 to i32
        %cond3A = arith.constant 0 : i32
        %cond3A_88 = arith.cmpi ne, %convert_element_type3A, %cond3A : i32
        scf.if %cond3A_88 {
          %dma_wait3A_154 = arith.constant 0 : i32
          %dma_wait3A_155 = arith.constant 0 : i32
          %dma_wait3A_156 = arith.constant 0 : i32
          %dma_wait3A_157 = tpu.memref_slice %arg10[%dma_wait3A_154, %dma_wait3A_155, %dma_wait3A_156] : memref<4x64x128xf32, #tpu.memory_space<vmem>> -> memref<1x64x128xf32, #tpu.memory_space<vmem>>
          %dma_wait3A_158 = tpu.memref_squeeze %dma_wait3A_157 : memref<1x64x128xf32, #tpu.memory_space<vmem>> -> memref<64x128xf32, #tpu.memory_space<vmem>>
          %dma_wait3A_159 = arith.constant 0 : i32
          %dma_wait3A_160 = arith.constant 0 : i32
          %dma_wait3A_161 = tpu.memref_slice %arg2[%dma_wait3A_159, %dma_wait3A_160] : memref<10000x128xf32, #tpu.memory_space<hbm>> -> memref<64x128xf32, #tpu.memory_space<hbm>>
          %dma_wait3A_162 = arith.constant 0 : i32
          %dma_wait3A_163 = arith.constant 0 : i32
          %dma_wait3A_164 = tpu.memref_slice %arg10[%dma_wait3A_154, %dma_wait3A_162, %dma_wait3A_163] : memref<4x64x128xf32, #tpu.memory_space<vmem>> -> memref<1x64x128xf32, #tpu.memory_space<vmem>>
          %dma_wait3A_165 = tpu.memref_squeeze %dma_wait3A_164 : memref<1x64x128xf32, #tpu.memory_space<vmem>> -> memref<64x128xf32, #tpu.memory_space<vmem>>
          %dma_wait3A_166 = arith.constant 0 : i32
          %dma_wait3A_167 = arith.constant 0 : i32
          %dma_wait3A_168 = tpu.memref_slice %arg2[%dma_wait3A_166, %dma_wait3A_167] : memref<10000x128xf32, #tpu.memory_space<hbm>> -> memref<64x128xf32, #tpu.memory_space<hbm>>
          tpu.wait_dma2 semaphore(%arg12 : memref<!tpu.dma_semaphore, #tpu.memory_space<semaphore_mem>>) src(%dma_wait3A_168 : memref<64x128xf32, #tpu.memory_space<hbm>>) dst(%dma_wait3A_165 : memref<64x128xf32, #tpu.memory_space<vmem>>)
        } else {
        }
        %add3A_89 = arith.constant 1 : i32
        %add3A_90 = arith.addi %scan3A_70, %add3A_89 : i32
        %lt3A = arith.constant 20 : i32
        %lt3A_91 = arith.cmpi slt, %add3A_90, %lt3A : i32
        %convert_element_type3A_92 = arith.extui %lt3A_91 : i1 to i32
        %cond3A_93 = arith.constant 0 : i32
        %cond3A_94 = arith.cmpi ne, %convert_element_type3A_92, %cond3A_93 : i32
        scf.if %cond3A_94 {
          %add3A_154 = arith.constant 1 : i32
          %add3A_155 = arith.addi %scan3A_70, %add3A_154 : i32
          %mul3A_156 = arith.constant 2 : i32
          %mul3A_157 = arith.muli %mul3A_156, %add3A_155 : i32
          %add3A_158 = arith.constant 0 : i32
          %add3A_159 = arith.addi %mul3A_157, %add3A_158 : i32
          %sub3A = arith.constant 1 : i32
          %sub3A_160 = arith.subi %sub3A, %rem3A_71 : i32
          %add3A_161 = arith.constant 0 : i32
          %add3A_162 = arith.addi %add3A_161, %sub3A_160 : i32
          %dma_start3A_163 = arith.constant 0 : i32
          %dma_start3A_164 = arith.constant 0 : i32
          %dma_start3A_165 = tpu.memref_slice %arg10[%add3A_162, %dma_start3A_163, %dma_start3A_164] : memref<4x64x128xf32, #tpu.memory_space<vmem>> -> memref<1x64x128xf32, #tpu.memory_space<vmem>>
          %dma_start3A_166 = tpu.memref_squeeze %dma_start3A_165 : memref<1x64x128xf32, #tpu.memory_space<vmem>> -> memref<64x128xf32, #tpu.memory_space<vmem>>
          %dma_start3A_167 = arith.constant 0 : i32
          %dma_start3A_168 = tpu.memref_slice %arg8[%add3A_159, %dma_start3A_167] : memref<40x64xi32, #tpu.memory_space<vmem>> -> memref<1x64xi32, #tpu.memory_space<vmem>>
          %dma_start3A_169 = tpu.memref_squeeze %dma_start3A_168 : memref<1x64xi32, #tpu.memory_space<vmem>> -> memref<64xi32, #tpu.memory_space<vmem>>
          %dma_start3A_170 = arith.constant 0 : i32
          %dma_start3A_171 = arith.constant 0 : i32
          %dma_start3A_172 = tpu.memref_slice %arg2[%dma_start3A_170, %dma_start3A_171] : memref<10000x128xf32, #tpu.memory_space<hbm>> -> memref<10000x128xf32, #tpu.memory_space<hbm>>
          tpu.enqueue_indirect_dma source(%dma_start3A_172 : memref<10000x128xf32, #tpu.memory_space<hbm>>) target(%dma_start3A_166 : memref<64x128xf32, #tpu.memory_space<vmem>>) offsets(%dma_start3A_169 : memref<64xi32, #tpu.memory_space<vmem>>) semaphore(%arg11 : memref<!tpu.dma_semaphore, #tpu.memory_space<semaphore_mem>>)
        } else {
        }
        %mul3A_95 = arith.constant 2 : i32
        %mul3A_96 = arith.muli %mul3A_95, %scan3A_70 : i32
        %add3A_97 = arith.constant 0 : i32
        %add3A_98 = arith.addi %mul3A_96, %add3A_97 : i32
        %add3A_99 = arith.constant 0 : i32
        %add3A_100 = arith.addi %add3A_99, %rem3A_71 : i32
        %dma_start3A_101 = arith.constant 0 : i32
        %dma_start3A_102 = arith.constant 0 : i32
        %dma_start3A_103 = tpu.memref_slice %arg10[%add3A_100, %dma_start3A_101, %dma_start3A_102] : memref<4x64x128xf32, #tpu.memory_space<vmem>> -> memref<1x64x128xf32, #tpu.memory_space<vmem>>
        %dma_start3A_104 = tpu.memref_squeeze %dma_start3A_103 : memref<1x64x128xf32, #tpu.memory_space<vmem>> -> memref<64x128xf32, #tpu.memory_space<vmem>>
        %dma_start3A_105 = arith.constant 0 : i32
        %dma_start3A_106 = tpu.memref_slice %arg9[%add3A_98, %dma_start3A_105] : memref<40x64xi32, #tpu.memory_space<vmem>> -> memref<1x64xi32, #tpu.memory_space<vmem>>
        %dma_start3A_107 = tpu.memref_squeeze %dma_start3A_106 : memref<1x64xi32, #tpu.memory_space<vmem>> -> memref<64xi32, #tpu.memory_space<vmem>>
        %dma_start3A_108 = arith.constant 0 : i32
        %dma_start3A_109 = arith.constant 0 : i32
        %dma_start3A_110 = tpu.memref_slice %arg7[%dma_start3A_108, %dma_start3A_109] : memref<10112x128xf32, #tpu.memory_space<vmem_shared>> -> memref<10112x128xf32, #tpu.memory_space<vmem_shared>>
        tpu.enqueue_indirect_dma source(%dma_start3A_104 : memref<64x128xf32, #tpu.memory_space<vmem>>) target(%dma_start3A_110 : memref<10112x128xf32, #tpu.memory_space<vmem_shared>>) offsets(%dma_start3A_107 : memref<64xi32, #tpu.memory_space<vmem>>) semaphore(%arg12 : memref<!tpu.dma_semaphore, #tpu.memory_space<semaphore_mem>>) {add = true}
        %dma_wait3A_111 = arith.constant 0 : i32
        %dma_wait3A_112 = arith.constant 0 : i32
        %dma_wait3A_113 = arith.constant 0 : i32
        %dma_wait3A_114 = tpu.memref_slice %arg10[%dma_wait3A_111, %dma_wait3A_112, %dma_wait3A_113] : memref<4x64x128xf32, #tpu.memory_space<vmem>> -> memref<1x64x128xf32, #tpu.memory_space<vmem>>
        %dma_wait3A_115 = tpu.memref_squeeze %dma_wait3A_114 : memref<1x64x128xf32, #tpu.memory_space<vmem>> -> memref<64x128xf32, #tpu.memory_space<vmem>>
        %dma_wait3A_116 = arith.constant 0 : i32
        %dma_wait3A_117 = arith.constant 0 : i32
        %dma_wait3A_118 = tpu.memref_slice %arg2[%dma_wait3A_116, %dma_wait3A_117] : memref<10000x128xf32, #tpu.memory_space<hbm>> -> memref<64x128xf32, #tpu.memory_space<hbm>>
        %dma_wait3A_119 = arith.constant 0 : i32
        %dma_wait3A_120 = arith.constant 0 : i32
        %dma_wait3A_121 = tpu.memref_slice %arg10[%dma_wait3A_111, %dma_wait3A_119, %dma_wait3A_120] : memref<4x64x128xf32, #tpu.memory_space<vmem>> -> memref<1x64x128xf32, #tpu.memory_space<vmem>>
        %dma_wait3A_122 = tpu.memref_squeeze %dma_wait3A_121 : memref<1x64x128xf32, #tpu.memory_space<vmem>> -> memref<64x128xf32, #tpu.memory_space<vmem>>
        %dma_wait3A_123 = arith.constant 0 : i32
        %dma_wait3A_124 = arith.constant 0 : i32
        %dma_wait3A_125 = tpu.memref_slice %arg2[%dma_wait3A_123, %dma_wait3A_124] : memref<10000x128xf32, #tpu.memory_space<hbm>> -> memref<64x128xf32, #tpu.memory_space<hbm>>
        tpu.wait_dma2 semaphore(%arg13 : memref<!tpu.dma_semaphore, #tpu.memory_space<semaphore_mem>>) src(%dma_wait3A_125 : memref<64x128xf32, #tpu.memory_space<hbm>>) dst(%dma_wait3A_122 : memref<64x128xf32, #tpu.memory_space<vmem>>)
        %gt3A_126 = arith.constant 0 : i32
        %gt3A_127 = arith.cmpi sgt, %scan3A_70, %gt3A_126 : i32
        %convert_element_type3A_128 = arith.extui %gt3A_127 : i1 to i32
        %cond3A_129 = arith.constant 0 : i32
        %cond3A_130 = arith.cmpi ne, %convert_element_type3A_128, %cond3A_129 : i32
        scf.if %cond3A_130 {
          %dma_wait3A_154 = arith.constant 0 : i32
          %dma_wait3A_155 = arith.constant 0 : i32
          %dma_wait3A_156 = arith.constant 0 : i32
          %dma_wait3A_157 = tpu.memref_slice %arg10[%dma_wait3A_154, %dma_wait3A_155, %dma_wait3A_156] : memref<4x64x128xf32, #tpu.memory_space<vmem>> -> memref<1x64x128xf32, #tpu.memory_space<vmem>>
          %dma_wait3A_158 = tpu.memref_squeeze %dma_wait3A_157 : memref<1x64x128xf32, #tpu.memory_space<vmem>> -> memref<64x128xf32, #tpu.memory_space<vmem>>
          %dma_wait3A_159 = arith.constant 0 : i32
          %dma_wait3A_160 = arith.constant 0 : i32
          %dma_wait3A_161 = tpu.memref_slice %arg2[%dma_wait3A_159, %dma_wait3A_160] : memref<10000x128xf32, #tpu.memory_space<hbm>> -> memref<64x128xf32, #tpu.memory_space<hbm>>
          %dma_wait3A_162 = arith.constant 0 : i32
          %dma_wait3A_163 = arith.constant 0 : i32
          %dma_wait3A_164 = tpu.memref_slice %arg10[%dma_wait3A_154, %dma_wait3A_162, %dma_wait3A_163] : memref<4x64x128xf32, #tpu.memory_space<vmem>> -> memref<1x64x128xf32, #tpu.memory_space<vmem>>
          %dma_wait3A_165 = tpu.memref_squeeze %dma_wait3A_164 : memref<1x64x128xf32, #tpu.memory_space<vmem>> -> memref<64x128xf32, #tpu.memory_space<vmem>>
          %dma_wait3A_166 = arith.constant 0 : i32
          %dma_wait3A_167 = arith.constant 0 : i32
          %dma_wait3A_168 = tpu.memref_slice %arg2[%dma_wait3A_166, %dma_wait3A_167] : memref<10000x128xf32, #tpu.memory_space<hbm>> -> memref<64x128xf32, #tpu.memory_space<hbm>>
          tpu.wait_dma2 semaphore(%arg14 : memref<!tpu.dma_semaphore, #tpu.memory_space<semaphore_mem>>) src(%dma_wait3A_168 : memref<64x128xf32, #tpu.memory_space<hbm>>) dst(%dma_wait3A_165 : memref<64x128xf32, #tpu.memory_space<vmem>>)
        } else {
        }
        %add3A_131 = arith.constant 1 : i32
        %add3A_132 = arith.addi %scan3A_70, %add3A_131 : i32
        %lt3A_133 = arith.constant 20 : i32
        %lt3A_134 = arith.cmpi slt, %add3A_132, %lt3A_133 : i32
        %convert_element_type3A_135 = arith.extui %lt3A_134 : i1 to i32
        %cond3A_136 = arith.constant 0 : i32
        %cond3A_137 = arith.cmpi ne, %convert_element_type3A_135, %cond3A_136 : i32
        scf.if %cond3A_137 {
          %add3A_154 = arith.constant 1 : i32
          %add3A_155 = arith.addi %scan3A_70, %add3A_154 : i32
          %mul3A_156 = arith.constant 2 : i32
          %mul3A_157 = arith.muli %mul3A_156, %add3A_155 : i32
          %add3A_158 = arith.constant 1 : i32
          %add3A_159 = arith.addi %mul3A_157, %add3A_158 : i32
          %sub3A = arith.constant 1 : i32
          %sub3A_160 = arith.subi %sub3A, %rem3A_71 : i32
          %add3A_161 = arith.constant 2 : i32
          %add3A_162 = arith.addi %add3A_161, %sub3A_160 : i32
          %dma_start3A_163 = arith.constant 0 : i32
          %dma_start3A_164 = arith.constant 0 : i32
          %dma_start3A_165 = tpu.memref_slice %arg10[%add3A_162, %dma_start3A_163, %dma_start3A_164] : memref<4x64x128xf32, #tpu.memory_space<vmem>> -> memref<1x64x128xf32, #tpu.memory_space<vmem>>
          %dma_start3A_166 = tpu.memref_squeeze %dma_start3A_165 : memref<1x64x128xf32, #tpu.memory_space<vmem>> -> memref<64x128xf32, #tpu.memory_space<vmem>>
          %dma_start3A_167 = arith.constant 0 : i32
          %dma_start3A_168 = tpu.memref_slice %arg8[%add3A_159, %dma_start3A_167] : memref<40x64xi32, #tpu.memory_space<vmem>> -> memref<1x64xi32, #tpu.memory_space<vmem>>
          %dma_start3A_169 = tpu.memref_squeeze %dma_start3A_168 : memref<1x64xi32, #tpu.memory_space<vmem>> -> memref<64xi32, #tpu.memory_space<vmem>>
          %dma_start3A_170 = arith.constant 0 : i32
          %dma_start3A_171 = arith.constant 0 : i32
          %dma_start3A_172 = tpu.memref_slice %arg2[%dma_start3A_170, %dma_start3A_171] : memref<10000x128xf32, #tpu.memory_space<hbm>> -> memref<10000x128xf32, #tpu.memory_space<hbm>>
          tpu.enqueue_indirect_dma source(%dma_start3A_172 : memref<10000x128xf32, #tpu.memory_space<hbm>>) target(%dma_start3A_166 : memref<64x128xf32, #tpu.memory_space<vmem>>) offsets(%dma_start3A_169 : memref<64xi32, #tpu.memory_space<vmem>>) semaphore(%arg13 : memref<!tpu.dma_semaphore, #tpu.memory_space<semaphore_mem>>)
        } else {
        }
        %mul3A_138 = arith.constant 2 : i32
        %mul3A_139 = arith.muli %mul3A_138, %scan3A_70 : i32
        %add3A_140 = arith.constant 1 : i32
        %add3A_141 = arith.addi %mul3A_139, %add3A_140 : i32
        %add3A_142 = arith.constant 2 : i32
        %add3A_143 = arith.addi %add3A_142, %rem3A_71 : i32
        %dma_start3A_144 = arith.constant 0 : i32
        %dma_start3A_145 = arith.constant 0 : i32
        %dma_start3A_146 = tpu.memref_slice %arg10[%add3A_143, %dma_start3A_144, %dma_start3A_145] : memref<4x64x128xf32, #tpu.memory_space<vmem>> -> memref<1x64x128xf32, #tpu.memory_space<vmem>>
        %dma_start3A_147 = tpu.memref_squeeze %dma_start3A_146 : memref<1x64x128xf32, #tpu.memory_space<vmem>> -> memref<64x128xf32, #tpu.memory_space<vmem>>
        %dma_start3A_148 = arith.constant 0 : i32
        %dma_start3A_149 = tpu.memref_slice %arg9[%add3A_141, %dma_start3A_148] : memref<40x64xi32, #tpu.memory_space<vmem>> -> memref<1x64xi32, #tpu.memory_space<vmem>>
        %dma_start3A_150 = tpu.memref_squeeze %dma_start3A_149 : memref<1x64xi32, #tpu.memory_space<vmem>> -> memref<64xi32, #tpu.memory_space<vmem>>
        %dma_start3A_151 = arith.constant 0 : i32
        %dma_start3A_152 = arith.constant 0 : i32
        %dma_start3A_153 = tpu.memref_slice %arg7[%dma_start3A_151, %dma_start3A_152] : memref<10112x128xf32, #tpu.memory_space<vmem_shared>> -> memref<10112x128xf32, #tpu.memory_space<vmem_shared>>
        tpu.enqueue_indirect_dma source(%dma_start3A_147 : memref<64x128xf32, #tpu.memory_space<vmem>>) target(%dma_start3A_153 : memref<10112x128xf32, #tpu.memory_space<vmem_shared>>) offsets(%dma_start3A_150 : memref<64xi32, #tpu.memory_space<vmem>>) semaphore(%arg14 : memref<!tpu.dma_semaphore, #tpu.memory_space<semaphore_mem>>) {add = true}
      }
      %scan3A_40 = arith.constant 20 : i32
      %dma_wait3A = arith.constant 0 : i32
      %dma_wait3A_41 = arith.constant 0 : i32
      %dma_wait3A_42 = arith.constant 0 : i32
      %dma_wait3A_43 = tpu.memref_slice %arg10[%dma_wait3A, %dma_wait3A_41, %dma_wait3A_42] : memref<4x64x128xf32, #tpu.memory_space<vmem>> -> memref<1x64x128xf32, #tpu.memory_space<vmem>>
      %dma_wait3A_44 = tpu.memref_squeeze %dma_wait3A_43 : memref<1x64x128xf32, #tpu.memory_space<vmem>> -> memref<64x128xf32, #tpu.memory_space<vmem>>
      %dma_wait3A_45 = arith.constant 0 : i32
      %dma_wait3A_46 = arith.constant 0 : i32
      %dma_wait3A_47 = tpu.memref_slice %arg2[%dma_wait3A_45, %dma_wait3A_46] : memref<10000x128xf32, #tpu.memory_space<hbm>> -> memref<64x128xf32, #tpu.memory_space<hbm>>
      %dma_wait3A_48 = arith.constant 0 : i32
      %dma_wait3A_49 = arith.constant 0 : i32
      %dma_wait3A_50 = tpu.memref_slice %arg10[%dma_wait3A, %dma_wait3A_48, %dma_wait3A_49] : memref<4x64x128xf32, #tpu.memory_space<vmem>> -> memref<1x64x128xf32, #tpu.memory_space<vmem>>
      %dma_wait3A_51 = tpu.memref_squeeze %dma_wait3A_50 : memref<1x64x128xf32, #tpu.memory_space<vmem>> -> memref<64x128xf32, #tpu.memory_space<vmem>>
      %dma_wait3A_52 = arith.constant 0 : i32
      %dma_wait3A_53 = arith.constant 0 : i32
      %dma_wait3A_54 = tpu.memref_slice %arg2[%dma_wait3A_52, %dma_wait3A_53] : memref<10000x128xf32, #tpu.memory_space<hbm>> -> memref<64x128xf32, #tpu.memory_space<hbm>>
      tpu.wait_dma2 semaphore(%arg12 : memref<!tpu.dma_semaphore, #tpu.memory_space<semaphore_mem>>) src(%dma_wait3A_54 : memref<64x128xf32, #tpu.memory_space<hbm>>) dst(%dma_wait3A_51 : memref<64x128xf32, #tpu.memory_space<vmem>>)
      %dma_wait3A_55 = arith.constant 0 : i32
      %dma_wait3A_56 = arith.constant 0 : i32
      %dma_wait3A_57 = arith.constant 0 : i32
      %dma_wait3A_58 = tpu.memref_slice %arg10[%dma_wait3A_55, %dma_wait3A_56, %dma_wait3A_57] : memref<4x64x128xf32, #tpu.memory_space<vmem>> -> memref<1x64x128xf32, #tpu.memory_space<vmem>>
      %dma_wait3A_59 = tpu.memref_squeeze %dma_wait3A_58 : memref<1x64x128xf32, #tpu.memory_space<vmem>> -> memref<64x128xf32, #tpu.memory_space<vmem>>
      %dma_wait3A_60 = arith.constant 0 : i32
      %dma_wait3A_61 = arith.constant 0 : i32
      %dma_wait3A_62 = tpu.memref_slice %arg2[%dma_wait3A_60, %dma_wait3A_61] : memref<10000x128xf32, #tpu.memory_space<hbm>> -> memref<64x128xf32, #tpu.memory_space<hbm>>
      %dma_wait3A_63 = arith.constant 0 : i32
      %dma_wait3A_64 = arith.constant 0 : i32
      %dma_wait3A_65 = tpu.memref_slice %arg10[%dma_wait3A_55, %dma_wait3A_63, %dma_wait3A_64] : memref<4x64x128xf32, #tpu.memory_space<vmem>> -> memref<1x64x128xf32, #tpu.memory_space<vmem>>
      %dma_wait3A_66 = tpu.memref_squeeze %dma_wait3A_65 : memref<1x64x128xf32, #tpu.memory_space<vmem>> -> memref<64x128xf32, #tpu.memory_space<vmem>>
      %dma_wait3A_67 = arith.constant 0 : i32
      %dma_wait3A_68 = arith.constant 0 : i32
      %dma_wait3A_69 = tpu.memref_slice %arg2[%dma_wait3A_67, %dma_wait3A_68] : memref<10000x128xf32, #tpu.memory_space<hbm>> -> memref<64x128xf32, #tpu.memory_space<hbm>>
      tpu.wait_dma2 semaphore(%arg14 : memref<!tpu.dma_semaphore, #tpu.memory_space<semaphore_mem>>) src(%dma_wait3A_69 : memref<64x128xf32, #tpu.memory_space<hbm>>) dst(%dma_wait3A_66 : memref<64x128xf32, #tpu.memory_space<vmem>>)
    }
    %scan3A_7 = arith.constant 8 : i32
    %barrier3A_8 = arith.constant 0 : index
    tpu.barrier barrier_id(%barrier3A_8)
    "tpu.region"() ({
      %run_scoped3A = tpu.sem_alloc : memref<!tpu.dma_semaphore, #tpu.memory_space<semaphore_mem>>
      %dma_start3A = arith.constant 0 : i32
      %dma_start3A_9 = tpu.memref_slice %arg6[%arg0, %mul3A_0, %dma_start3A] : memref<2x10112x128xf32, #tpu.memory_space<hbm>> -> memref<1x632x128xf32, #tpu.memory_space<hbm>>
      %dma_start3A_10 = tpu.memref_squeeze %dma_start3A_9 : memref<1x632x128xf32, #tpu.memory_space<hbm>> -> memref<632x128xf32, #tpu.memory_space<hbm>>
      %dma_start3A_11 = arith.constant 0 : i32
      %dma_start3A_12 = tpu.memref_slice %arg7[%mul3A_0, %dma_start3A_11] : memref<10112x128xf32, #tpu.memory_space<vmem_shared>> -> memref<632x128xf32, #tpu.memory_space<vmem_shared>>
      tpu.enqueue_dma source(%dma_start3A_12 : memref<632x128xf32, #tpu.memory_space<vmem_shared>>) target(%dma_start3A_10 : memref<632x128xf32, #tpu.memory_space<hbm>>) target_semaphore(%run_scoped3A : memref<!tpu.dma_semaphore, #tpu.memory_space<semaphore_mem>>)
      %dma_wait3A = arith.constant 0 : i32
      %dma_wait3A_13 = tpu.memref_slice %arg6[%arg0, %mul3A_0, %dma_wait3A] : memref<2x10112x128xf32, #tpu.memory_space<hbm>> -> memref<1x632x128xf32, #tpu.memory_space<hbm>>
      %dma_wait3A_14 = tpu.memref_squeeze %dma_wait3A_13 : memref<1x632x128xf32, #tpu.memory_space<hbm>> -> memref<632x128xf32, #tpu.memory_space<hbm>>
      %dma_wait3A_15 = arith.constant 0 : i32
      %dma_wait3A_16 = tpu.memref_slice %arg7[%mul3A_0, %dma_wait3A_15] : memref<10112x128xf32, #tpu.memory_space<vmem_shared>> -> memref<632x128xf32, #tpu.memory_space<vmem_shared>>
      tpu.wait_dma2 semaphore(%run_scoped3A : memref<!tpu.dma_semaphore, #tpu.memory_space<semaphore_mem>>) src(%dma_wait3A_16 : memref<632x128xf32, #tpu.memory_space<vmem_shared>>) dst(%dma_wait3A_14 : memref<632x128xf32, #tpu.memory_space<hbm>>)
      tpu.yield
    }) : () -> ()
    return
  }
}

#map = affine_map<(d0, d1) -> (0, 0)>
#map1 = affine_map<(d0, d1) -> (0, 0, 0)>
module attributes {stable_mosaic.version = 14 : i64} {
  func.func @_agg_body(%arg0: i32, %arg1: i32, %arg2: memref<10000x128xf32, #tpu.memory_space<hbm>>, %arg3: memref<2x5120x64xi32, #tpu.memory_space<hbm>>, %arg4: memref<2x5120x64xi32, #tpu.memory_space<hbm>>, %arg5: memref<632x128xf32, #tpu.memory_space<hbm>>, %arg6: memref<2x10112x128xf32, #tpu.memory_space<hbm>>, %arg7: memref<10112x128xf32, #tpu.memory_space<vmem_shared>>, %arg8: memref<40x64xi32, #tpu.memory_space<vmem>>, %arg9: memref<40x64xi32, #tpu.memory_space<vmem>>, %arg10: memref<4x64x128xf32, #tpu.memory_space<vmem>>, %arg11: memref<!tpu.dma_semaphore, #tpu.memory_space<semaphore_mem>>, %arg12: memref<!tpu.dma_semaphore, #tpu.memory_space<semaphore_mem>>, %arg13: memref<!tpu.dma_semaphore, #tpu.memory_space<semaphore_mem>>, %arg14: memref<!tpu.dma_semaphore, #tpu.memory_space<semaphore_mem>>) attributes {dimension_semantics = [#tpu.dimension_semantics<core_parallel>, #tpu.dimension_semantics<subcore_parallel>], iteration_bounds = array<i64: 2, 16>, scalar_prefetch = 0 : i64, scratch_operands = 8 : i64, tpu.core_type = #tpu.core_type<sc_vector_subcore>, window_params = [{transform_indices = #map}, {transform_indices = #map1}, {transform_indices = #map1}, {transform_indices = #map}, {transform_indices = #map1}]} {
    %mul3A = arith.constant 632 : i32
    %mul3A_0 = arith.muli %arg1, %mul3A : i32
    "tpu.region"() ({
      %run_scoped3A = tpu.sem_alloc : memref<!tpu.dma_semaphore, #tpu.memory_space<semaphore_mem>>
      %dma_start3A = arith.constant 0 : i32
      %dma_start3A_9 = tpu.memref_slice %arg7[%mul3A_0, %dma_start3A] : memref<10112x128xf32, #tpu.memory_space<vmem_shared>> -> memref<632x128xf32, #tpu.memory_space<vmem_shared>>
      tpu.enqueue_dma source(%arg5 : memref<632x128xf32, #tpu.memory_space<hbm>>) target(%dma_start3A_9 : memref<632x128xf32, #tpu.memory_space<vmem_shared>>) target_semaphore(%run_scoped3A : memref<!tpu.dma_semaphore, #tpu.memory_space<semaphore_mem>>)
      %dma_wait3A = arith.constant 0 : i32
      %dma_wait3A_10 = tpu.memref_slice %arg7[%mul3A_0, %dma_wait3A] : memref<10112x128xf32, #tpu.memory_space<vmem_shared>> -> memref<632x128xf32, #tpu.memory_space<vmem_shared>>
      tpu.wait_dma2 semaphore(%run_scoped3A : memref<!tpu.dma_semaphore, #tpu.memory_space<semaphore_mem>>) src(%arg5 : memref<632x128xf32, #tpu.memory_space<hbm>>) dst(%dma_wait3A_10 : memref<632x128xf32, #tpu.memory_space<vmem_shared>>)
      tpu.yield
    }) : () -> ()
    %barrier3A = arith.constant 0 : index
    tpu.barrier barrier_id(%barrier3A)
    %mul3A_1 = arith.constant 320 : i32
    %mul3A_2 = arith.muli %arg1, %mul3A_1 : i32
    %scan3A = arith.constant 0 : i32
    %scan3A_3 = arith.constant 0 : i32
    %scan3A_4 = arith.constant 8 : i32
    %scan3A_5 = arith.addi %scan3A_3, %scan3A_4 : i32
    %scan3A_6 = arith.constant 1 : i32
    scf.for %scan3A_9 = %scan3A_3 to %scan3A_5 step %scan3A_6  : i32 {
      %mul3A_10 = arith.constant 40 : i32
      %mul3A_11 = arith.muli %scan3A_9, %mul3A_10 : i32
      %add3A = arith.addi %mul3A_2, %mul3A_11 : i32
      "tpu.region"() ({
        %run_scoped3A = tpu.sem_alloc : memref<!tpu.dma_semaphore, #tpu.memory_space<semaphore_mem>>
        %dma_start3A_70 = arith.constant 0 : i32
        %dma_start3A_71 = tpu.memref_slice %arg3[%arg0, %add3A, %dma_start3A_70] : memref<2x5120x64xi32, #tpu.memory_space<hbm>> -> memref<1x40x64xi32, #tpu.memory_space<hbm>>
        %dma_start3A_72 = tpu.memref_squeeze %dma_start3A_71 : memref<1x40x64xi32, #tpu.memory_space<hbm>> -> memref<40x64xi32, #tpu.memory_space<hbm>>
        %dma_start3A_73 = arith.constant 0 : i32
        %dma_start3A_74 = tpu.memref_slice %arg3[%arg0, %add3A, %dma_start3A_73] : memref<2x5120x64xi32, #tpu.memory_space<hbm>> -> memref<1x40x64xi32, #tpu.memory_space<hbm>>
        %dma_start3A_75 = tpu.memref_squeeze %dma_start3A_74 : memref<1x40x64xi32, #tpu.memory_space<hbm>> -> memref<40x64xi32, #tpu.memory_space<hbm>>
        tpu.enqueue_dma source(%dma_start3A_75 : memref<40x64xi32, #tpu.memory_space<hbm>>) target(%arg8 : memref<40x64xi32, #tpu.memory_space<vmem>>) target_semaphore(%run_scoped3A : memref<!tpu.dma_semaphore, #tpu.memory_space<semaphore_mem>>)
        %dma_wait3A_76 = arith.constant 0 : i32
        %dma_wait3A_77 = tpu.memref_slice %arg3[%arg0, %add3A, %dma_wait3A_76] : memref<2x5120x64xi32, #tpu.memory_space<hbm>> -> memref<1x40x64xi32, #tpu.memory_space<hbm>>
        %dma_wait3A_78 = tpu.memref_squeeze %dma_wait3A_77 : memref<1x40x64xi32, #tpu.memory_space<hbm>> -> memref<40x64xi32, #tpu.memory_space<hbm>>
        %dma_wait3A_79 = arith.constant 0 : i32
        %dma_wait3A_80 = tpu.memref_slice %arg3[%arg0, %add3A, %dma_wait3A_79] : memref<2x5120x64xi32, #tpu.memory_space<hbm>> -> memref<1x40x64xi32, #tpu.memory_space<hbm>>
        %dma_wait3A_81 = tpu.memref_squeeze %dma_wait3A_80 : memref<1x40x64xi32, #tpu.memory_space<hbm>> -> memref<40x64xi32, #tpu.memory_space<hbm>>
        tpu.wait_dma2 semaphore(%run_scoped3A : memref<!tpu.dma_semaphore, #tpu.memory_space<semaphore_mem>>) src(%dma_wait3A_81 : memref<40x64xi32, #tpu.memory_space<hbm>>) dst(%arg8 : memref<40x64xi32, #tpu.memory_space<vmem>>)
        tpu.yield
      }) : () -> ()
      "tpu.region"() ({
        %run_scoped3A = tpu.sem_alloc : memref<!tpu.dma_semaphore, #tpu.memory_space<semaphore_mem>>
        %dma_start3A_70 = arith.constant 0 : i32
        %dma_start3A_71 = tpu.memref_slice %arg4[%arg0, %add3A, %dma_start3A_70] : memref<2x5120x64xi32, #tpu.memory_space<hbm>> -> memref<1x40x64xi32, #tpu.memory_space<hbm>>
        %dma_start3A_72 = tpu.memref_squeeze %dma_start3A_71 : memref<1x40x64xi32, #tpu.memory_space<hbm>> -> memref<40x64xi32, #tpu.memory_space<hbm>>
        %dma_start3A_73 = arith.constant 0 : i32
        %dma_start3A_74 = tpu.memref_slice %arg4[%arg0, %add3A, %dma_start3A_73] : memref<2x5120x64xi32, #tpu.memory_space<hbm>> -> memref<1x40x64xi32, #tpu.memory_space<hbm>>
        %dma_start3A_75 = tpu.memref_squeeze %dma_start3A_74 : memref<1x40x64xi32, #tpu.memory_space<hbm>> -> memref<40x64xi32, #tpu.memory_space<hbm>>
        tpu.enqueue_dma source(%dma_start3A_75 : memref<40x64xi32, #tpu.memory_space<hbm>>) target(%arg9 : memref<40x64xi32, #tpu.memory_space<vmem>>) target_semaphore(%run_scoped3A : memref<!tpu.dma_semaphore, #tpu.memory_space<semaphore_mem>>)
        %dma_wait3A_76 = arith.constant 0 : i32
        %dma_wait3A_77 = tpu.memref_slice %arg4[%arg0, %add3A, %dma_wait3A_76] : memref<2x5120x64xi32, #tpu.memory_space<hbm>> -> memref<1x40x64xi32, #tpu.memory_space<hbm>>
        %dma_wait3A_78 = tpu.memref_squeeze %dma_wait3A_77 : memref<1x40x64xi32, #tpu.memory_space<hbm>> -> memref<40x64xi32, #tpu.memory_space<hbm>>
        %dma_wait3A_79 = arith.constant 0 : i32
        %dma_wait3A_80 = tpu.memref_slice %arg4[%arg0, %add3A, %dma_wait3A_79] : memref<2x5120x64xi32, #tpu.memory_space<hbm>> -> memref<1x40x64xi32, #tpu.memory_space<hbm>>
        %dma_wait3A_81 = tpu.memref_squeeze %dma_wait3A_80 : memref<1x40x64xi32, #tpu.memory_space<hbm>> -> memref<40x64xi32, #tpu.memory_space<hbm>>
        tpu.wait_dma2 semaphore(%run_scoped3A : memref<!tpu.dma_semaphore, #tpu.memory_space<semaphore_mem>>) src(%dma_wait3A_81 : memref<40x64xi32, #tpu.memory_space<hbm>>) dst(%arg9 : memref<40x64xi32, #tpu.memory_space<vmem>>)
        tpu.yield
      }) : () -> ()
      %dma_start3A = arith.constant 0 : i32
      %dma_start3A_12 = arith.constant 0 : i32
      %dma_start3A_13 = arith.constant 0 : i32
      %dma_start3A_14 = arith.constant 0 : i32
      %dma_start3A_15 = tpu.memref_slice %arg10[%dma_start3A_12, %dma_start3A_13, %dma_start3A_14] : memref<4x64x128xf32, #tpu.memory_space<vmem>> -> memref<1x64x128xf32, #tpu.memory_space<vmem>>
      %dma_start3A_16 = tpu.memref_squeeze %dma_start3A_15 : memref<1x64x128xf32, #tpu.memory_space<vmem>> -> memref<64x128xf32, #tpu.memory_space<vmem>>
      %dma_start3A_17 = arith.constant 0 : i32
      %dma_start3A_18 = tpu.memref_slice %arg8[%dma_start3A, %dma_start3A_17] : memref<40x64xi32, #tpu.memory_space<vmem>> -> memref<1x64xi32, #tpu.memory_space<vmem>>
      %dma_start3A_19 = tpu.memref_squeeze %dma_start3A_18 : memref<1x64xi32, #tpu.memory_space<vmem>> -> memref<64xi32, #tpu.memory_space<vmem>>
      %dma_start3A_20 = arith.constant 0 : i32
      %dma_start3A_21 = arith.constant 0 : i32
      %dma_start3A_22 = tpu.memref_slice %arg2[%dma_start3A_20, %dma_start3A_21] : memref<10000x128xf32, #tpu.memory_space<hbm>> -> memref<10000x128xf32, #tpu.memory_space<hbm>>
      tpu.enqueue_indirect_dma source(%dma_start3A_22 : memref<10000x128xf32, #tpu.memory_space<hbm>>) target(%dma_start3A_16 : memref<64x128xf32, #tpu.memory_space<vmem>>) offsets(%dma_start3A_19 : memref<64xi32, #tpu.memory_space<vmem>>) semaphore(%arg11 : memref<!tpu.dma_semaphore, #tpu.memory_space<semaphore_mem>>)
      %dma_start3A_23 = arith.constant 1 : i32
      %dma_start3A_24 = arith.constant 2 : i32
      %dma_start3A_25 = arith.constant 0 : i32
      %dma_start3A_26 = arith.constant 0 : i32
      %dma_start3A_27 = tpu.memref_slice %arg10[%dma_start3A_24, %dma_start3A_25, %dma_start3A_26] : memref<4x64x128xf32, #tpu.memory_space<vmem>> -> memref<1x64x128xf32, #tpu.memory_space<vmem>>
      %dma_start3A_28 = tpu.memref_squeeze %dma_start3A_27 : memref<1x64x128xf32, #tpu.memory_space<vmem>> -> memref<64x128xf32, #tpu.memory_space<vmem>>
      %dma_start3A_29 = arith.constant 0 : i32
      %dma_start3A_30 = tpu.memref_slice %arg8[%dma_start3A_23, %dma_start3A_29] : memref<40x64xi32, #tpu.memory_space<vmem>> -> memref<1x64xi32, #tpu.memory_space<vmem>>
      %dma_start3A_31 = tpu.memref_squeeze %dma_start3A_30 : memref<1x64xi32, #tpu.memory_space<vmem>> -> memref<64xi32, #tpu.memory_space<vmem>>
      %dma_start3A_32 = arith.constant 0 : i32
      %dma_start3A_33 = arith.constant 0 : i32
      %dma_start3A_34 = tpu.memref_slice %arg2[%dma_start3A_32, %dma_start3A_33] : memref<10000x128xf32, #tpu.memory_space<hbm>> -> memref<10000x128xf32, #tpu.memory_space<hbm>>
      tpu.enqueue_indirect_dma source(%dma_start3A_34 : memref<10000x128xf32, #tpu.memory_space<hbm>>) target(%dma_start3A_28 : memref<64x128xf32, #tpu.memory_space<vmem>>) offsets(%dma_start3A_31 : memref<64xi32, #tpu.memory_space<vmem>>) semaphore(%arg13 : memref<!tpu.dma_semaphore, #tpu.memory_space<semaphore_mem>>)
      %scan3A_35 = arith.constant 0 : i32
      %scan3A_36 = arith.constant 0 : i32
      %scan3A_37 = arith.constant 20 : i32
      %scan3A_38 = arith.addi %scan3A_36, %scan3A_37 : i32
      %scan3A_39 = arith.constant 1 : i32
      scf.for %scan3A_70 = %scan3A_36 to %scan3A_38 step %scan3A_39  : i32 {
        %rem3A = arith.constant 2 : i32
        %rem3A_71 = arith.remsi %scan3A_70, %rem3A : i32
        %dma_wait3A_72 = arith.constant 0 : i32
        %dma_wait3A_73 = arith.constant 0 : i32
        %dma_wait3A_74 = arith.constant 0 : i32
        %dma_wait3A_75 = tpu.memref_slice %arg10[%dma_wait3A_72, %dma_wait3A_73, %dma_wait3A_74] : memref<4x64x128xf32, #tpu.memory_space<vmem>> -> memref<1x64x128xf32, #tpu.memory_space<vmem>>
        %dma_wait3A_76 = tpu.memref_squeeze %dma_wait3A_75 : memref<1x64x128xf32, #tpu.memory_space<vmem>> -> memref<64x128xf32, #tpu.memory_space<vmem>>
        %dma_wait3A_77 = arith.constant 0 : i32
        %dma_wait3A_78 = arith.constant 0 : i32
        %dma_wait3A_79 = tpu.memref_slice %arg2[%dma_wait3A_77, %dma_wait3A_78] : memref<10000x128xf32, #tpu.memory_space<hbm>> -> memref<64x128xf32, #tpu.memory_space<hbm>>
        %dma_wait3A_80 = arith.constant 0 : i32
        %dma_wait3A_81 = arith.constant 0 : i32
        %dma_wait3A_82 = tpu.memref_slice %arg10[%dma_wait3A_72, %dma_wait3A_80, %dma_wait3A_81] : memref<4x64x128xf32, #tpu.memory_space<vmem>> -> memref<1x64x128xf32, #tpu.memory_space<vmem>>
        %dma_wait3A_83 = tpu.memref_squeeze %dma_wait3A_82 : memref<1x64x128xf32, #tpu.memory_space<vmem>> -> memref<64x128xf32, #tpu.memory_space<vmem>>
        %dma_wait3A_84 = arith.constant 0 : i32
        %dma_wait3A_85 = arith.constant 0 : i32
        %dma_wait3A_86 = tpu.memref_slice %arg2[%dma_wait3A_84, %dma_wait3A_85] : memref<10000x128xf32, #tpu.memory_space<hbm>> -> memref<64x128xf32, #tpu.memory_space<hbm>>
        tpu.wait_dma2 semaphore(%arg11 : memref<!tpu.dma_semaphore, #tpu.memory_space<semaphore_mem>>) src(%dma_wait3A_86 : memref<64x128xf32, #tpu.memory_space<hbm>>) dst(%dma_wait3A_83 : memref<64x128xf32, #tpu.memory_space<vmem>>)
        %gt3A = arith.constant 0 : i32
        %gt3A_87 = arith.cmpi sgt, %scan3A_70, %gt3A : i32
        %convert_element_type3A = arith.extui %gt3A_87 : i1 to i32
        %cond3A = arith.constant 0 : i32
        %cond3A_88 = arith.cmpi ne, %convert_element_type3A, %cond3A : i32
        scf.if %cond3A_88 {
          %dma_wait3A_154 = arith.constant 0 : i32
          %dma_wait3A_155 = arith.constant 0 : i32
          %dma_wait3A_156 = arith.constant 0 : i32
          %dma_wait3A_157 = tpu.memref_slice %arg10[%dma_wait3A_154, %dma_wait3A_155, %dma_wait3A_156] : memref<4x64x128xf32, #tpu.memory_space<vmem>> -> memref<1x64x128xf32, #tpu.memory_space<vmem>>
          %dma_wait3A_158 = tpu.memref_squeeze %dma_wait3A_157 : memref<1x64x128xf32, #tpu.memory_space<vmem>> -> memref<64x128xf32, #tpu.memory_space<vmem>>
          %dma_wait3A_159 = arith.constant 0 : i32
          %dma_wait3A_160 = arith.constant 0 : i32
          %dma_wait3A_161 = tpu.memref_slice %arg2[%dma_wait3A_159, %dma_wait3A_160] : memref<10000x128xf32, #tpu.memory_space<hbm>> -> memref<64x128xf32, #tpu.memory_space<hbm>>
          %dma_wait3A_162 = arith.constant 0 : i32
          %dma_wait3A_163 = arith.constant 0 : i32
          %dma_wait3A_164 = tpu.memref_slice %arg10[%dma_wait3A_154, %dma_wait3A_162, %dma_wait3A_163] : memref<4x64x128xf32, #tpu.memory_space<vmem>> -> memref<1x64x128xf32, #tpu.memory_space<vmem>>
          %dma_wait3A_165 = tpu.memref_squeeze %dma_wait3A_164 : memref<1x64x128xf32, #tpu.memory_space<vmem>> -> memref<64x128xf32, #tpu.memory_space<vmem>>
          %dma_wait3A_166 = arith.constant 0 : i32
          %dma_wait3A_167 = arith.constant 0 : i32
          %dma_wait3A_168 = tpu.memref_slice %arg2[%dma_wait3A_166, %dma_wait3A_167] : memref<10000x128xf32, #tpu.memory_space<hbm>> -> memref<64x128xf32, #tpu.memory_space<hbm>>
          tpu.wait_dma2 semaphore(%arg12 : memref<!tpu.dma_semaphore, #tpu.memory_space<semaphore_mem>>) src(%dma_wait3A_168 : memref<64x128xf32, #tpu.memory_space<hbm>>) dst(%dma_wait3A_165 : memref<64x128xf32, #tpu.memory_space<vmem>>)
        } else {
        }
        %add3A_89 = arith.constant 1 : i32
        %add3A_90 = arith.addi %scan3A_70, %add3A_89 : i32
        %lt3A = arith.constant 20 : i32
        %lt3A_91 = arith.cmpi slt, %add3A_90, %lt3A : i32
        %convert_element_type3A_92 = arith.extui %lt3A_91 : i1 to i32
        %cond3A_93 = arith.constant 0 : i32
        %cond3A_94 = arith.cmpi ne, %convert_element_type3A_92, %cond3A_93 : i32
        scf.if %cond3A_94 {
          %add3A_154 = arith.constant 1 : i32
          %add3A_155 = arith.addi %scan3A_70, %add3A_154 : i32
          %mul3A_156 = arith.constant 2 : i32
          %mul3A_157 = arith.muli %mul3A_156, %add3A_155 : i32
          %add3A_158 = arith.constant 0 : i32
          %add3A_159 = arith.addi %mul3A_157, %add3A_158 : i32
          %sub3A = arith.constant 1 : i32
          %sub3A_160 = arith.subi %sub3A, %rem3A_71 : i32
          %add3A_161 = arith.constant 0 : i32
          %add3A_162 = arith.addi %add3A_161, %sub3A_160 : i32
          %dma_start3A_163 = arith.constant 0 : i32
          %dma_start3A_164 = arith.constant 0 : i32
          %dma_start3A_165 = tpu.memref_slice %arg10[%add3A_162, %dma_start3A_163, %dma_start3A_164] : memref<4x64x128xf32, #tpu.memory_space<vmem>> -> memref<1x64x128xf32, #tpu.memory_space<vmem>>
          %dma_start3A_166 = tpu.memref_squeeze %dma_start3A_165 : memref<1x64x128xf32, #tpu.memory_space<vmem>> -> memref<64x128xf32, #tpu.memory_space<vmem>>
          %dma_start3A_167 = arith.constant 0 : i32
          %dma_start3A_168 = tpu.memref_slice %arg8[%add3A_159, %dma_start3A_167] : memref<40x64xi32, #tpu.memory_space<vmem>> -> memref<1x64xi32, #tpu.memory_space<vmem>>
          %dma_start3A_169 = tpu.memref_squeeze %dma_start3A_168 : memref<1x64xi32, #tpu.memory_space<vmem>> -> memref<64xi32, #tpu.memory_space<vmem>>
          %dma_start3A_170 = arith.constant 0 : i32
          %dma_start3A_171 = arith.constant 0 : i32
          %dma_start3A_172 = tpu.memref_slice %arg2[%dma_start3A_170, %dma_start3A_171] : memref<10000x128xf32, #tpu.memory_space<hbm>> -> memref<10000x128xf32, #tpu.memory_space<hbm>>
          tpu.enqueue_indirect_dma source(%dma_start3A_172 : memref<10000x128xf32, #tpu.memory_space<hbm>>) target(%dma_start3A_166 : memref<64x128xf32, #tpu.memory_space<vmem>>) offsets(%dma_start3A_169 : memref<64xi32, #tpu.memory_space<vmem>>) semaphore(%arg11 : memref<!tpu.dma_semaphore, #tpu.memory_space<semaphore_mem>>)
        } else {
        }
        %mul3A_95 = arith.constant 2 : i32
        %mul3A_96 = arith.muli %mul3A_95, %scan3A_70 : i32
        %add3A_97 = arith.constant 0 : i32
        %add3A_98 = arith.addi %mul3A_96, %add3A_97 : i32
        %add3A_99 = arith.constant 0 : i32
        %add3A_100 = arith.addi %add3A_99, %rem3A_71 : i32
        %dma_start3A_101 = arith.constant 0 : i32
        %dma_start3A_102 = arith.constant 0 : i32
        %dma_start3A_103 = tpu.memref_slice %arg10[%add3A_100, %dma_start3A_101, %dma_start3A_102] : memref<4x64x128xf32, #tpu.memory_space<vmem>> -> memref<1x64x128xf32, #tpu.memory_space<vmem>>
        %dma_start3A_104 = tpu.memref_squeeze %dma_start3A_103 : memref<1x64x128xf32, #tpu.memory_space<vmem>> -> memref<64x128xf32, #tpu.memory_space<vmem>>
        %dma_start3A_105 = arith.constant 0 : i32
        %dma_start3A_106 = tpu.memref_slice %arg9[%add3A_98, %dma_start3A_105] : memref<40x64xi32, #tpu.memory_space<vmem>> -> memref<1x64xi32, #tpu.memory_space<vmem>>
        %dma_start3A_107 = tpu.memref_squeeze %dma_start3A_106 : memref<1x64xi32, #tpu.memory_space<vmem>> -> memref<64xi32, #tpu.memory_space<vmem>>
        %dma_start3A_108 = arith.constant 0 : i32
        %dma_start3A_109 = arith.constant 0 : i32
        %dma_start3A_110 = tpu.memref_slice %arg7[%dma_start3A_108, %dma_start3A_109] : memref<10112x128xf32, #tpu.memory_space<vmem_shared>> -> memref<10112x128xf32, #tpu.memory_space<vmem_shared>>
        tpu.enqueue_indirect_dma source(%dma_start3A_104 : memref<64x128xf32, #tpu.memory_space<vmem>>) target(%dma_start3A_110 : memref<10112x128xf32, #tpu.memory_space<vmem_shared>>) offsets(%dma_start3A_107 : memref<64xi32, #tpu.memory_space<vmem>>) semaphore(%arg12 : memref<!tpu.dma_semaphore, #tpu.memory_space<semaphore_mem>>) {add = true}
        %dma_wait3A_111 = arith.constant 0 : i32
        %dma_wait3A_112 = arith.constant 0 : i32
        %dma_wait3A_113 = arith.constant 0 : i32
        %dma_wait3A_114 = tpu.memref_slice %arg10[%dma_wait3A_111, %dma_wait3A_112, %dma_wait3A_113] : memref<4x64x128xf32, #tpu.memory_space<vmem>> -> memref<1x64x128xf32, #tpu.memory_space<vmem>>
        %dma_wait3A_115 = tpu.memref_squeeze %dma_wait3A_114 : memref<1x64x128xf32, #tpu.memory_space<vmem>> -> memref<64x128xf32, #tpu.memory_space<vmem>>
        %dma_wait3A_116 = arith.constant 0 : i32
        %dma_wait3A_117 = arith.constant 0 : i32
        %dma_wait3A_118 = tpu.memref_slice %arg2[%dma_wait3A_116, %dma_wait3A_117] : memref<10000x128xf32, #tpu.memory_space<hbm>> -> memref<64x128xf32, #tpu.memory_space<hbm>>
        %dma_wait3A_119 = arith.constant 0 : i32
        %dma_wait3A_120 = arith.constant 0 : i32
        %dma_wait3A_121 = tpu.memref_slice %arg10[%dma_wait3A_111, %dma_wait3A_119, %dma_wait3A_120] : memref<4x64x128xf32, #tpu.memory_space<vmem>> -> memref<1x64x128xf32, #tpu.memory_space<vmem>>
        %dma_wait3A_122 = tpu.memref_squeeze %dma_wait3A_121 : memref<1x64x128xf32, #tpu.memory_space<vmem>> -> memref<64x128xf32, #tpu.memory_space<vmem>>
        %dma_wait3A_123 = arith.constant 0 : i32
        %dma_wait3A_124 = arith.constant 0 : i32
        %dma_wait3A_125 = tpu.memref_slice %arg2[%dma_wait3A_123, %dma_wait3A_124] : memref<10000x128xf32, #tpu.memory_space<hbm>> -> memref<64x128xf32, #tpu.memory_space<hbm>>
        tpu.wait_dma2 semaphore(%arg13 : memref<!tpu.dma_semaphore, #tpu.memory_space<semaphore_mem>>) src(%dma_wait3A_125 : memref<64x128xf32, #tpu.memory_space<hbm>>) dst(%dma_wait3A_122 : memref<64x128xf32, #tpu.memory_space<vmem>>)
        %gt3A_126 = arith.constant 0 : i32
        %gt3A_127 = arith.cmpi sgt, %scan3A_70, %gt3A_126 : i32
        %convert_element_type3A_128 = arith.extui %gt3A_127 : i1 to i32
        %cond3A_129 = arith.constant 0 : i32
        %cond3A_130 = arith.cmpi ne, %convert_element_type3A_128, %cond3A_129 : i32
        scf.if %cond3A_130 {
          %dma_wait3A_154 = arith.constant 0 : i32
          %dma_wait3A_155 = arith.constant 0 : i32
          %dma_wait3A_156 = arith.constant 0 : i32
          %dma_wait3A_157 = tpu.memref_slice %arg10[%dma_wait3A_154, %dma_wait3A_155, %dma_wait3A_156] : memref<4x64x128xf32, #tpu.memory_space<vmem>> -> memref<1x64x128xf32, #tpu.memory_space<vmem>>
          %dma_wait3A_158 = tpu.memref_squeeze %dma_wait3A_157 : memref<1x64x128xf32, #tpu.memory_space<vmem>> -> memref<64x128xf32, #tpu.memory_space<vmem>>
          %dma_wait3A_159 = arith.constant 0 : i32
          %dma_wait3A_160 = arith.constant 0 : i32
          %dma_wait3A_161 = tpu.memref_slice %arg2[%dma_wait3A_159, %dma_wait3A_160] : memref<10000x128xf32, #tpu.memory_space<hbm>> -> memref<64x128xf32, #tpu.memory_space<hbm>>
          %dma_wait3A_162 = arith.constant 0 : i32
          %dma_wait3A_163 = arith.constant 0 : i32
          %dma_wait3A_164 = tpu.memref_slice %arg10[%dma_wait3A_154, %dma_wait3A_162, %dma_wait3A_163] : memref<4x64x128xf32, #tpu.memory_space<vmem>> -> memref<1x64x128xf32, #tpu.memory_space<vmem>>
          %dma_wait3A_165 = tpu.memref_squeeze %dma_wait3A_164 : memref<1x64x128xf32, #tpu.memory_space<vmem>> -> memref<64x128xf32, #tpu.memory_space<vmem>>
          %dma_wait3A_166 = arith.constant 0 : i32
          %dma_wait3A_167 = arith.constant 0 : i32
          %dma_wait3A_168 = tpu.memref_slice %arg2[%dma_wait3A_166, %dma_wait3A_167] : memref<10000x128xf32, #tpu.memory_space<hbm>> -> memref<64x128xf32, #tpu.memory_space<hbm>>
          tpu.wait_dma2 semaphore(%arg14 : memref<!tpu.dma_semaphore, #tpu.memory_space<semaphore_mem>>) src(%dma_wait3A_168 : memref<64x128xf32, #tpu.memory_space<hbm>>) dst(%dma_wait3A_165 : memref<64x128xf32, #tpu.memory_space<vmem>>)
        } else {
        }
        %add3A_131 = arith.constant 1 : i32
        %add3A_132 = arith.addi %scan3A_70, %add3A_131 : i32
        %lt3A_133 = arith.constant 20 : i32
        %lt3A_134 = arith.cmpi slt, %add3A_132, %lt3A_133 : i32
        %convert_element_type3A_135 = arith.extui %lt3A_134 : i1 to i32
        %cond3A_136 = arith.constant 0 : i32
        %cond3A_137 = arith.cmpi ne, %convert_element_type3A_135, %cond3A_136 : i32
        scf.if %cond3A_137 {
          %add3A_154 = arith.constant 1 : i32
          %add3A_155 = arith.addi %scan3A_70, %add3A_154 : i32
          %mul3A_156 = arith.constant 2 : i32
          %mul3A_157 = arith.muli %mul3A_156, %add3A_155 : i32
          %add3A_158 = arith.constant 1 : i32
          %add3A_159 = arith.addi %mul3A_157, %add3A_158 : i32
          %sub3A = arith.constant 1 : i32
          %sub3A_160 = arith.subi %sub3A, %rem3A_71 : i32
          %add3A_161 = arith.constant 2 : i32
          %add3A_162 = arith.addi %add3A_161, %sub3A_160 : i32
          %dma_start3A_163 = arith.constant 0 : i32
          %dma_start3A_164 = arith.constant 0 : i32
          %dma_start3A_165 = tpu.memref_slice %arg10[%add3A_162, %dma_start3A_163, %dma_start3A_164] : memref<4x64x128xf32, #tpu.memory_space<vmem>> -> memref<1x64x128xf32, #tpu.memory_space<vmem>>
          %dma_start3A_166 = tpu.memref_squeeze %dma_start3A_165 : memref<1x64x128xf32, #tpu.memory_space<vmem>> -> memref<64x128xf32, #tpu.memory_space<vmem>>
          %dma_start3A_167 = arith.constant 0 : i32
          %dma_start3A_168 = tpu.memref_slice %arg8[%add3A_159, %dma_start3A_167] : memref<40x64xi32, #tpu.memory_space<vmem>> -> memref<1x64xi32, #tpu.memory_space<vmem>>
          %dma_start3A_169 = tpu.memref_squeeze %dma_start3A_168 : memref<1x64xi32, #tpu.memory_space<vmem>> -> memref<64xi32, #tpu.memory_space<vmem>>
          %dma_start3A_170 = arith.constant 0 : i32
          %dma_start3A_171 = arith.constant 0 : i32
          %dma_start3A_172 = tpu.memref_slice %arg2[%dma_start3A_170, %dma_start3A_171] : memref<10000x128xf32, #tpu.memory_space<hbm>> -> memref<10000x128xf32, #tpu.memory_space<hbm>>
          tpu.enqueue_indirect_dma source(%dma_start3A_172 : memref<10000x128xf32, #tpu.memory_space<hbm>>) target(%dma_start3A_166 : memref<64x128xf32, #tpu.memory_space<vmem>>) offsets(%dma_start3A_169 : memref<64xi32, #tpu.memory_space<vmem>>) semaphore(%arg13 : memref<!tpu.dma_semaphore, #tpu.memory_space<semaphore_mem>>)
        } else {
        }
        %mul3A_138 = arith.constant 2 : i32
        %mul3A_139 = arith.muli %mul3A_138, %scan3A_70 : i32
        %add3A_140 = arith.constant 1 : i32
        %add3A_141 = arith.addi %mul3A_139, %add3A_140 : i32
        %add3A_142 = arith.constant 2 : i32
        %add3A_143 = arith.addi %add3A_142, %rem3A_71 : i32
        %dma_start3A_144 = arith.constant 0 : i32
        %dma_start3A_145 = arith.constant 0 : i32
        %dma_start3A_146 = tpu.memref_slice %arg10[%add3A_143, %dma_start3A_144, %dma_start3A_145] : memref<4x64x128xf32, #tpu.memory_space<vmem>> -> memref<1x64x128xf32, #tpu.memory_space<vmem>>
        %dma_start3A_147 = tpu.memref_squeeze %dma_start3A_146 : memref<1x64x128xf32, #tpu.memory_space<vmem>> -> memref<64x128xf32, #tpu.memory_space<vmem>>
        %dma_start3A_148 = arith.constant 0 : i32
        %dma_start3A_149 = tpu.memref_slice %arg9[%add3A_141, %dma_start3A_148] : memref<40x64xi32, #tpu.memory_space<vmem>> -> memref<1x64xi32, #tpu.memory_space<vmem>>
        %dma_start3A_150 = tpu.memref_squeeze %dma_start3A_149 : memref<1x64xi32, #tpu.memory_space<vmem>> -> memref<64xi32, #tpu.memory_space<vmem>>
        %dma_start3A_151 = arith.constant 0 : i32
        %dma_start3A_152 = arith.constant 0 : i32
        %dma_start3A_153 = tpu.memref_slice %arg7[%dma_start3A_151, %dma_start3A_152] : memref<10112x128xf32, #tpu.memory_space<vmem_shared>> -> memref<10112x128xf32, #tpu.memory_space<vmem_shared>>
        tpu.enqueue_indirect_dma source(%dma_start3A_147 : memref<64x128xf32, #tpu.memory_space<vmem>>) target(%dma_start3A_153 : memref<10112x128xf32, #tpu.memory_space<vmem_shared>>) offsets(%dma_start3A_150 : memref<64xi32, #tpu.memory_space<vmem>>) semaphore(%arg14 : memref<!tpu.dma_semaphore, #tpu.memory_space<semaphore_mem>>) {add = true}
      }
      %scan3A_40 = arith.constant 20 : i32
      %dma_wait3A = arith.constant 0 : i32
      %dma_wait3A_41 = arith.constant 0 : i32
      %dma_wait3A_42 = arith.constant 0 : i32
      %dma_wait3A_43 = tpu.memref_slice %arg10[%dma_wait3A, %dma_wait3A_41, %dma_wait3A_42] : memref<4x64x128xf32, #tpu.memory_space<vmem>> -> memref<1x64x128xf32, #tpu.memory_space<vmem>>
      %dma_wait3A_44 = tpu.memref_squeeze %dma_wait3A_43 : memref<1x64x128xf32, #tpu.memory_space<vmem>> -> memref<64x128xf32, #tpu.memory_space<vmem>>
      %dma_wait3A_45 = arith.constant 0 : i32
      %dma_wait3A_46 = arith.constant 0 : i32
      %dma_wait3A_47 = tpu.memref_slice %arg2[%dma_wait3A_45, %dma_wait3A_46] : memref<10000x128xf32, #tpu.memory_space<hbm>> -> memref<64x128xf32, #tpu.memory_space<hbm>>
      %dma_wait3A_48 = arith.constant 0 : i32
      %dma_wait3A_49 = arith.constant 0 : i32
      %dma_wait3A_50 = tpu.memref_slice %arg10[%dma_wait3A, %dma_wait3A_48, %dma_wait3A_49] : memref<4x64x128xf32, #tpu.memory_space<vmem>> -> memref<1x64x128xf32, #tpu.memory_space<vmem>>
      %dma_wait3A_51 = tpu.memref_squeeze %dma_wait3A_50 : memref<1x64x128xf32, #tpu.memory_space<vmem>> -> memref<64x128xf32, #tpu.memory_space<vmem>>
      %dma_wait3A_52 = arith.constant 0 : i32
      %dma_wait3A_53 = arith.constant 0 : i32
      %dma_wait3A_54 = tpu.memref_slice %arg2[%dma_wait3A_52, %dma_wait3A_53] : memref<10000x128xf32, #tpu.memory_space<hbm>> -> memref<64x128xf32, #tpu.memory_space<hbm>>
      tpu.wait_dma2 semaphore(%arg12 : memref<!tpu.dma_semaphore, #tpu.memory_space<semaphore_mem>>) src(%dma_wait3A_54 : memref<64x128xf32, #tpu.memory_space<hbm>>) dst(%dma_wait3A_51 : memref<64x128xf32, #tpu.memory_space<vmem>>)
      %dma_wait3A_55 = arith.constant 0 : i32
      %dma_wait3A_56 = arith.constant 0 : i32
      %dma_wait3A_57 = arith.constant 0 : i32
      %dma_wait3A_58 = tpu.memref_slice %arg10[%dma_wait3A_55, %dma_wait3A_56, %dma_wait3A_57] : memref<4x64x128xf32, #tpu.memory_space<vmem>> -> memref<1x64x128xf32, #tpu.memory_space<vmem>>
      %dma_wait3A_59 = tpu.memref_squeeze %dma_wait3A_58 : memref<1x64x128xf32, #tpu.memory_space<vmem>> -> memref<64x128xf32, #tpu.memory_space<vmem>>
      %dma_wait3A_60 = arith.constant 0 : i32
      %dma_wait3A_61 = arith.constant 0 : i32
      %dma_wait3A_62 = tpu.memref_slice %arg2[%dma_wait3A_60, %dma_wait3A_61] : memref<10000x128xf32, #tpu.memory_space<hbm>> -> memref<64x128xf32, #tpu.memory_space<hbm>>
      %dma_wait3A_63 = arith.constant 0 : i32
      %dma_wait3A_64 = arith.constant 0 : i32
      %dma_wait3A_65 = tpu.memref_slice %arg10[%dma_wait3A_55, %dma_wait3A_63, %dma_wait3A_64] : memref<4x64x128xf32, #tpu.memory_space<vmem>> -> memref<1x64x128xf32, #tpu.memory_space<vmem>>
      %dma_wait3A_66 = tpu.memref_squeeze %dma_wait3A_65 : memref<1x64x128xf32, #tpu.memory_space<vmem>> -> memref<64x128xf32, #tpu.memory_space<vmem>>
      %dma_wait3A_67 = arith.constant 0 : i32
      %dma_wait3A_68 = arith.constant 0 : i32
      %dma_wait3A_69 = tpu.memref_slice %arg2[%dma_wait3A_67, %dma_wait3A_68] : memref<10000x128xf32, #tpu.memory_space<hbm>> -> memref<64x128xf32, #tpu.memory_space<hbm>>
      tpu.wait_dma2 semaphore(%arg14 : memref<!tpu.dma_semaphore, #tpu.memory_space<semaphore_mem>>) src(%dma_wait3A_69 : memref<64x128xf32, #tpu.memory_space<hbm>>) dst(%dma_wait3A_66 : memref<64x128xf32, #tpu.memory_space<vmem>>)
    }
    %scan3A_7 = arith.constant 8 : i32
    %barrier3A_8 = arith.constant 0 : index
    tpu.barrier barrier_id(%barrier3A_8)
    "tpu.region"() ({
      %run_scoped3A = tpu.sem_alloc : memref<!tpu.dma_semaphore, #tpu.memory_space<semaphore_mem>>
      %dma_start3A = arith.constant 0 : i32
      %dma_start3A_9 = tpu.memref_slice %arg6[%arg0, %mul3A_0, %dma_start3A] : memref<2x10112x128xf32, #tpu.memory_space<hbm>> -> memref<1x632x128xf32, #tpu.memory_space<hbm>>
      %dma_start3A_10 = tpu.memref_squeeze %dma_start3A_9 : memref<1x632x128xf32, #tpu.memory_space<hbm>> -> memref<632x128xf32, #tpu.memory_space<hbm>>
      %dma_start3A_11 = arith.constant 0 : i32
      %dma_start3A_12 = tpu.memref_slice %arg7[%mul3A_0, %dma_start3A_11] : memref<10112x128xf32, #tpu.memory_space<vmem_shared>> -> memref<632x128xf32, #tpu.memory_space<vmem_shared>>
      tpu.enqueue_dma source(%dma_start3A_12 : memref<632x128xf32, #tpu.memory_space<vmem_shared>>) target(%dma_start3A_10 : memref<632x128xf32, #tpu.memory_space<hbm>>) target_semaphore(%run_scoped3A : memref<!tpu.dma_semaphore, #tpu.memory_space<semaphore_mem>>)
      %dma_wait3A = arith.constant 0 : i32
      %dma_wait3A_13 = tpu.memref_slice %arg6[%arg0, %mul3A_0, %dma_wait3A] : memref<2x10112x128xf32, #tpu.memory_space<hbm>> -> memref<1x632x128xf32, #tpu.memory_space<hbm>>
      %dma_wait3A_14 = tpu.memref_squeeze %dma_wait3A_13 : memref<1x632x128xf32, #tpu.memory_space<hbm>> -> memref<632x128xf32, #tpu.memory_space<hbm>>
      %dma_wait3A_15 = arith.constant 0 : i32
      %dma_wait3A_16 = tpu.memref_slice %arg7[%mul3A_0, %dma_wait3A_15] : memref<10112x128xf32, #tpu.memory_space<vmem_shared>> -> memref<632x128xf32, #tpu.memory_space<vmem_shared>>
      tpu.wait_dma2 semaphore(%run_scoped3A : memref<!tpu.dma_semaphore, #tpu.memory_space<semaphore_mem>>) src(%dma_wait3A_16 : memref<632x128xf32, #tpu.memory_space<vmem_shared>>) dst(%dma_wait3A_14 : memref<632x128xf32, #tpu.memory_space<hbm>>)
      tpu.yield
    }) : () -> ()
    return
  }
}

#map = affine_map<(d0, d1) -> (0, 0)>
#map1 = affine_map<(d0, d1) -> (0, 0, 0)>
module attributes {stable_mosaic.version = 14 : i64} {
  func.func @_agg_body(%arg0: i32, %arg1: i32, %arg2: memref<10000x128xf32, #tpu.memory_space<hbm>>, %arg3: memref<2x5120x64xi32, #tpu.memory_space<hbm>>, %arg4: memref<2x5120x64xi32, #tpu.memory_space<hbm>>, %arg5: memref<632x128xf32, #tpu.memory_space<hbm>>, %arg6: memref<2x10112x128xf32, #tpu.memory_space<hbm>>, %arg7: memref<10112x128xf32, #tpu.memory_space<vmem_shared>>, %arg8: memref<40x64xi32, #tpu.memory_space<vmem>>, %arg9: memref<40x64xi32, #tpu.memory_space<vmem>>, %arg10: memref<4x64x128xf32, #tpu.memory_space<vmem>>, %arg11: memref<!tpu.dma_semaphore, #tpu.memory_space<semaphore_mem>>, %arg12: memref<!tpu.dma_semaphore, #tpu.memory_space<semaphore_mem>>, %arg13: memref<!tpu.dma_semaphore, #tpu.memory_space<semaphore_mem>>, %arg14: memref<!tpu.dma_semaphore, #tpu.memory_space<semaphore_mem>>) attributes {dimension_semantics = [#tpu.dimension_semantics<core_parallel>, #tpu.dimension_semantics<subcore_parallel>], iteration_bounds = array<i64: 2, 16>, scalar_prefetch = 0 : i64, scratch_operands = 8 : i64, tpu.core_type = #tpu.core_type<sc_vector_subcore>, window_params = [{transform_indices = #map}, {transform_indices = #map1}, {transform_indices = #map1}, {transform_indices = #map}, {transform_indices = #map1}]} {
    %mul3A = arith.constant 632 : i32
    %mul3A_0 = arith.muli %arg1, %mul3A : i32
    "tpu.region"() ({
      %run_scoped3A = tpu.sem_alloc : memref<!tpu.dma_semaphore, #tpu.memory_space<semaphore_mem>>
      %dma_start3A = arith.constant 0 : i32
      %dma_start3A_9 = tpu.memref_slice %arg7[%mul3A_0, %dma_start3A] : memref<10112x128xf32, #tpu.memory_space<vmem_shared>> -> memref<632x128xf32, #tpu.memory_space<vmem_shared>>
      tpu.enqueue_dma source(%arg5 : memref<632x128xf32, #tpu.memory_space<hbm>>) target(%dma_start3A_9 : memref<632x128xf32, #tpu.memory_space<vmem_shared>>) target_semaphore(%run_scoped3A : memref<!tpu.dma_semaphore, #tpu.memory_space<semaphore_mem>>)
      %dma_wait3A = arith.constant 0 : i32
      %dma_wait3A_10 = tpu.memref_slice %arg7[%mul3A_0, %dma_wait3A] : memref<10112x128xf32, #tpu.memory_space<vmem_shared>> -> memref<632x128xf32, #tpu.memory_space<vmem_shared>>
      tpu.wait_dma2 semaphore(%run_scoped3A : memref<!tpu.dma_semaphore, #tpu.memory_space<semaphore_mem>>) src(%arg5 : memref<632x128xf32, #tpu.memory_space<hbm>>) dst(%dma_wait3A_10 : memref<632x128xf32, #tpu.memory_space<vmem_shared>>)
      tpu.yield
    }) : () -> ()
    %barrier3A = arith.constant 0 : index
    tpu.barrier barrier_id(%barrier3A)
    %mul3A_1 = arith.constant 320 : i32
    %mul3A_2 = arith.muli %arg1, %mul3A_1 : i32
    %scan3A = arith.constant 0 : i32
    %scan3A_3 = arith.constant 0 : i32
    %scan3A_4 = arith.constant 8 : i32
    %scan3A_5 = arith.addi %scan3A_3, %scan3A_4 : i32
    %scan3A_6 = arith.constant 1 : i32
    scf.for %scan3A_9 = %scan3A_3 to %scan3A_5 step %scan3A_6  : i32 {
      %mul3A_10 = arith.constant 40 : i32
      %mul3A_11 = arith.muli %scan3A_9, %mul3A_10 : i32
      %add3A = arith.addi %mul3A_2, %mul3A_11 : i32
      "tpu.region"() ({
        %run_scoped3A = tpu.sem_alloc : memref<!tpu.dma_semaphore, #tpu.memory_space<semaphore_mem>>
        %dma_start3A_70 = arith.constant 0 : i32
        %dma_start3A_71 = tpu.memref_slice %arg3[%arg0, %add3A, %dma_start3A_70] : memref<2x5120x64xi32, #tpu.memory_space<hbm>> -> memref<1x40x64xi32, #tpu.memory_space<hbm>>
        %dma_start3A_72 = tpu.memref_squeeze %dma_start3A_71 : memref<1x40x64xi32, #tpu.memory_space<hbm>> -> memref<40x64xi32, #tpu.memory_space<hbm>>
        %dma_start3A_73 = arith.constant 0 : i32
        %dma_start3A_74 = tpu.memref_slice %arg3[%arg0, %add3A, %dma_start3A_73] : memref<2x5120x64xi32, #tpu.memory_space<hbm>> -> memref<1x40x64xi32, #tpu.memory_space<hbm>>
        %dma_start3A_75 = tpu.memref_squeeze %dma_start3A_74 : memref<1x40x64xi32, #tpu.memory_space<hbm>> -> memref<40x64xi32, #tpu.memory_space<hbm>>
        tpu.enqueue_dma source(%dma_start3A_75 : memref<40x64xi32, #tpu.memory_space<hbm>>) target(%arg8 : memref<40x64xi32, #tpu.memory_space<vmem>>) target_semaphore(%run_scoped3A : memref<!tpu.dma_semaphore, #tpu.memory_space<semaphore_mem>>)
        %dma_wait3A_76 = arith.constant 0 : i32
        %dma_wait3A_77 = tpu.memref_slice %arg3[%arg0, %add3A, %dma_wait3A_76] : memref<2x5120x64xi32, #tpu.memory_space<hbm>> -> memref<1x40x64xi32, #tpu.memory_space<hbm>>
        %dma_wait3A_78 = tpu.memref_squeeze %dma_wait3A_77 : memref<1x40x64xi32, #tpu.memory_space<hbm>> -> memref<40x64xi32, #tpu.memory_space<hbm>>
        %dma_wait3A_79 = arith.constant 0 : i32
        %dma_wait3A_80 = tpu.memref_slice %arg3[%arg0, %add3A, %dma_wait3A_79] : memref<2x5120x64xi32, #tpu.memory_space<hbm>> -> memref<1x40x64xi32, #tpu.memory_space<hbm>>
        %dma_wait3A_81 = tpu.memref_squeeze %dma_wait3A_80 : memref<1x40x64xi32, #tpu.memory_space<hbm>> -> memref<40x64xi32, #tpu.memory_space<hbm>>
        tpu.wait_dma2 semaphore(%run_scoped3A : memref<!tpu.dma_semaphore, #tpu.memory_space<semaphore_mem>>) src(%dma_wait3A_81 : memref<40x64xi32, #tpu.memory_space<hbm>>) dst(%arg8 : memref<40x64xi32, #tpu.memory_space<vmem>>)
        tpu.yield
      }) : () -> ()
      "tpu.region"() ({
        %run_scoped3A = tpu.sem_alloc : memref<!tpu.dma_semaphore, #tpu.memory_space<semaphore_mem>>
        %dma_start3A_70 = arith.constant 0 : i32
        %dma_start3A_71 = tpu.memref_slice %arg4[%arg0, %add3A, %dma_start3A_70] : memref<2x5120x64xi32, #tpu.memory_space<hbm>> -> memref<1x40x64xi32, #tpu.memory_space<hbm>>
        %dma_start3A_72 = tpu.memref_squeeze %dma_start3A_71 : memref<1x40x64xi32, #tpu.memory_space<hbm>> -> memref<40x64xi32, #tpu.memory_space<hbm>>
        %dma_start3A_73 = arith.constant 0 : i32
        %dma_start3A_74 = tpu.memref_slice %arg4[%arg0, %add3A, %dma_start3A_73] : memref<2x5120x64xi32, #tpu.memory_space<hbm>> -> memref<1x40x64xi32, #tpu.memory_space<hbm>>
        %dma_start3A_75 = tpu.memref_squeeze %dma_start3A_74 : memref<1x40x64xi32, #tpu.memory_space<hbm>> -> memref<40x64xi32, #tpu.memory_space<hbm>>
        tpu.enqueue_dma source(%dma_start3A_75 : memref<40x64xi32, #tpu.memory_space<hbm>>) target(%arg9 : memref<40x64xi32, #tpu.memory_space<vmem>>) target_semaphore(%run_scoped3A : memref<!tpu.dma_semaphore, #tpu.memory_space<semaphore_mem>>)
        %dma_wait3A_76 = arith.constant 0 : i32
        %dma_wait3A_77 = tpu.memref_slice %arg4[%arg0, %add3A, %dma_wait3A_76] : memref<2x5120x64xi32, #tpu.memory_space<hbm>> -> memref<1x40x64xi32, #tpu.memory_space<hbm>>
        %dma_wait3A_78 = tpu.memref_squeeze %dma_wait3A_77 : memref<1x40x64xi32, #tpu.memory_space<hbm>> -> memref<40x64xi32, #tpu.memory_space<hbm>>
        %dma_wait3A_79 = arith.constant 0 : i32
        %dma_wait3A_80 = tpu.memref_slice %arg4[%arg0, %add3A, %dma_wait3A_79] : memref<2x5120x64xi32, #tpu.memory_space<hbm>> -> memref<1x40x64xi32, #tpu.memory_space<hbm>>
        %dma_wait3A_81 = tpu.memref_squeeze %dma_wait3A_80 : memref<1x40x64xi32, #tpu.memory_space<hbm>> -> memref<40x64xi32, #tpu.memory_space<hbm>>
        tpu.wait_dma2 semaphore(%run_scoped3A : memref<!tpu.dma_semaphore, #tpu.memory_space<semaphore_mem>>) src(%dma_wait3A_81 : memref<40x64xi32, #tpu.memory_space<hbm>>) dst(%arg9 : memref<40x64xi32, #tpu.memory_space<vmem>>)
        tpu.yield
      }) : () -> ()
      %dma_start3A = arith.constant 0 : i32
      %dma_start3A_12 = arith.constant 0 : i32
      %dma_start3A_13 = arith.constant 0 : i32
      %dma_start3A_14 = arith.constant 0 : i32
      %dma_start3A_15 = tpu.memref_slice %arg10[%dma_start3A_12, %dma_start3A_13, %dma_start3A_14] : memref<4x64x128xf32, #tpu.memory_space<vmem>> -> memref<1x64x128xf32, #tpu.memory_space<vmem>>
      %dma_start3A_16 = tpu.memref_squeeze %dma_start3A_15 : memref<1x64x128xf32, #tpu.memory_space<vmem>> -> memref<64x128xf32, #tpu.memory_space<vmem>>
      %dma_start3A_17 = arith.constant 0 : i32
      %dma_start3A_18 = tpu.memref_slice %arg8[%dma_start3A, %dma_start3A_17] : memref<40x64xi32, #tpu.memory_space<vmem>> -> memref<1x64xi32, #tpu.memory_space<vmem>>
      %dma_start3A_19 = tpu.memref_squeeze %dma_start3A_18 : memref<1x64xi32, #tpu.memory_space<vmem>> -> memref<64xi32, #tpu.memory_space<vmem>>
      %dma_start3A_20 = arith.constant 0 : i32
      %dma_start3A_21 = arith.constant 0 : i32
      %dma_start3A_22 = tpu.memref_slice %arg2[%dma_start3A_20, %dma_start3A_21] : memref<10000x128xf32, #tpu.memory_space<hbm>> -> memref<10000x128xf32, #tpu.memory_space<hbm>>
      tpu.enqueue_indirect_dma source(%dma_start3A_22 : memref<10000x128xf32, #tpu.memory_space<hbm>>) target(%dma_start3A_16 : memref<64x128xf32, #tpu.memory_space<vmem>>) offsets(%dma_start3A_19 : memref<64xi32, #tpu.memory_space<vmem>>) semaphore(%arg11 : memref<!tpu.dma_semaphore, #tpu.memory_space<semaphore_mem>>)
      %dma_start3A_23 = arith.constant 1 : i32
      %dma_start3A_24 = arith.constant 2 : i32
      %dma_start3A_25 = arith.constant 0 : i32
      %dma_start3A_26 = arith.constant 0 : i32
      %dma_start3A_27 = tpu.memref_slice %arg10[%dma_start3A_24, %dma_start3A_25, %dma_start3A_26] : memref<4x64x128xf32, #tpu.memory_space<vmem>> -> memref<1x64x128xf32, #tpu.memory_space<vmem>>
      %dma_start3A_28 = tpu.memref_squeeze %dma_start3A_27 : memref<1x64x128xf32, #tpu.memory_space<vmem>> -> memref<64x128xf32, #tpu.memory_space<vmem>>
      %dma_start3A_29 = arith.constant 0 : i32
      %dma_start3A_30 = tpu.memref_slice %arg8[%dma_start3A_23, %dma_start3A_29] : memref<40x64xi32, #tpu.memory_space<vmem>> -> memref<1x64xi32, #tpu.memory_space<vmem>>
      %dma_start3A_31 = tpu.memref_squeeze %dma_start3A_30 : memref<1x64xi32, #tpu.memory_space<vmem>> -> memref<64xi32, #tpu.memory_space<vmem>>
      %dma_start3A_32 = arith.constant 0 : i32
      %dma_start3A_33 = arith.constant 0 : i32
      %dma_start3A_34 = tpu.memref_slice %arg2[%dma_start3A_32, %dma_start3A_33] : memref<10000x128xf32, #tpu.memory_space<hbm>> -> memref<10000x128xf32, #tpu.memory_space<hbm>>
      tpu.enqueue_indirect_dma source(%dma_start3A_34 : memref<10000x128xf32, #tpu.memory_space<hbm>>) target(%dma_start3A_28 : memref<64x128xf32, #tpu.memory_space<vmem>>) offsets(%dma_start3A_31 : memref<64xi32, #tpu.memory_space<vmem>>) semaphore(%arg13 : memref<!tpu.dma_semaphore, #tpu.memory_space<semaphore_mem>>)
      %scan3A_35 = arith.constant 0 : i32
      %scan3A_36 = arith.constant 0 : i32
      %scan3A_37 = arith.constant 20 : i32
      %scan3A_38 = arith.addi %scan3A_36, %scan3A_37 : i32
      %scan3A_39 = arith.constant 1 : i32
      scf.for %scan3A_70 = %scan3A_36 to %scan3A_38 step %scan3A_39  : i32 {
        %rem3A = arith.constant 2 : i32
        %rem3A_71 = arith.remsi %scan3A_70, %rem3A : i32
        %dma_wait3A_72 = arith.constant 0 : i32
        %dma_wait3A_73 = arith.constant 0 : i32
        %dma_wait3A_74 = arith.constant 0 : i32
        %dma_wait3A_75 = tpu.memref_slice %arg10[%dma_wait3A_72, %dma_wait3A_73, %dma_wait3A_74] : memref<4x64x128xf32, #tpu.memory_space<vmem>> -> memref<1x64x128xf32, #tpu.memory_space<vmem>>
        %dma_wait3A_76 = tpu.memref_squeeze %dma_wait3A_75 : memref<1x64x128xf32, #tpu.memory_space<vmem>> -> memref<64x128xf32, #tpu.memory_space<vmem>>
        %dma_wait3A_77 = arith.constant 0 : i32
        %dma_wait3A_78 = arith.constant 0 : i32
        %dma_wait3A_79 = tpu.memref_slice %arg2[%dma_wait3A_77, %dma_wait3A_78] : memref<10000x128xf32, #tpu.memory_space<hbm>> -> memref<64x128xf32, #tpu.memory_space<hbm>>
        %dma_wait3A_80 = arith.constant 0 : i32
        %dma_wait3A_81 = arith.constant 0 : i32
        %dma_wait3A_82 = tpu.memref_slice %arg10[%dma_wait3A_72, %dma_wait3A_80, %dma_wait3A_81] : memref<4x64x128xf32, #tpu.memory_space<vmem>> -> memref<1x64x128xf32, #tpu.memory_space<vmem>>
        %dma_wait3A_83 = tpu.memref_squeeze %dma_wait3A_82 : memref<1x64x128xf32, #tpu.memory_space<vmem>> -> memref<64x128xf32, #tpu.memory_space<vmem>>
        %dma_wait3A_84 = arith.constant 0 : i32
        %dma_wait3A_85 = arith.constant 0 : i32
        %dma_wait3A_86 = tpu.memref_slice %arg2[%dma_wait3A_84, %dma_wait3A_85] : memref<10000x128xf32, #tpu.memory_space<hbm>> -> memref<64x128xf32, #tpu.memory_space<hbm>>
        tpu.wait_dma2 semaphore(%arg11 : memref<!tpu.dma_semaphore, #tpu.memory_space<semaphore_mem>>) src(%dma_wait3A_86 : memref<64x128xf32, #tpu.memory_space<hbm>>) dst(%dma_wait3A_83 : memref<64x128xf32, #tpu.memory_space<vmem>>)
        %gt3A = arith.constant 0 : i32
        %gt3A_87 = arith.cmpi sgt, %scan3A_70, %gt3A : i32
        %convert_element_type3A = arith.extui %gt3A_87 : i1 to i32
        %cond3A = arith.constant 0 : i32
        %cond3A_88 = arith.cmpi ne, %convert_element_type3A, %cond3A : i32
        scf.if %cond3A_88 {
          %dma_wait3A_154 = arith.constant 0 : i32
          %dma_wait3A_155 = arith.constant 0 : i32
          %dma_wait3A_156 = arith.constant 0 : i32
          %dma_wait3A_157 = tpu.memref_slice %arg10[%dma_wait3A_154, %dma_wait3A_155, %dma_wait3A_156] : memref<4x64x128xf32, #tpu.memory_space<vmem>> -> memref<1x64x128xf32, #tpu.memory_space<vmem>>
          %dma_wait3A_158 = tpu.memref_squeeze %dma_wait3A_157 : memref<1x64x128xf32, #tpu.memory_space<vmem>> -> memref<64x128xf32, #tpu.memory_space<vmem>>
          %dma_wait3A_159 = arith.constant 0 : i32
          %dma_wait3A_160 = arith.constant 0 : i32
          %dma_wait3A_161 = tpu.memref_slice %arg2[%dma_wait3A_159, %dma_wait3A_160] : memref<10000x128xf32, #tpu.memory_space<hbm>> -> memref<64x128xf32, #tpu.memory_space<hbm>>
          %dma_wait3A_162 = arith.constant 0 : i32
          %dma_wait3A_163 = arith.constant 0 : i32
          %dma_wait3A_164 = tpu.memref_slice %arg10[%dma_wait3A_154, %dma_wait3A_162, %dma_wait3A_163] : memref<4x64x128xf32, #tpu.memory_space<vmem>> -> memref<1x64x128xf32, #tpu.memory_space<vmem>>
          %dma_wait3A_165 = tpu.memref_squeeze %dma_wait3A_164 : memref<1x64x128xf32, #tpu.memory_space<vmem>> -> memref<64x128xf32, #tpu.memory_space<vmem>>
          %dma_wait3A_166 = arith.constant 0 : i32
          %dma_wait3A_167 = arith.constant 0 : i32
          %dma_wait3A_168 = tpu.memref_slice %arg2[%dma_wait3A_166, %dma_wait3A_167] : memref<10000x128xf32, #tpu.memory_space<hbm>> -> memref<64x128xf32, #tpu.memory_space<hbm>>
          tpu.wait_dma2 semaphore(%arg12 : memref<!tpu.dma_semaphore, #tpu.memory_space<semaphore_mem>>) src(%dma_wait3A_168 : memref<64x128xf32, #tpu.memory_space<hbm>>) dst(%dma_wait3A_165 : memref<64x128xf32, #tpu.memory_space<vmem>>)
        } else {
        }
        %add3A_89 = arith.constant 1 : i32
        %add3A_90 = arith.addi %scan3A_70, %add3A_89 : i32
        %lt3A = arith.constant 20 : i32
        %lt3A_91 = arith.cmpi slt, %add3A_90, %lt3A : i32
        %convert_element_type3A_92 = arith.extui %lt3A_91 : i1 to i32
        %cond3A_93 = arith.constant 0 : i32
        %cond3A_94 = arith.cmpi ne, %convert_element_type3A_92, %cond3A_93 : i32
        scf.if %cond3A_94 {
          %add3A_154 = arith.constant 1 : i32
          %add3A_155 = arith.addi %scan3A_70, %add3A_154 : i32
          %mul3A_156 = arith.constant 2 : i32
          %mul3A_157 = arith.muli %mul3A_156, %add3A_155 : i32
          %add3A_158 = arith.constant 0 : i32
          %add3A_159 = arith.addi %mul3A_157, %add3A_158 : i32
          %sub3A = arith.constant 1 : i32
          %sub3A_160 = arith.subi %sub3A, %rem3A_71 : i32
          %add3A_161 = arith.constant 0 : i32
          %add3A_162 = arith.addi %add3A_161, %sub3A_160 : i32
          %dma_start3A_163 = arith.constant 0 : i32
          %dma_start3A_164 = arith.constant 0 : i32
          %dma_start3A_165 = tpu.memref_slice %arg10[%add3A_162, %dma_start3A_163, %dma_start3A_164] : memref<4x64x128xf32, #tpu.memory_space<vmem>> -> memref<1x64x128xf32, #tpu.memory_space<vmem>>
          %dma_start3A_166 = tpu.memref_squeeze %dma_start3A_165 : memref<1x64x128xf32, #tpu.memory_space<vmem>> -> memref<64x128xf32, #tpu.memory_space<vmem>>
          %dma_start3A_167 = arith.constant 0 : i32
          %dma_start3A_168 = tpu.memref_slice %arg8[%add3A_159, %dma_start3A_167] : memref<40x64xi32, #tpu.memory_space<vmem>> -> memref<1x64xi32, #tpu.memory_space<vmem>>
          %dma_start3A_169 = tpu.memref_squeeze %dma_start3A_168 : memref<1x64xi32, #tpu.memory_space<vmem>> -> memref<64xi32, #tpu.memory_space<vmem>>
          %dma_start3A_170 = arith.constant 0 : i32
          %dma_start3A_171 = arith.constant 0 : i32
          %dma_start3A_172 = tpu.memref_slice %arg2[%dma_start3A_170, %dma_start3A_171] : memref<10000x128xf32, #tpu.memory_space<hbm>> -> memref<10000x128xf32, #tpu.memory_space<hbm>>
          tpu.enqueue_indirect_dma source(%dma_start3A_172 : memref<10000x128xf32, #tpu.memory_space<hbm>>) target(%dma_start3A_166 : memref<64x128xf32, #tpu.memory_space<vmem>>) offsets(%dma_start3A_169 : memref<64xi32, #tpu.memory_space<vmem>>) semaphore(%arg11 : memref<!tpu.dma_semaphore, #tpu.memory_space<semaphore_mem>>)
        } else {
        }
        %mul3A_95 = arith.constant 2 : i32
        %mul3A_96 = arith.muli %mul3A_95, %scan3A_70 : i32
        %add3A_97 = arith.constant 0 : i32
        %add3A_98 = arith.addi %mul3A_96, %add3A_97 : i32
        %add3A_99 = arith.constant 0 : i32
        %add3A_100 = arith.addi %add3A_99, %rem3A_71 : i32
        %dma_start3A_101 = arith.constant 0 : i32
        %dma_start3A_102 = arith.constant 0 : i32
        %dma_start3A_103 = tpu.memref_slice %arg10[%add3A_100, %dma_start3A_101, %dma_start3A_102] : memref<4x64x128xf32, #tpu.memory_space<vmem>> -> memref<1x64x128xf32, #tpu.memory_space<vmem>>
        %dma_start3A_104 = tpu.memref_squeeze %dma_start3A_103 : memref<1x64x128xf32, #tpu.memory_space<vmem>> -> memref<64x128xf32, #tpu.memory_space<vmem>>
        %dma_start3A_105 = arith.constant 0 : i32
        %dma_start3A_106 = tpu.memref_slice %arg9[%add3A_98, %dma_start3A_105] : memref<40x64xi32, #tpu.memory_space<vmem>> -> memref<1x64xi32, #tpu.memory_space<vmem>>
        %dma_start3A_107 = tpu.memref_squeeze %dma_start3A_106 : memref<1x64xi32, #tpu.memory_space<vmem>> -> memref<64xi32, #tpu.memory_space<vmem>>
        %dma_start3A_108 = arith.constant 0 : i32
        %dma_start3A_109 = arith.constant 0 : i32
        %dma_start3A_110 = tpu.memref_slice %arg7[%dma_start3A_108, %dma_start3A_109] : memref<10112x128xf32, #tpu.memory_space<vmem_shared>> -> memref<10112x128xf32, #tpu.memory_space<vmem_shared>>
        tpu.enqueue_indirect_dma source(%dma_start3A_104 : memref<64x128xf32, #tpu.memory_space<vmem>>) target(%dma_start3A_110 : memref<10112x128xf32, #tpu.memory_space<vmem_shared>>) offsets(%dma_start3A_107 : memref<64xi32, #tpu.memory_space<vmem>>) semaphore(%arg12 : memref<!tpu.dma_semaphore, #tpu.memory_space<semaphore_mem>>) {add = true}
        %dma_wait3A_111 = arith.constant 0 : i32
        %dma_wait3A_112 = arith.constant 0 : i32
        %dma_wait3A_113 = arith.constant 0 : i32
        %dma_wait3A_114 = tpu.memref_slice %arg10[%dma_wait3A_111, %dma_wait3A_112, %dma_wait3A_113] : memref<4x64x128xf32, #tpu.memory_space<vmem>> -> memref<1x64x128xf32, #tpu.memory_space<vmem>>
        %dma_wait3A_115 = tpu.memref_squeeze %dma_wait3A_114 : memref<1x64x128xf32, #tpu.memory_space<vmem>> -> memref<64x128xf32, #tpu.memory_space<vmem>>
        %dma_wait3A_116 = arith.constant 0 : i32
        %dma_wait3A_117 = arith.constant 0 : i32
        %dma_wait3A_118 = tpu.memref_slice %arg2[%dma_wait3A_116, %dma_wait3A_117] : memref<10000x128xf32, #tpu.memory_space<hbm>> -> memref<64x128xf32, #tpu.memory_space<hbm>>
        %dma_wait3A_119 = arith.constant 0 : i32
        %dma_wait3A_120 = arith.constant 0 : i32
        %dma_wait3A_121 = tpu.memref_slice %arg10[%dma_wait3A_111, %dma_wait3A_119, %dma_wait3A_120] : memref<4x64x128xf32, #tpu.memory_space<vmem>> -> memref<1x64x128xf32, #tpu.memory_space<vmem>>
        %dma_wait3A_122 = tpu.memref_squeeze %dma_wait3A_121 : memref<1x64x128xf32, #tpu.memory_space<vmem>> -> memref<64x128xf32, #tpu.memory_space<vmem>>
        %dma_wait3A_123 = arith.constant 0 : i32
        %dma_wait3A_124 = arith.constant 0 : i32
        %dma_wait3A_125 = tpu.memref_slice %arg2[%dma_wait3A_123, %dma_wait3A_124] : memref<10000x128xf32, #tpu.memory_space<hbm>> -> memref<64x128xf32, #tpu.memory_space<hbm>>
        tpu.wait_dma2 semaphore(%arg13 : memref<!tpu.dma_semaphore, #tpu.memory_space<semaphore_mem>>) src(%dma_wait3A_125 : memref<64x128xf32, #tpu.memory_space<hbm>>) dst(%dma_wait3A_122 : memref<64x128xf32, #tpu.memory_space<vmem>>)
        %gt3A_126 = arith.constant 0 : i32
        %gt3A_127 = arith.cmpi sgt, %scan3A_70, %gt3A_126 : i32
        %convert_element_type3A_128 = arith.extui %gt3A_127 : i1 to i32
        %cond3A_129 = arith.constant 0 : i32
        %cond3A_130 = arith.cmpi ne, %convert_element_type3A_128, %cond3A_129 : i32
        scf.if %cond3A_130 {
          %dma_wait3A_154 = arith.constant 0 : i32
          %dma_wait3A_155 = arith.constant 0 : i32
          %dma_wait3A_156 = arith.constant 0 : i32
          %dma_wait3A_157 = tpu.memref_slice %arg10[%dma_wait3A_154, %dma_wait3A_155, %dma_wait3A_156] : memref<4x64x128xf32, #tpu.memory_space<vmem>> -> memref<1x64x128xf32, #tpu.memory_space<vmem>>
          %dma_wait3A_158 = tpu.memref_squeeze %dma_wait3A_157 : memref<1x64x128xf32, #tpu.memory_space<vmem>> -> memref<64x128xf32, #tpu.memory_space<vmem>>
          %dma_wait3A_159 = arith.constant 0 : i32
          %dma_wait3A_160 = arith.constant 0 : i32
          %dma_wait3A_161 = tpu.memref_slice %arg2[%dma_wait3A_159, %dma_wait3A_160] : memref<10000x128xf32, #tpu.memory_space<hbm>> -> memref<64x128xf32, #tpu.memory_space<hbm>>
          %dma_wait3A_162 = arith.constant 0 : i32
          %dma_wait3A_163 = arith.constant 0 : i32
          %dma_wait3A_164 = tpu.memref_slice %arg10[%dma_wait3A_154, %dma_wait3A_162, %dma_wait3A_163] : memref<4x64x128xf32, #tpu.memory_space<vmem>> -> memref<1x64x128xf32, #tpu.memory_space<vmem>>
          %dma_wait3A_165 = tpu.memref_squeeze %dma_wait3A_164 : memref<1x64x128xf32, #tpu.memory_space<vmem>> -> memref<64x128xf32, #tpu.memory_space<vmem>>
          %dma_wait3A_166 = arith.constant 0 : i32
          %dma_wait3A_167 = arith.constant 0 : i32
          %dma_wait3A_168 = tpu.memref_slice %arg2[%dma_wait3A_166, %dma_wait3A_167] : memref<10000x128xf32, #tpu.memory_space<hbm>> -> memref<64x128xf32, #tpu.memory_space<hbm>>
          tpu.wait_dma2 semaphore(%arg14 : memref<!tpu.dma_semaphore, #tpu.memory_space<semaphore_mem>>) src(%dma_wait3A_168 : memref<64x128xf32, #tpu.memory_space<hbm>>) dst(%dma_wait3A_165 : memref<64x128xf32, #tpu.memory_space<vmem>>)
        } else {
        }
        %add3A_131 = arith.constant 1 : i32
        %add3A_132 = arith.addi %scan3A_70, %add3A_131 : i32
        %lt3A_133 = arith.constant 20 : i32
        %lt3A_134 = arith.cmpi slt, %add3A_132, %lt3A_133 : i32
        %convert_element_type3A_135 = arith.extui %lt3A_134 : i1 to i32
        %cond3A_136 = arith.constant 0 : i32
        %cond3A_137 = arith.cmpi ne, %convert_element_type3A_135, %cond3A_136 : i32
        scf.if %cond3A_137 {
          %add3A_154 = arith.constant 1 : i32
          %add3A_155 = arith.addi %scan3A_70, %add3A_154 : i32
          %mul3A_156 = arith.constant 2 : i32
          %mul3A_157 = arith.muli %mul3A_156, %add3A_155 : i32
          %add3A_158 = arith.constant 1 : i32
          %add3A_159 = arith.addi %mul3A_157, %add3A_158 : i32
          %sub3A = arith.constant 1 : i32
          %sub3A_160 = arith.subi %sub3A, %rem3A_71 : i32
          %add3A_161 = arith.constant 2 : i32
          %add3A_162 = arith.addi %add3A_161, %sub3A_160 : i32
          %dma_start3A_163 = arith.constant 0 : i32
          %dma_start3A_164 = arith.constant 0 : i32
          %dma_start3A_165 = tpu.memref_slice %arg10[%add3A_162, %dma_start3A_163, %dma_start3A_164] : memref<4x64x128xf32, #tpu.memory_space<vmem>> -> memref<1x64x128xf32, #tpu.memory_space<vmem>>
          %dma_start3A_166 = tpu.memref_squeeze %dma_start3A_165 : memref<1x64x128xf32, #tpu.memory_space<vmem>> -> memref<64x128xf32, #tpu.memory_space<vmem>>
          %dma_start3A_167 = arith.constant 0 : i32
          %dma_start3A_168 = tpu.memref_slice %arg8[%add3A_159, %dma_start3A_167] : memref<40x64xi32, #tpu.memory_space<vmem>> -> memref<1x64xi32, #tpu.memory_space<vmem>>
          %dma_start3A_169 = tpu.memref_squeeze %dma_start3A_168 : memref<1x64xi32, #tpu.memory_space<vmem>> -> memref<64xi32, #tpu.memory_space<vmem>>
          %dma_start3A_170 = arith.constant 0 : i32
          %dma_start3A_171 = arith.constant 0 : i32
          %dma_start3A_172 = tpu.memref_slice %arg2[%dma_start3A_170, %dma_start3A_171] : memref<10000x128xf32, #tpu.memory_space<hbm>> -> memref<10000x128xf32, #tpu.memory_space<hbm>>
          tpu.enqueue_indirect_dma source(%dma_start3A_172 : memref<10000x128xf32, #tpu.memory_space<hbm>>) target(%dma_start3A_166 : memref<64x128xf32, #tpu.memory_space<vmem>>) offsets(%dma_start3A_169 : memref<64xi32, #tpu.memory_space<vmem>>) semaphore(%arg13 : memref<!tpu.dma_semaphore, #tpu.memory_space<semaphore_mem>>)
        } else {
        }
        %mul3A_138 = arith.constant 2 : i32
        %mul3A_139 = arith.muli %mul3A_138, %scan3A_70 : i32
        %add3A_140 = arith.constant 1 : i32
        %add3A_141 = arith.addi %mul3A_139, %add3A_140 : i32
        %add3A_142 = arith.constant 2 : i32
        %add3A_143 = arith.addi %add3A_142, %rem3A_71 : i32
        %dma_start3A_144 = arith.constant 0 : i32
        %dma_start3A_145 = arith.constant 0 : i32
        %dma_start3A_146 = tpu.memref_slice %arg10[%add3A_143, %dma_start3A_144, %dma_start3A_145] : memref<4x64x128xf32, #tpu.memory_space<vmem>> -> memref<1x64x128xf32, #tpu.memory_space<vmem>>
        %dma_start3A_147 = tpu.memref_squeeze %dma_start3A_146 : memref<1x64x128xf32, #tpu.memory_space<vmem>> -> memref<64x128xf32, #tpu.memory_space<vmem>>
        %dma_start3A_148 = arith.constant 0 : i32
        %dma_start3A_149 = tpu.memref_slice %arg9[%add3A_141, %dma_start3A_148] : memref<40x64xi32, #tpu.memory_space<vmem>> -> memref<1x64xi32, #tpu.memory_space<vmem>>
        %dma_start3A_150 = tpu.memref_squeeze %dma_start3A_149 : memref<1x64xi32, #tpu.memory_space<vmem>> -> memref<64xi32, #tpu.memory_space<vmem>>
        %dma_start3A_151 = arith.constant 0 : i32
        %dma_start3A_152 = arith.constant 0 : i32
        %dma_start3A_153 = tpu.memref_slice %arg7[%dma_start3A_151, %dma_start3A_152] : memref<10112x128xf32, #tpu.memory_space<vmem_shared>> -> memref<10112x128xf32, #tpu.memory_space<vmem_shared>>
        tpu.enqueue_indirect_dma source(%dma_start3A_147 : memref<64x128xf32, #tpu.memory_space<vmem>>) target(%dma_start3A_153 : memref<10112x128xf32, #tpu.memory_space<vmem_shared>>) offsets(%dma_start3A_150 : memref<64xi32, #tpu.memory_space<vmem>>) semaphore(%arg14 : memref<!tpu.dma_semaphore, #tpu.memory_space<semaphore_mem>>) {add = true}
      }
      %scan3A_40 = arith.constant 20 : i32
      %dma_wait3A = arith.constant 0 : i32
      %dma_wait3A_41 = arith.constant 0 : i32
      %dma_wait3A_42 = arith.constant 0 : i32
      %dma_wait3A_43 = tpu.memref_slice %arg10[%dma_wait3A, %dma_wait3A_41, %dma_wait3A_42] : memref<4x64x128xf32, #tpu.memory_space<vmem>> -> memref<1x64x128xf32, #tpu.memory_space<vmem>>
      %dma_wait3A_44 = tpu.memref_squeeze %dma_wait3A_43 : memref<1x64x128xf32, #tpu.memory_space<vmem>> -> memref<64x128xf32, #tpu.memory_space<vmem>>
      %dma_wait3A_45 = arith.constant 0 : i32
      %dma_wait3A_46 = arith.constant 0 : i32
      %dma_wait3A_47 = tpu.memref_slice %arg2[%dma_wait3A_45, %dma_wait3A_46] : memref<10000x128xf32, #tpu.memory_space<hbm>> -> memref<64x128xf32, #tpu.memory_space<hbm>>
      %dma_wait3A_48 = arith.constant 0 : i32
      %dma_wait3A_49 = arith.constant 0 : i32
      %dma_wait3A_50 = tpu.memref_slice %arg10[%dma_wait3A, %dma_wait3A_48, %dma_wait3A_49] : memref<4x64x128xf32, #tpu.memory_space<vmem>> -> memref<1x64x128xf32, #tpu.memory_space<vmem>>
      %dma_wait3A_51 = tpu.memref_squeeze %dma_wait3A_50 : memref<1x64x128xf32, #tpu.memory_space<vmem>> -> memref<64x128xf32, #tpu.memory_space<vmem>>
      %dma_wait3A_52 = arith.constant 0 : i32
      %dma_wait3A_53 = arith.constant 0 : i32
      %dma_wait3A_54 = tpu.memref_slice %arg2[%dma_wait3A_52, %dma_wait3A_53] : memref<10000x128xf32, #tpu.memory_space<hbm>> -> memref<64x128xf32, #tpu.memory_space<hbm>>
      tpu.wait_dma2 semaphore(%arg12 : memref<!tpu.dma_semaphore, #tpu.memory_space<semaphore_mem>>) src(%dma_wait3A_54 : memref<64x128xf32, #tpu.memory_space<hbm>>) dst(%dma_wait3A_51 : memref<64x128xf32, #tpu.memory_space<vmem>>)
      %dma_wait3A_55 = arith.constant 0 : i32
      %dma_wait3A_56 = arith.constant 0 : i32
      %dma_wait3A_57 = arith.constant 0 : i32
      %dma_wait3A_58 = tpu.memref_slice %arg10[%dma_wait3A_55, %dma_wait3A_56, %dma_wait3A_57] : memref<4x64x128xf32, #tpu.memory_space<vmem>> -> memref<1x64x128xf32, #tpu.memory_space<vmem>>
      %dma_wait3A_59 = tpu.memref_squeeze %dma_wait3A_58 : memref<1x64x128xf32, #tpu.memory_space<vmem>> -> memref<64x128xf32, #tpu.memory_space<vmem>>
      %dma_wait3A_60 = arith.constant 0 : i32
      %dma_wait3A_61 = arith.constant 0 : i32
      %dma_wait3A_62 = tpu.memref_slice %arg2[%dma_wait3A_60, %dma_wait3A_61] : memref<10000x128xf32, #tpu.memory_space<hbm>> -> memref<64x128xf32, #tpu.memory_space<hbm>>
      %dma_wait3A_63 = arith.constant 0 : i32
      %dma_wait3A_64 = arith.constant 0 : i32
      %dma_wait3A_65 = tpu.memref_slice %arg10[%dma_wait3A_55, %dma_wait3A_63, %dma_wait3A_64] : memref<4x64x128xf32, #tpu.memory_space<vmem>> -> memref<1x64x128xf32, #tpu.memory_space<vmem>>
      %dma_wait3A_66 = tpu.memref_squeeze %dma_wait3A_65 : memref<1x64x128xf32, #tpu.memory_space<vmem>> -> memref<64x128xf32, #tpu.memory_space<vmem>>
      %dma_wait3A_67 = arith.constant 0 : i32
      %dma_wait3A_68 = arith.constant 0 : i32
      %dma_wait3A_69 = tpu.memref_slice %arg2[%dma_wait3A_67, %dma_wait3A_68] : memref<10000x128xf32, #tpu.memory_space<hbm>> -> memref<64x128xf32, #tpu.memory_space<hbm>>
      tpu.wait_dma2 semaphore(%arg14 : memref<!tpu.dma_semaphore, #tpu.memory_space<semaphore_mem>>) src(%dma_wait3A_69 : memref<64x128xf32, #tpu.memory_space<hbm>>) dst(%dma_wait3A_66 : memref<64x128xf32, #tpu.memory_space<vmem>>)
    }
    %scan3A_7 = arith.constant 8 : i32
    %barrier3A_8 = arith.constant 0 : index
    tpu.barrier barrier_id(%barrier3A_8)
    "tpu.region"() ({
      %run_scoped3A = tpu.sem_alloc : memref<!tpu.dma_semaphore, #tpu.memory_space<semaphore_mem>>
      %dma_start3A = arith.constant 0 : i32
      %dma_start3A_9 = tpu.memref_slice %arg6[%arg0, %mul3A_0, %dma_start3A] : memref<2x10112x128xf32, #tpu.memory_space<hbm>> -> memref<1x632x128xf32, #tpu.memory_space<hbm>>
      %dma_start3A_10 = tpu.memref_squeeze %dma_start3A_9 : memref<1x632x128xf32, #tpu.memory_space<hbm>> -> memref<632x128xf32, #tpu.memory_space<hbm>>
      %dma_start3A_11 = arith.constant 0 : i32
      %dma_start3A_12 = tpu.memref_slice %arg7[%mul3A_0, %dma_start3A_11] : memref<10112x128xf32, #tpu.memory_space<vmem_shared>> -> memref<632x128xf32, #tpu.memory_space<vmem_shared>>
      tpu.enqueue_dma source(%dma_start3A_12 : memref<632x128xf32, #tpu.memory_space<vmem_shared>>) target(%dma_start3A_10 : memref<632x128xf32, #tpu.memory_space<hbm>>) target_semaphore(%run_scoped3A : memref<!tpu.dma_semaphore, #tpu.memory_space<semaphore_mem>>)
      %dma_wait3A = arith.constant 0 : i32
      %dma_wait3A_13 = tpu.memref_slice %arg6[%arg0, %mul3A_0, %dma_wait3A] : memref<2x10112x128xf32, #tpu.memory_space<hbm>> -> memref<1x632x128xf32, #tpu.memory_space<hbm>>
      %dma_wait3A_14 = tpu.memref_squeeze %dma_wait3A_13 : memref<1x632x128xf32, #tpu.memory_space<hbm>> -> memref<632x128xf32, #tpu.memory_space<hbm>>
      %dma_wait3A_15 = arith.constant 0 : i32
      %dma_wait3A_16 = tpu.memref_slice %arg7[%mul3A_0, %dma_wait3A_15] : memref<10112x128xf32, #tpu.memory_space<vmem_shared>> -> memref<632x128xf32, #tpu.memory_space<vmem_shared>>
      tpu.wait_dma2 semaphore(%run_scoped3A : memref<!tpu.dma_semaphore, #tpu.memory_space<semaphore_mem>>) src(%dma_wait3A_16 : memref<632x128xf32, #tpu.memory_space<vmem_shared>>) dst(%dma_wait3A_14 : memref<632x128xf32, #tpu.memory_space<hbm>>)
      tpu.yield
    }) : () -> ()
    return
  }
}

module attributes {stable_mosaic.version = 14 : i64} {
  func.func @_tc_layer_body(%arg0: i32, %arg1: memref<1000x128xf32, #tpu.memory_space<vmem>>, %arg2: memref<2x1000x128xf32, #tpu.memory_space<vmem>>, %arg3: memref<2x1000x128xf32, #tpu.memory_space<vmem>>, %arg4: memref<2x2x128x128xf32, #tpu.memory_space<vmem>>, %arg5: memref<2x2x128xf32, #tpu.memory_space<vmem>>, %arg6: memref<1000x128xf32, #tpu.memory_space<vmem>>) attributes {dimension_semantics = [#tpu.dimension_semantics<arbitrary>], iteration_bounds = array<i64: 10>, scalar_prefetch = 0 : i64, scratch_operands = 0 : i64, tpu.core_type = #tpu.core_type<tc>, window_params = [{transform_indices = @transform_0, window_bounds = array<i64: 1000, 128>}, {transform_indices = @transform_1, window_bounds = array<i64: 2, 1000, 128>}, {transform_indices = @transform_2, window_bounds = array<i64: 2, 1000, 128>}, {pipeline_mode = #tpu.pipeline_mode<synchronous>, transform_indices = @transform_3, window_bounds = array<i64: 2, 2, 128, 128>}, {pipeline_mode = #tpu.pipeline_mode<synchronous>, transform_indices = @transform_4, window_bounds = array<i64: 2, 2, 128>}, {transform_indices = @transform_5, window_bounds = array<i64: 1000, 128>}]} {
    %get3A = arith.constant 0 : index
    %get3A_0 = arith.constant 0 : index
    %get3A_1 = vector.load %arg1[%get3A, %get3A_0] : memref<1000x128xf32, #tpu.memory_space<vmem>>, vector<1000x128xf32>
    %get3A_2 = arith.constant 0 : index
    %get3A_3 = arith.constant 0 : index
    %get3A_4 = arith.constant 0 : index
    %get3A_5 = arith.constant 0 : index
    %get3A_6 = vector.load %arg4[%get3A_2, %get3A_3, %get3A_4, %get3A_5] : memref<2x2x128x128xf32, #tpu.memory_space<vmem>>, vector<2x2x128x128xf32>
    %get3A_7 = arith.constant 0 : index
    %get3A_8 = arith.constant 0 : index
    %get3A_9 = arith.constant 0 : index
    %get3A_10 = vector.load %arg5[%get3A_7, %get3A_8, %get3A_9] : memref<2x2x128xf32, #tpu.memory_space<vmem>>, vector<2x2x128xf32>
    %get3A_11 = arith.constant 0 : index
    %get3A_12 = arith.constant 0 : index
    %get3A_13 = arith.constant 0 : index
    %get3A_14 = vector.load %arg3[%get3A_11, %get3A_12, %get3A_13] : memref<2x1000x128xf32, #tpu.memory_space<vmem>>, vector<1x1000x1xf32>
    %get3A_15 = vector.shape_cast %get3A_14 : vector<1x1000x1xf32> to vector<1000x1xf32>
    %max3A = arith.constant 1.000000e+00 : f32
    %max3A_16 = vector.broadcast %max3A : f32 to vector<1000x1xf32>
    %max3A_17 = arith.maximumf %get3A_15, %max3A_16 : vector<1000x1xf32>
    %div3A = arith.constant 1.000000e+00 : f32
    %div3A_18 = vector.broadcast %div3A : f32 to vector<1000x1xf32>
    %div3A_19 = arith.divf %div3A_18, %max3A_17 : vector<1000x1xf32>
    %get3A_20 = arith.constant 0 : index
    %get3A_21 = arith.constant 0 : index
    %get3A_22 = arith.constant 0 : index
    %get3A_23 = vector.load %arg2[%get3A_20, %get3A_21, %get3A_22] : memref<2x1000x128xf32, #tpu.memory_space<vmem>>, vector<1x1000x128xf32>
    %get3A_24 = vector.shape_cast %get3A_23 : vector<1x1000x128xf32> to vector<1000x128xf32>
    %slice3A = vector.extract_strided_slice %get3A_6 {offsets = [0, 0, 0, 0], sizes = [1, 1, 128, 128], strides = [1, 1, 1, 1]} : vector<2x2x128x128xf32> to vector<1x1x128x128xf32>
    %squeeze3A = vector.shape_cast %slice3A : vector<1x1x128x128xf32> to vector<128x128xf32>
    %dot_general3A = arith.constant dense<0.000000e+00> : vector<1000x128xf32>
    %dot_general3A_25 = tpu.matmul %get3A_1, %squeeze3A, %dot_general3A {dimension_numbers = #tpu.dot_dimension_numbers<[1], [0], [0], [1], [0, 0, 1, 1], [], []>, precision = #tpu.contract_precision<fp32>, transpose_lhs_hint = false} : vector<1000x128xf32>, vector<128x128xf32>, vector<1000x128xf32> -> vector<1000x128xf32>
    %slice3A_26 = vector.extract_strided_slice %get3A_10 {offsets = [0, 0, 0], sizes = [1, 1, 128], strides = [1, 1, 1]} : vector<2x2x128xf32> to vector<1x1x128xf32>
    %squeeze3A_27 = vector.shape_cast %slice3A_26 : vector<1x1x128xf32> to vector<128xf32>
    %broadcast_in_dim3A = vector.shape_cast %squeeze3A_27 : vector<128xf32> to vector<1x128xf32>
    %add3A = vector.broadcast %broadcast_in_dim3A : vector<1x128xf32> to vector<1000x128xf32>
    %add3A_28 = arith.addf %dot_general3A_25, %add3A : vector<1000x128xf32>
    %mul3A = vector.broadcast %div3A_19 : vector<1000x1xf32> to vector<1000x128xf32>
    %mul3A_29 = arith.mulf %get3A_24, %mul3A : vector<1000x128xf32>
    %slice3A_30 = vector.extract_strided_slice %get3A_6 {offsets = [0, 1, 0, 0], sizes = [1, 1, 128, 128], strides = [1, 1, 1, 1]} : vector<2x2x128x128xf32> to vector<1x1x128x128xf32>
    %squeeze3A_31 = vector.shape_cast %slice3A_30 : vector<1x1x128x128xf32> to vector<128x128xf32>
    %dot_general3A_32 = arith.constant dense<0.000000e+00> : vector<1000x128xf32>
    %dot_general3A_33 = tpu.matmul %mul3A_29, %squeeze3A_31, %dot_general3A_32 {dimension_numbers = #tpu.dot_dimension_numbers<[1], [0], [0], [1], [0, 0, 1, 1], [], []>, precision = #tpu.contract_precision<fp32>, transpose_lhs_hint = false} : vector<1000x128xf32>, vector<128x128xf32>, vector<1000x128xf32> -> vector<1000x128xf32>
    %add3A_34 = arith.addf %add3A_28, %dot_general3A_33 : vector<1000x128xf32>
    %slice3A_35 = vector.extract_strided_slice %get3A_10 {offsets = [0, 1, 0], sizes = [1, 1, 128], strides = [1, 1, 1]} : vector<2x2x128xf32> to vector<1x1x128xf32>
    %squeeze3A_36 = vector.shape_cast %slice3A_35 : vector<1x1x128xf32> to vector<128xf32>
    %broadcast_in_dim3A_37 = vector.shape_cast %squeeze3A_36 : vector<128xf32> to vector<1x128xf32>
    %add3A_38 = vector.broadcast %broadcast_in_dim3A_37 : vector<1x128xf32> to vector<1000x128xf32>
    %add3A_39 = arith.addf %add3A_34, %add3A_38 : vector<1000x128xf32>
    %max3A_40 = arith.constant 0.000000e+00 : f32
    %max3A_41 = vector.broadcast %max3A_40 : f32 to vector<1000x128xf32>
    %max3A_42 = arith.maximumf %add3A_39, %max3A_41 : vector<1000x128xf32>
    %get3A_43 = arith.constant 1 : index
    %get3A_44 = arith.constant 0 : index
    %get3A_45 = arith.constant 0 : index
    %get3A_46 = vector.load %arg3[%get3A_43, %get3A_44, %get3A_45] : memref<2x1000x128xf32, #tpu.memory_space<vmem>>, vector<1x1000x1xf32>
    %get3A_47 = vector.shape_cast %get3A_46 : vector<1x1000x1xf32> to vector<1000x1xf32>
    %max3A_48 = arith.constant 1.000000e+00 : f32
    %max3A_49 = vector.broadcast %max3A_48 : f32 to vector<1000x1xf32>
    %max3A_50 = arith.maximumf %get3A_47, %max3A_49 : vector<1000x1xf32>
    %div3A_51 = arith.constant 1.000000e+00 : f32
    %div3A_52 = vector.broadcast %div3A_51 : f32 to vector<1000x1xf32>
    %div3A_53 = arith.divf %div3A_52, %max3A_50 : vector<1000x1xf32>
    %get3A_54 = arith.constant 1 : index
    %get3A_55 = arith.constant 0 : index
    %get3A_56 = arith.constant 0 : index
    %get3A_57 = vector.load %arg2[%get3A_54, %get3A_55, %get3A_56] : memref<2x1000x128xf32, #tpu.memory_space<vmem>>, vector<1x1000x128xf32>
    %get3A_58 = vector.shape_cast %get3A_57 : vector<1x1000x128xf32> to vector<1000x128xf32>
    %slice3A_59 = vector.extract_strided_slice %get3A_6 {offsets = [1, 0, 0, 0], sizes = [1, 1, 128, 128], strides = [1, 1, 1, 1]} : vector<2x2x128x128xf32> to vector<1x1x128x128xf32>
    %squeeze3A_60 = vector.shape_cast %slice3A_59 : vector<1x1x128x128xf32> to vector<128x128xf32>
    %dot_general3A_61 = arith.constant dense<0.000000e+00> : vector<1000x128xf32>
    %dot_general3A_62 = tpu.matmul %get3A_1, %squeeze3A_60, %dot_general3A_61 {dimension_numbers = #tpu.dot_dimension_numbers<[1], [0], [0], [1], [0, 0, 1, 1], [], []>, precision = #tpu.contract_precision<fp32>, transpose_lhs_hint = false} : vector<1000x128xf32>, vector<128x128xf32>, vector<1000x128xf32> -> vector<1000x128xf32>
    %slice3A_63 = vector.extract_strided_slice %get3A_10 {offsets = [1, 0, 0], sizes = [1, 1, 128], strides = [1, 1, 1]} : vector<2x2x128xf32> to vector<1x1x128xf32>
    %squeeze3A_64 = vector.shape_cast %slice3A_63 : vector<1x1x128xf32> to vector<128xf32>
    %broadcast_in_dim3A_65 = vector.shape_cast %squeeze3A_64 : vector<128xf32> to vector<1x128xf32>
    %add3A_66 = vector.broadcast %broadcast_in_dim3A_65 : vector<1x128xf32> to vector<1000x128xf32>
    %add3A_67 = arith.addf %dot_general3A_62, %add3A_66 : vector<1000x128xf32>
    %mul3A_68 = vector.broadcast %div3A_53 : vector<1000x1xf32> to vector<1000x128xf32>
    %mul3A_69 = arith.mulf %get3A_58, %mul3A_68 : vector<1000x128xf32>
    %slice3A_70 = vector.extract_strided_slice %get3A_6 {offsets = [1, 1, 0, 0], sizes = [1, 1, 128, 128], strides = [1, 1, 1, 1]} : vector<2x2x128x128xf32> to vector<1x1x128x128xf32>
    %squeeze3A_71 = vector.shape_cast %slice3A_70 : vector<1x1x128x128xf32> to vector<128x128xf32>
    %dot_general3A_72 = arith.constant dense<0.000000e+00> : vector<1000x128xf32>
    %dot_general3A_73 = tpu.matmul %mul3A_69, %squeeze3A_71, %dot_general3A_72 {dimension_numbers = #tpu.dot_dimension_numbers<[1], [0], [0], [1], [0, 0, 1, 1], [], []>, precision = #tpu.contract_precision<fp32>, transpose_lhs_hint = false} : vector<1000x128xf32>, vector<128x128xf32>, vector<1000x128xf32> -> vector<1000x128xf32>
    %add3A_74 = arith.addf %add3A_67, %dot_general3A_73 : vector<1000x128xf32>
    %slice3A_75 = vector.extract_strided_slice %get3A_10 {offsets = [1, 1, 0], sizes = [1, 1, 128], strides = [1, 1, 1]} : vector<2x2x128xf32> to vector<1x1x128xf32>
    %squeeze3A_76 = vector.shape_cast %slice3A_75 : vector<1x1x128xf32> to vector<128xf32>
    %broadcast_in_dim3A_77 = vector.shape_cast %squeeze3A_76 : vector<128xf32> to vector<1x128xf32>
    %add3A_78 = vector.broadcast %broadcast_in_dim3A_77 : vector<1x128xf32> to vector<1000x128xf32>
    %add3A_79 = arith.addf %add3A_74, %add3A_78 : vector<1000x128xf32>
    %max3A_80 = arith.constant 0.000000e+00 : f32
    %max3A_81 = vector.broadcast %max3A_80 : f32 to vector<1000x128xf32>
    %max3A_82 = arith.maximumf %add3A_79, %max3A_81 : vector<1000x128xf32>
    %add3A_83 = arith.addf %max3A_42, %max3A_82 : vector<1000x128xf32>
    %mul3A_84 = arith.constant 5.000000e-01 : f32
    %mul3A_85 = vector.broadcast %mul3A_84 : f32 to vector<1000x128xf32>
    %mul3A_86 = arith.mulf %add3A_83, %mul3A_85 : vector<1000x128xf32>
    %swap3A = arith.constant 0 : index
    %swap3A_87 = arith.constant 0 : index
    %swap3A_88 = vector.load %arg6[%swap3A, %swap3A_87] : memref<1000x128xf32, #tpu.memory_space<vmem>>, vector<1000x128xf32>
    tpu.vector_store %arg6[%swap3A, %swap3A_87], %mul3A_86 {strides = array<i32>} : memref<1000x128xf32, #tpu.memory_space<vmem>>, vector<1000x128xf32>,
    return
  }
  func.func @transform_0(%arg0: i32) -> (i32, i32) {
    %c0_i32 = arith.constant 0 : i32
    %c0_i32_0 = arith.constant 0 : i32
    return %arg0, %c0_i32 : i32, i32
  }
  func.func @transform_1(%arg0: i32) -> (i32, i32, i32) {
    %c0_i32 = arith.constant 0 : i32
    %c0_i32_0 = arith.constant 0 : i32
    %c0_i32_1 = arith.constant 0 : i32
    return %c0_i32, %arg0, %c0_i32_0 : i32, i32, i32
  }
  func.func @transform_2(%arg0: i32) -> (i32, i32, i32) {
    %c0_i32 = arith.constant 0 : i32
    %c0_i32_0 = arith.constant 0 : i32
    %c0_i32_1 = arith.constant 0 : i32
    return %c0_i32, %arg0, %c0_i32_0 : i32, i32, i32
  }
  func.func @transform_3(%arg0: i32) -> (i32, i32, i32, i32) {
    %c0_i32 = arith.constant 0 : i32
    %c0_i32_0 = arith.constant 0 : i32
    %c0_i32_1 = arith.constant 0 : i32
    %c0_i32_2 = arith.constant 0 : i32
    %c0_i32_3 = arith.constant 0 : i32
    return %c0_i32, %c0_i32_0, %c0_i32_1, %c0_i32_2 : i32, i32, i32, i32
  }
  func.func @transform_4(%arg0: i32) -> (i32, i32, i32) {
    %c0_i32 = arith.constant 0 : i32
    %c0_i32_0 = arith.constant 0 : i32
    %c0_i32_1 = arith.constant 0 : i32
    %c0_i32_2 = arith.constant 0 : i32
    return %c0_i32, %c0_i32_0, %c0_i32_1 : i32, i32, i32
  }
  func.func @transform_5(%arg0: i32) -> (i32, i32) {
    %c0_i32 = arith.constant 0 : i32
    %c0_i32_0 = arith.constant 0 : i32
    return %arg0, %c0_i32 : i32, i32
  }
}

module attributes {stable_mosaic.version = 14 : i64} {
  func.func @_tc_layer_body(%arg0: i32, %arg1: memref<1000x128xf32, #tpu.memory_space<vmem>>, %arg2: memref<2x1000x128xf32, #tpu.memory_space<vmem>>, %arg3: memref<2x1000x128xf32, #tpu.memory_space<vmem>>, %arg4: memref<2x2x128x128xf32, #tpu.memory_space<vmem>>, %arg5: memref<2x2x128xf32, #tpu.memory_space<vmem>>, %arg6: memref<1000x128xf32, #tpu.memory_space<vmem>>) attributes {dimension_semantics = [#tpu.dimension_semantics<arbitrary>], iteration_bounds = array<i64: 10>, scalar_prefetch = 0 : i64, scratch_operands = 0 : i64, tpu.core_type = #tpu.core_type<tc>, window_params = [{transform_indices = @transform_0, window_bounds = array<i64: 1000, 128>}, {transform_indices = @transform_1, window_bounds = array<i64: 2, 1000, 128>}, {transform_indices = @transform_2, window_bounds = array<i64: 2, 1000, 128>}, {pipeline_mode = #tpu.pipeline_mode<synchronous>, transform_indices = @transform_3, window_bounds = array<i64: 2, 2, 128, 128>}, {pipeline_mode = #tpu.pipeline_mode<synchronous>, transform_indices = @transform_4, window_bounds = array<i64: 2, 2, 128>}, {transform_indices = @transform_5, window_bounds = array<i64: 1000, 128>}]} {
    %get3A = arith.constant 0 : index
    %get3A_0 = arith.constant 0 : index
    %get3A_1 = vector.load %arg1[%get3A, %get3A_0] : memref<1000x128xf32, #tpu.memory_space<vmem>>, vector<1000x128xf32>
    %get3A_2 = arith.constant 0 : index
    %get3A_3 = arith.constant 0 : index
    %get3A_4 = arith.constant 0 : index
    %get3A_5 = arith.constant 0 : index
    %get3A_6 = vector.load %arg4[%get3A_2, %get3A_3, %get3A_4, %get3A_5] : memref<2x2x128x128xf32, #tpu.memory_space<vmem>>, vector<2x2x128x128xf32>
    %get3A_7 = arith.constant 0 : index
    %get3A_8 = arith.constant 0 : index
    %get3A_9 = arith.constant 0 : index
    %get3A_10 = vector.load %arg5[%get3A_7, %get3A_8, %get3A_9] : memref<2x2x128xf32, #tpu.memory_space<vmem>>, vector<2x2x128xf32>
    %get3A_11 = arith.constant 0 : index
    %get3A_12 = arith.constant 0 : index
    %get3A_13 = arith.constant 0 : index
    %get3A_14 = vector.load %arg3[%get3A_11, %get3A_12, %get3A_13] : memref<2x1000x128xf32, #tpu.memory_space<vmem>>, vector<1x1000x1xf32>
    %get3A_15 = vector.shape_cast %get3A_14 : vector<1x1000x1xf32> to vector<1000x1xf32>
    %max3A = arith.constant 1.000000e+00 : f32
    %max3A_16 = vector.broadcast %max3A : f32 to vector<1000x1xf32>
    %max3A_17 = arith.maximumf %get3A_15, %max3A_16 : vector<1000x1xf32>
    %div3A = arith.constant 1.000000e+00 : f32
    %div3A_18 = vector.broadcast %div3A : f32 to vector<1000x1xf32>
    %div3A_19 = arith.divf %div3A_18, %max3A_17 : vector<1000x1xf32>
    %get3A_20 = arith.constant 0 : index
    %get3A_21 = arith.constant 0 : index
    %get3A_22 = arith.constant 0 : index
    %get3A_23 = vector.load %arg2[%get3A_20, %get3A_21, %get3A_22] : memref<2x1000x128xf32, #tpu.memory_space<vmem>>, vector<1x1000x128xf32>
    %get3A_24 = vector.shape_cast %get3A_23 : vector<1x1000x128xf32> to vector<1000x128xf32>
    %slice3A = vector.extract_strided_slice %get3A_6 {offsets = [0, 0, 0, 0], sizes = [1, 1, 128, 128], strides = [1, 1, 1, 1]} : vector<2x2x128x128xf32> to vector<1x1x128x128xf32>
    %squeeze3A = vector.shape_cast %slice3A : vector<1x1x128x128xf32> to vector<128x128xf32>
    %dot_general3A = arith.constant dense<0.000000e+00> : vector<1000x128xf32>
    %dot_general3A_25 = tpu.matmul %get3A_1, %squeeze3A, %dot_general3A {dimension_numbers = #tpu.dot_dimension_numbers<[1], [0], [0], [1], [0, 0, 1, 1], [], []>, precision = #tpu.contract_precision<fp32>, transpose_lhs_hint = false} : vector<1000x128xf32>, vector<128x128xf32>, vector<1000x128xf32> -> vector<1000x128xf32>
    %slice3A_26 = vector.extract_strided_slice %get3A_10 {offsets = [0, 0, 0], sizes = [1, 1, 128], strides = [1, 1, 1]} : vector<2x2x128xf32> to vector<1x1x128xf32>
    %squeeze3A_27 = vector.shape_cast %slice3A_26 : vector<1x1x128xf32> to vector<128xf32>
    %broadcast_in_dim3A = vector.shape_cast %squeeze3A_27 : vector<128xf32> to vector<1x128xf32>
    %add3A = vector.broadcast %broadcast_in_dim3A : vector<1x128xf32> to vector<1000x128xf32>
    %add3A_28 = arith.addf %dot_general3A_25, %add3A : vector<1000x128xf32>
    %mul3A = vector.broadcast %div3A_19 : vector<1000x1xf32> to vector<1000x128xf32>
    %mul3A_29 = arith.mulf %get3A_24, %mul3A : vector<1000x128xf32>
    %slice3A_30 = vector.extract_strided_slice %get3A_6 {offsets = [0, 1, 0, 0], sizes = [1, 1, 128, 128], strides = [1, 1, 1, 1]} : vector<2x2x128x128xf32> to vector<1x1x128x128xf32>
    %squeeze3A_31 = vector.shape_cast %slice3A_30 : vector<1x1x128x128xf32> to vector<128x128xf32>
    %dot_general3A_32 = arith.constant dense<0.000000e+00> : vector<1000x128xf32>
    %dot_general3A_33 = tpu.matmul %mul3A_29, %squeeze3A_31, %dot_general3A_32 {dimension_numbers = #tpu.dot_dimension_numbers<[1], [0], [0], [1], [0, 0, 1, 1], [], []>, precision = #tpu.contract_precision<fp32>, transpose_lhs_hint = false} : vector<1000x128xf32>, vector<128x128xf32>, vector<1000x128xf32> -> vector<1000x128xf32>
    %add3A_34 = arith.addf %add3A_28, %dot_general3A_33 : vector<1000x128xf32>
    %slice3A_35 = vector.extract_strided_slice %get3A_10 {offsets = [0, 1, 0], sizes = [1, 1, 128], strides = [1, 1, 1]} : vector<2x2x128xf32> to vector<1x1x128xf32>
    %squeeze3A_36 = vector.shape_cast %slice3A_35 : vector<1x1x128xf32> to vector<128xf32>
    %broadcast_in_dim3A_37 = vector.shape_cast %squeeze3A_36 : vector<128xf32> to vector<1x128xf32>
    %add3A_38 = vector.broadcast %broadcast_in_dim3A_37 : vector<1x128xf32> to vector<1000x128xf32>
    %add3A_39 = arith.addf %add3A_34, %add3A_38 : vector<1000x128xf32>
    %max3A_40 = arith.constant 0.000000e+00 : f32
    %max3A_41 = vector.broadcast %max3A_40 : f32 to vector<1000x128xf32>
    %max3A_42 = arith.maximumf %add3A_39, %max3A_41 : vector<1000x128xf32>
    %get3A_43 = arith.constant 1 : index
    %get3A_44 = arith.constant 0 : index
    %get3A_45 = arith.constant 0 : index
    %get3A_46 = vector.load %arg3[%get3A_43, %get3A_44, %get3A_45] : memref<2x1000x128xf32, #tpu.memory_space<vmem>>, vector<1x1000x1xf32>
    %get3A_47 = vector.shape_cast %get3A_46 : vector<1x1000x1xf32> to vector<1000x1xf32>
    %max3A_48 = arith.constant 1.000000e+00 : f32
    %max3A_49 = vector.broadcast %max3A_48 : f32 to vector<1000x1xf32>
    %max3A_50 = arith.maximumf %get3A_47, %max3A_49 : vector<1000x1xf32>
    %div3A_51 = arith.constant 1.000000e+00 : f32
    %div3A_52 = vector.broadcast %div3A_51 : f32 to vector<1000x1xf32>
    %div3A_53 = arith.divf %div3A_52, %max3A_50 : vector<1000x1xf32>
    %get3A_54 = arith.constant 1 : index
    %get3A_55 = arith.constant 0 : index
    %get3A_56 = arith.constant 0 : index
    %get3A_57 = vector.load %arg2[%get3A_54, %get3A_55, %get3A_56] : memref<2x1000x128xf32, #tpu.memory_space<vmem>>, vector<1x1000x128xf32>
    %get3A_58 = vector.shape_cast %get3A_57 : vector<1x1000x128xf32> to vector<1000x128xf32>
    %slice3A_59 = vector.extract_strided_slice %get3A_6 {offsets = [1, 0, 0, 0], sizes = [1, 1, 128, 128], strides = [1, 1, 1, 1]} : vector<2x2x128x128xf32> to vector<1x1x128x128xf32>
    %squeeze3A_60 = vector.shape_cast %slice3A_59 : vector<1x1x128x128xf32> to vector<128x128xf32>
    %dot_general3A_61 = arith.constant dense<0.000000e+00> : vector<1000x128xf32>
    %dot_general3A_62 = tpu.matmul %get3A_1, %squeeze3A_60, %dot_general3A_61 {dimension_numbers = #tpu.dot_dimension_numbers<[1], [0], [0], [1], [0, 0, 1, 1], [], []>, precision = #tpu.contract_precision<fp32>, transpose_lhs_hint = false} : vector<1000x128xf32>, vector<128x128xf32>, vector<1000x128xf32> -> vector<1000x128xf32>
    %slice3A_63 = vector.extract_strided_slice %get3A_10 {offsets = [1, 0, 0], sizes = [1, 1, 128], strides = [1, 1, 1]} : vector<2x2x128xf32> to vector<1x1x128xf32>
    %squeeze3A_64 = vector.shape_cast %slice3A_63 : vector<1x1x128xf32> to vector<128xf32>
    %broadcast_in_dim3A_65 = vector.shape_cast %squeeze3A_64 : vector<128xf32> to vector<1x128xf32>
    %add3A_66 = vector.broadcast %broadcast_in_dim3A_65 : vector<1x128xf32> to vector<1000x128xf32>
    %add3A_67 = arith.addf %dot_general3A_62, %add3A_66 : vector<1000x128xf32>
    %mul3A_68 = vector.broadcast %div3A_53 : vector<1000x1xf32> to vector<1000x128xf32>
    %mul3A_69 = arith.mulf %get3A_58, %mul3A_68 : vector<1000x128xf32>
    %slice3A_70 = vector.extract_strided_slice %get3A_6 {offsets = [1, 1, 0, 0], sizes = [1, 1, 128, 128], strides = [1, 1, 1, 1]} : vector<2x2x128x128xf32> to vector<1x1x128x128xf32>
    %squeeze3A_71 = vector.shape_cast %slice3A_70 : vector<1x1x128x128xf32> to vector<128x128xf32>
    %dot_general3A_72 = arith.constant dense<0.000000e+00> : vector<1000x128xf32>
    %dot_general3A_73 = tpu.matmul %mul3A_69, %squeeze3A_71, %dot_general3A_72 {dimension_numbers = #tpu.dot_dimension_numbers<[1], [0], [0], [1], [0, 0, 1, 1], [], []>, precision = #tpu.contract_precision<fp32>, transpose_lhs_hint = false} : vector<1000x128xf32>, vector<128x128xf32>, vector<1000x128xf32> -> vector<1000x128xf32>
    %add3A_74 = arith.addf %add3A_67, %dot_general3A_73 : vector<1000x128xf32>
    %slice3A_75 = vector.extract_strided_slice %get3A_10 {offsets = [1, 1, 0], sizes = [1, 1, 128], strides = [1, 1, 1]} : vector<2x2x128xf32> to vector<1x1x128xf32>
    %squeeze3A_76 = vector.shape_cast %slice3A_75 : vector<1x1x128xf32> to vector<128xf32>
    %broadcast_in_dim3A_77 = vector.shape_cast %squeeze3A_76 : vector<128xf32> to vector<1x128xf32>
    %add3A_78 = vector.broadcast %broadcast_in_dim3A_77 : vector<1x128xf32> to vector<1000x128xf32>
    %add3A_79 = arith.addf %add3A_74, %add3A_78 : vector<1000x128xf32>
    %max3A_80 = arith.constant 0.000000e+00 : f32
    %max3A_81 = vector.broadcast %max3A_80 : f32 to vector<1000x128xf32>
    %max3A_82 = arith.maximumf %add3A_79, %max3A_81 : vector<1000x128xf32>
    %add3A_83 = arith.addf %max3A_42, %max3A_82 : vector<1000x128xf32>
    %mul3A_84 = arith.constant 5.000000e-01 : f32
    %mul3A_85 = vector.broadcast %mul3A_84 : f32 to vector<1000x128xf32>
    %mul3A_86 = arith.mulf %add3A_83, %mul3A_85 : vector<1000x128xf32>
    %swap3A = arith.constant 0 : index
    %swap3A_87 = arith.constant 0 : index
    %swap3A_88 = vector.load %arg6[%swap3A, %swap3A_87] : memref<1000x128xf32, #tpu.memory_space<vmem>>, vector<1000x128xf32>
    tpu.vector_store %arg6[%swap3A, %swap3A_87], %mul3A_86 {strides = array<i32>} : memref<1000x128xf32, #tpu.memory_space<vmem>>, vector<1000x128xf32>,
    return
  }
  func.func @transform_0(%arg0: i32) -> (i32, i32) {
    %c0_i32 = arith.constant 0 : i32
    %c0_i32_0 = arith.constant 0 : i32
    return %arg0, %c0_i32 : i32, i32
  }
  func.func @transform_1(%arg0: i32) -> (i32, i32, i32) {
    %c0_i32 = arith.constant 0 : i32
    %c0_i32_0 = arith.constant 0 : i32
    %c0_i32_1 = arith.constant 0 : i32
    return %c0_i32, %arg0, %c0_i32_0 : i32, i32, i32
  }
  func.func @transform_2(%arg0: i32) -> (i32, i32, i32) {
    %c0_i32 = arith.constant 0 : i32
    %c0_i32_0 = arith.constant 0 : i32
    %c0_i32_1 = arith.constant 0 : i32
    return %c0_i32, %arg0, %c0_i32_0 : i32, i32, i32
  }
  func.func @transform_3(%arg0: i32) -> (i32, i32, i32, i32) {
    %c0_i32 = arith.constant 0 : i32
    %c0_i32_0 = arith.constant 0 : i32
    %c0_i32_1 = arith.constant 0 : i32
    %c0_i32_2 = arith.constant 0 : i32
    %c0_i32_3 = arith.constant 0 : i32
    return %c0_i32, %c0_i32_0, %c0_i32_1, %c0_i32_2 : i32, i32, i32, i32
  }
  func.func @transform_4(%arg0: i32) -> (i32, i32, i32) {
    %c0_i32 = arith.constant 0 : i32
    %c0_i32_0 = arith.constant 0 : i32
    %c0_i32_1 = arith.constant 0 : i32
    %c0_i32_2 = arith.constant 0 : i32
    return %c0_i32, %c0_i32_0, %c0_i32_1 : i32, i32, i32
  }
  func.func @transform_5(%arg0: i32) -> (i32, i32) {
    %c0_i32 = arith.constant 0 : i32
    %c0_i32_0 = arith.constant 0 : i32
    return %arg0, %c0_i32 : i32, i32
  }
}

</mosaic_0001>

<sc_bundles>
// kernel: kernel.12.cloned.1.call-start
scs
__scs_entry_jumppad:
0x0: {  	(pc) =	sbr.rel $0x88, $3  }
0x1: {  	(tag) =	ssettag $0x0;
	lr =	simm.s32 $0x1  }
0x2: {  	[smem:$0x3F9C] =	sst lr;
	_ =	strace $0xD0000000  }
0x3: {  	_ = 	snop  }
0x4: {  	_ = 	snop  }
0x5: {  	_ = 	snop  }
0x6: {  	_ = 	snop  }
0x7: {  	_ = 	snop  }
__scs_overlays_trampoline_lowered:
0x8: {  	[smem:$0x3FAB] =	sst s0  }
0x9: {  	[smem:$0x3FAC] =	sst s1  }
0xa: {  	[smem:$0x3FAD] =	sst s2  }
0xb: {  	[smem:$0x3FAE] =	sst s3  }
0xc: {  	[smem:$0x3FAF] =	sst s4  }
0xd: {  	[smem:$0x3FB0] =	sst s5  }
0xe: {  	[smem:$0x3FB1] =	sst s6  }
0xf: {  	[smem:$0x3FB2] =	sst s7  }
0x10: {  	[smem:$0x3FB3] =	sst s8  }
0x11: {  	[smem:$0x3FB4] =	sst s9;
	s0 =	simm.s32 @!p0 $0x0  }
0x12: {  	s1 =	sld [smem:$0x3F9A];
	s0 =	simm.s32 @p0 $0x1  }
0x13: {  	[smem:$0x3FB5] =	sst s0;
	s0 =	simm.s32 @!p1 $0x0  }
0x14: {  	s2 =	sld [smem:$0x3F99];
	s0 =	simm.s32 @p1 $0x1  }
0x15: {  	[smem:$0x3FB6] =	sst s0;
	s0 =	simm.s32 @!p2 $0x0  }
0x16: {  	s3 =	sld [smem:$0x3FDB];
	s0 =	simm.s32 @p2 $0x1  }
0x17: {  	s4 =	simm.s32 $0x1BF5;
	[smem:$0x3FB8] =	sst s0  }
0x18: {  	s0 =	sld [smem:$0x3F9B];
	_ =	swait.ge [sflag:s4], $0x0  }
0x19: {  	s7 =	sld [smem:$0x3F9C]  }
0x1a: {  	s8 =	sadd.s32 $0xFFFFE003, lr  }
0x1b: {  	s9 =	sadd.s32 $0xFFFFFEF7, lr;
	s5 =	simm.s32 $0xFFFFFFFF;
	p2 =	slt.u32 s8, $0xFFFFF086  }
0x1c: {  	p1 =	slt.u32 s9, $0xF7A;
	s5 =	simm.s32 @!p2 $0x0  }
0x1d: {  	s5 =	simm.s32 @p1 $0x1;
	p0 =	seq.s32 s7, s2  }
0x1e: {  	s7 =	smul.u32 @!p0 $0xF7A, s2;
	p2 =	seq.s32 @!p0 s5, $0x0  }
0x1f: {  	s9 =	smul.u32 $0xF7A, s1;
	s8 =	simm.s32 @!p0 $0x1BF5;
	p2 =	por !p2, p0  }
0x20: {  	[sflag:s8] =	ssyncset.s32 @!p0 $0xFFFFF086;
	s6 =	sadd.s32 @!p0 s3, s7;
	s7 =	simm.s32 @!p0 $0x108  }
0x21: {  	s3 =	sadd.s32 s3, s9;
	s6 =	sadd.s32 @!p0 $0x88, s6;
	s7 =	simm.s32 @p2 $0x1082  }
0x22: {  	[simem:s7], [sflag:s8] =	dma.local @!p0 [hbm:s6], $0xF7A  }
0x23: {  	s9 =	sor.u32 $0xD0000000, s2;
	s6 =	simm.s32 $0x108;
	_ =	swait.ge @!p0 [sflag:s8], $0x0  }
0x24: {  	s3 =	sadd.s32 $0x88, s3;
	s6 =	simm.s32 @!p1 $0x1082;
	[sflag:s4] =	ssyncset.s32 $0xFFFFF086  }
0x25: {  	[simem:s6], [sflag:s4] =	dma.local [hbm:s3], $0xF7A  }
0x26: {  	[smem:$0x3F9C] =	sst s1;
	(tag) =	ssettag s2;
	_ =	strace s9  }
0x27: {  	s1 =	sld [smem:$0x3FAC]  }
0x28: {  	s2 =	sld [smem:$0x3FAD]  }
0x29: {  	s4 =	sld [smem:$0x3FAF]  }
0x2a: {  	p0 =	seq.s32 s5, $0x0;
	s5 =	sld [smem:$0x3FB0]  }
0x2b: {  	s6 =	sld [smem:$0x3FB1]  }
0x2c: {  	s7 =	sld [smem:$0x3FB2]  }
0x2d: {  	s3 =	simm.s32 $0x108;
	s8 =	sld [smem:$0x3FB3]  }
0x2e: {  	s3 =	simm.s32 @!p0 $0x1082;
	s9 =	sld [smem:$0x3FB4]  }
0x2f: {  	lr =	sadd.s32 s0, s3;
	s0 =	sld [smem:$0x3FAB]  }
0x30: {  	s3 =	sld [smem:$0x3FAE]  }
0x31: {  	[smem:$0x3FB7] =	sst s10  }
0x32: {  	s10 =	sld [smem:$0x3FB5];
	_ =	sdelay $0x3  }
0x33: {  	p0 =	seq.s32 s10, $0x1;
	s10 =	sld [smem:$0x3FB7];
	_ =	sdelay $0x3  }
0x34: {  	[smem:$0x3FB7] =	sst s10  }
0x35: {  	s10 =	sld [smem:$0x3FB6];
	_ =	sdelay $0x3  }
0x36: {  	p1 =	seq.s32 s10, $0x1;
	s10 =	sld [smem:$0x3FB7];
	_ =	sdelay $0x3  }
0x37: {  	[smem:$0x3FB7] =	sst s10  }
0x38: {  	s10 =	sld [smem:$0x3FB8]  }
0x39: {  	_ = 	snop;
	(pc) =	sbr.ind lr, $3  }
0x3a: {  	_ = 	snop  }
0x3b: {  	_ = 	snop  }
0x3c: {  	p2 =	seq.s32 s10, $0x1;
	s10 =	sld [smem:$0x3FB7]  }
0x3d: {  	_ =	shalt  }
0x3e: {  	_ =	shalt  }
0x3f: {  	_ =	shalt  }
0x40: {  	_ =	shalt  }
0x41: {  	_ =	shalt  }
0x42: {  	_ =	shalt  }
0x43: {  	_ =	shalt  }
0x44: {  	_ =	shalt  }
0x45: {  	_ =	shalt  }
0x46: {  	_ =	shalt  }
0x47: {  	_ =	shalt  }
0x48: {  	_ =	shalt  }
0x49: {  	_ =	shalt  }
0x4a: {  	_ =	shalt  }
0x4b: {  	_ =	shalt  }
0x4c: {  	_ =	shalt  }
0x4d: {  	_ =	shalt  }
0x4e: {  	_ =	shalt  }
0x4f: {  	_ =	shalt  }
0x50: {  	_ =	shalt  }
0x51: {  	_ =	shalt  }
0x52: {  	_ =	shalt  }
0x53: {  	_ =	shalt  }
0x54: {  	_ =	shalt  }
0x55: {  	_ =	shalt  }
0x56: {  	_ =	shalt  }
0x57: {  	_ =	shalt  }
0x58: {  	_ =	shalt  }
0x59: {  	_ =	shalt  }
0x5a: {  	_ =	shalt  }
0x5b: {  	_ =	shalt  }
0x5c: {  	_ =	shalt  }
0x5d: {  	_ =	shalt  }
0x5e: {  	_ =	shalt  }
0x5f: {  	_ =	shalt  }
0x60: {  	_ =	shalt  }
0x61: {  	_ =	shalt  }
0x62: {  	_ =	shalt  }
0x63: {  	_ =	shalt  }
0x64: {  	_ =	shalt  }
0x65: {  	_ =	shalt  }
0x66: {  	_ =	shalt  }
0x67: {  	_ =	shalt  }
0x68: {  	_ =	shalt  }
0x69: {  	_ =	shalt  }
0x6a: {  	_ =	shalt  }
0x6b: {  	_ =	shalt  }
0x6c: {  	_ =	shalt  }
0x6d: {  	_ =	shalt  }
0x6e: {  	_ =	shalt  }
0x6f: {  	_ =	shalt  }
0x70: {  	_ =	shalt  }
0x71: {  	_ =	shalt  }
0x72: {  	_ =	shalt  }
0x73: {  	_ =	shalt  }
0x74: {  	_ =	shalt  }
0x75: {  	_ =	shalt  }
0x76: {  	_ =	shalt  }
0x77: {  	_ =	shalt  }
0x78: {  	_ =	shalt  }
0x79: {  	_ =	shalt  }
0x7a: {  	_ =	shalt  }
0x7b: {  	_ =	shalt  }
0x7c: {  	_ =	shalt  }
0x7d: {  	_ =	shalt  }
0x7e: {  	_ =	shalt  }
0x7f: {  	_ =	shalt  }
0x80: {  	_ =	shalt  }
0x81: {  	_ =	shalt  }
0x82: {  	_ =	shalt  }
0x83: {  	_ =	shalt  }
0x84: {  	_ =	shalt  }
0x85: {  	_ =	shalt  }
0x86: {  	_ =	shalt  }
0x87: {  	_ =	shalt  }
.Lfunc_end0:
.L_simem_size_0:
called_computation.1_lowered:
.L_overlay_start_0:
0x88: {  	s2 =	sld [smem:$0x3FD9]  }
0x89: {  	s3 =	sld [smem:$0x3FFE];
	_ =	sdelay $0x1  }
0x8a: {  	s1 =	srdreg.scid  }
0x8b: {  	s0 =	sand.u32 $0x1, s1  }
0x8c: {  	s17 =	sshll.u32 s0, $0xA;
	s2 =	sadd.s32 s3, s2  }
0x8d: {  	s2 =	sadd.s32 s2, s17  }
0x8e: {  	[smem:$0x3FC3] =	sst s2  }
0x8f: {  	_ = 	snop  }
0x90: {  	s2 =	sld [smem:$0x3FC9];
	(tm) =	ssettm $0x1  }
0x91: {  	s18 =	sld [smem:$0x3FFB];
	_ =	sdelay $0x3  }
0x92: {  	_ =	strace s18  }
0x93: {  	s3 =	sld [smem:$0x3FFC];
	_ =	sdelay $0x3  }
0x94: {  	_ =	strace s3  }
0x95: {  	s3 =	sld [smem:$0x3FFD];
	_ =	sdelay $0x3  }
0x96: {  	_ =	strace s3  }
0x97: {  	_ =	strace $0x8FFFFFFF  }
0x98: {  	s19 =	sld [smem:$0x3FDB];
	_ =	sdelay $0x1  }
0x99: {  	s4 =	simm.s32 $_scs_section_size  }
0x9a: {  	s5 =	simm.s32 $_size__tile_overlayer_lowered;
	s6 =	simm.s32 $_tile_overlayer_lowered  }
0x9b: {  	s22 =	simm.s32 $0x1BFF;
	s21 =	sshll.u32 s6, $0x1;
	s3 =	sadd.s32 s4, s19  }
0x9c: {  	s7 =	simm.s32 $0x0;
	s20 =	sshll.u32 s5, $0x1;
	s5 =	sadd.s32 s21, s3  }
0x9d: {  	[timem:s7], [sflag:s22] =	dma.local [hbm:s5], s20  }
0x9e: {  	_ =	swait.ge [sflag:s22], s20  }
0x9f: {  	s4 =	ssub.s32 $0x0, s20;
	[sflag:s22] =	ssyncset.done $0x0  }
0xa0: {  	[sflag:s22] =	ssyncadd.s32 s4;
	_ =	sdelay $0x1  }
0xa1: {  	s23 =	simm.s32 $0x1B8B  }
0xa2: {  	_ =	swait.ge [sflag:s23], $0x1  }
0xa3: {  	[sflag:s23] =	ssyncset.done $0x0  }
0xa4: {  	s25 =	simm.s32 $0x1B8E;
	s24 =	sld [smem:$0x3FFE];
	[sflag:s23] =	ssyncadd.s32 $0xFFFFFFFF  }
0xa5: {  	s26 =	simm.s32 $execute0_lowered;
	[smem:$0x3FD2] =	sst s25  }
0xa6: {  	s5 =	sshll.u32 s26, $0x1;
	_ =	strace $0x80000046;
	[dreg:$0x1] =	wrdreg $0xFFFFFFFF  }
0xa7: {  	s28 =	simm.s32 $_size_execute0_lowered;
	s3 =	sadd.s32 s3, s5;
	[dreg:$0x0] =	wrdreg $0x0  }
0xa8: {  	s5 =	sshll.u32 s28, $0x1;
	[dreg:$0x2] =	wrdreg s3  }
0xa9: {  	[dreg:$0x3] =	wrdreg s5  }
0xaa: {  	[dreg:$0x4] =	wrdreg $0xC0  }
0xab: {  	_ =	task [dreg:s7], $0x5FFFF  }
0xac: {  	[dreg:$0x1] =	wrdreg $0xFFFFFFFF  }
0xad: {  	[dreg:$0x0] =	wrdreg $0x60  }
0xae: {  	[dreg:$0x2] =	wrdreg s2  }
0xaf: {  	[dreg:$0x3] =	wrdreg s24  }
0xb0: {  	[dreg:$0x4] =	wrdreg $0x0  }
0xb1: {  	[dreg:$0x5] =	wrdreg $0xA  }
0xb2: {  	_ =	task.clear_ibuf [dreg:s7], $0x6FFFF;
	_ =	strace $0x90000046  }
0xb3: {  	s29 =	simm.s32 $0xA;
	_ =	strace $0x80000048  }
0xb4: {  	_ =	swait.ge [sflag:s29], $0x1  }
0xb5: {  	[sflag:s29] =	ssyncadd.s32 $0xFFFFFFFF  }
0xb6: {  	_ =	strace $0x90000048  }
0xb7: {  	_ =	sfence  }
0xb8: {  	s30 =	sld [smem:$0x0];
	_ =	sdelay $0x2  }
0xb9: {  	s31 =	sshll.u32 s1, $0xD;
	s1 =	sshrl.u32 s1, $0x2  }
0xba: {  	s3 =	sand.u32 $0x4000, s31;
	s1 =	sadd.s32 s1, s30  }
0xbb: {  	s0 =	sor.u32 s3, s0;
	s1 =	sshll.u32 s1, $0x11  }
0xbc: {  	s0 =	sor.u32 s1, s0  }
0xbd: {  	s0 =	sadd.s32 $0x8F2B, s0  }
0xbe: {  	[sflag:s0] =	ssyncadd.remote.s32 $0x1  }
0xbf: {  	_ =	sfence.sel $0xFFFF  }
0xc0: {  	[dreg:$0x0] =	wrdreg $0xFFFFFFFF;
	(pc) =	sbr.abs _section_cstart, $3  }
0xc1: {  	[dreg:$0x1] =	wrdreg $0xFFFFFFFF  }
0xc2: {  	_ =	task.clear_ibuf [dreg:s7], $0x2FFFF;
	_ =	strace $0x9FFFFFFF  }
0xc3: {  	(tm) =	ssettm $0x7FFFFFFF  }
tec
execute0_lowered:
.L_overlay_start_1:
0x0: {  	(tag) =	ssettag $0x1  }
0x1: {  	s1 =	rddreg [dreg:$0x0]  }
0x2: {  	s8 =	rddreg [dreg:$0x1]  }
0x3: {  	s2 =	rddreg [dreg:$0x2]  }
0x4: {  	s3 =	srdreg.scid;
	s4 =	simm.s32 $0x0;
	s16 =	simm.s32 $0x15000  }
0x5: {  	s17 =	simm.s32 $0x40;
	s18 =	simm.s32 $0x16400;
	s19 =	simm.s32 $0x13C80  }
0x6: {  	s20 =	simm.s32 $0x1A400;
	s21 =	simm.s32 $0x1;
	s22 =	simm.s32 $0x3  }
0x7: {  	s23 =	simm.s32 $0x2;
	s10 =	sand.u32 $0x1, s3;
	s3 =	stileid.u32  }
0x8: {  	s24 =	simm.s32 $0x4;
	[smem:$0x7FF] =	sst s4;
	s7 =	smul.u32 $0x13C000, s10  }
0x9: {  	s5 =	sadd.s32 $0x2A400, s8;
	s6 =	sadd.s32 $0x2400, s8;
	s9 =	smul.u32 $0x13C00, s3  }
0xa: {  	_ =	strace $0x80000047;
	s11 =	ssub.s32 $0x2, s10;
	s12 =	smul.u32 $0x4F000, s3  }
0xb: {  	s31 =	sshll.u32 s3, $0x6;
	s10 =	smul.u32 $0xA0000, s10;
	s29 =	sshrl.u32 s11, $0x1  }
.Ltmp0:
0xc: {  	s7 =	sadd.s32 s9, s7;
	s14 =	ssub.s32 s11, s29;
	(pc) =	sbr.rel .LBB2_1-.Ltmp0, $4  }
0xd: {  	s30 =	sshrl.u32 s12, $0x2;
	s9 =	sshrl.u32 s7, $0x3;
	s7 =	sadd.s32 $0x52400, s8  }
0xe: {  	s15 =	sadd.s32 s30, s2;
	s12 =	smax.u32 s14, $0x1;
	s14 =	simm.s32 $0x5  }
0xf: {  	s13 =	sadd.s32 s9, s8;
	s8 =	sor.u32 $0x1C05, s31;
	s9 =	smul.u32 $0x140, s3  }
0x10: {  	s11 =	sadd.s32 $0x54C00, s13;
	s13 =	sshrl.u32 s15, $0x3;
	s15 =	simm.s32 $0x13C00  }
.LBB2_8:
0x11: {  	s4 =	sadd.s32 $0x1, s4  }
0x12: {  	p0 =	sne.s32 s4, s12  }
.Ltmp1:
0x13: {  	[bflag:$0x0] =	sbarrier.arrive $0xFFFF;
	(pc) =	sbr.rel @!p0 .LBB2_9-.Ltmp1, $4  }
0x14: {  	[hbm:s11], [sflag:s8] =	dma.local [spmem:s13], $0x2780  }
0x15: {  	_ =	swait.ge [sflag:s14], $0x2780  }
0x16: {  	[sflag:s14] =	ssyncset.done $0x0  }
0x17: {  	[sflag:s14] =	ssyncadd.s32 $0xFFFFD880  }
.LBB2_1:
0x18: {  	[spmem:s13], [sflag:s8] =	dma.local [hbm:s7], $0x2780  }
.Ltmp2:
0x19: {  	_ =	swait.ge [sflag:s14], $0x2780;
	(pc) =	sbr.rel .LBB2_2-.Ltmp2, $4  }
0x1a: {  	[sflag:s14] =	ssyncset.done $0x0  }
0x1b: {  	[sflag:s14] =	ssyncadd.s32 $0xFFFFD880  }
0x1c: {  	[bflag:$0x0] =	sbarrier.arrive $0xFFFF  }
0x1d: {  	s25 =	simm.s32 $0x0  }
.LBB2_7:
0x1e: {  	s25 =	sadd.s32 $0x1, s25  }
0x1f: {  	_ =	swait.ge [sflag:s23], $0x2000;
	p0 =	sne.s32 s25, $0x8  }
.Ltmp3:
0x20: {  	[sflag:s23] =	ssyncset.done $0x0;
	(pc) =	sbr.rel @!p0 .LBB2_8-.Ltmp3, $4  }
0x21: {  	[sflag:s23] =	ssyncadd.s32 $0xFFFFE000  }
0x22: {  	_ =	swait.ge [sflag:s24], $0x2000  }
0x23: {  	[sflag:s24] =	ssyncset.done $0x0  }
0x24: {  	[sflag:s24] =	ssyncadd.s32 $0xFFFFE000  }
.LBB2_2:
0x25: {  	s26 =	smul.u32 $0x28, s25;
	_ =	sdelay $0x1  }
0x26: {  	s26 =	sadd.s32 s9, s26  }
0x27: {  	s26 =	sshll.u32 s26, $0x7  }
0x28: {  	s26 =	sadd.s32 s10, s26  }
0x29: {  	s28 =	sshrl.u32 s26, $0x3  }
0x2a: {  	s26 =	simm.s32 $0x0;
	s29 =	sadd.s32 s5, s28  }
0x2b: {  	[tilespmem:s15], [sflag:$0x5] =	stream.linear.gather [hbm4b:s29+s26], $0x1400, $0x38;
	[tilespmem:$0x1E400] =	vst v63  }
0x2c: {  	_ =	swait.ge [sflag:s14], $0x1400  }
0x2d: {  	[sflag:s14] =	ssyncset.done $0x0  }
0x2e: {  	s28 =	sadd.s32 s6, s28;
	[sflag:s14] =	ssyncadd.s32 $0xFFFFEC00  }
0x2f: {  	[tilespmem:s16], [sflag:$0x5] =	stream.linear.gather [hbm4b:s28+s26], $0x1400, $0x38;
	[tilespmem:$0x1E400] =	vst v63  }
0x30: {  	_ =	swait.ge [sflag:s14], $0x1400  }
.Ltmp4:
0x31: {  	[sflag:s14] =	ssyncset.done $0x0;
	(pc) =	sbr.rel .LBB2_3-.Ltmp4, $4  }
0x32: {  	[sflag:s14] =	ssyncadd.s32 $0xFFFFEC00  }
0x33: {  	[tilespmem:s18], [sflag:$0x1] =	stream.indirect.gather [hbm4b:s1+s17], $0x80, s15, s17, $0xb8;
	[tilespmem:$0x1E400] =	vst v63  }
0x34: {  	_ = 	snop  }
0x35: {  	[tilespmem:s20], [sflag:$0x3] =	stream.indirect.gather [hbm4b:s1+s17], $0x80, s19, s17, $0xb8;
	[tilespmem:$0x1E400] =	vst v63  }
.LBB2_5:
0x36: {  	s28 =	sadd.s32 @!p0 $0x1, s26  }
0x37: {  	s28 =	simm.s32 @p0 $0x1  }
0x38: {  	s30 =	sshll.u32 s28, $0x8  }
0x39: {  	s31 =	sshll.u32 s29, $0xD;
	s30 =	sand.u32 $0x3FFFFF00, s30  }
0x3a: {  	p1 =	por $0x0, $0x0;
	s31 =	ssub.s32 $0x18400, s31;
	s30 =	sadd.s32 $0x13C00, s30  }
0x3b: {  	[tilespmem:s31], [sflag:$0x1] =	stream.indirect.gather [hbm4b:s1+s17], $0x80, s30, s17, $0xb8;
	[tilespmem:$0x1E400] =	vst v63  }
.LBB2_6:
0x3c: {  	s26 =	sshll.u32 s26, $0x8  }
0x3d: {  	s30 =	sshll.u32 s29, $0xD;
	s26 =	sand.u32 $0x3FFFFF00, s26  }
0x3e: {  	s31 =	sadd.s32 $0x16400, s30;
	s0 =	sadd.s32 $0x15000, s26  }
0x3f: {  	[spmem:s2] =	stream.indirect.scatter.add.f32 [tilespmem:s31], [sflag:$0x2], $0x80, s0, s17, $0xb8;
	[tilespmem:$0x1E400] =	vst v63  }
0x40: {  	_ =	swait.ge [sflag:s22], $0x2000  }
0x41: {  	[sflag:s22] =	ssyncset.done $0x0  }
0x42: {  	s0 =	simm.s32 @!p0 $0x4;
	[sflag:s22] =	ssyncadd.s32 $0xFFFFE000  }
0x43: {  	_ =	swait.ge @!p0 [sflag:s0], $0x2000  }
0x44: {  	[sflag:s0] =	ssyncset.done @!p0 $0x0  }
0x45: {  	s31 =	sshll.u32 @!p1 s28, $0x8;
	[sflag:s0] =	ssyncadd.s32 @!p0 $0xFFFFE000;
	s0 =	sshll.u32 @!p1 s29, $0xD  }
0x46: {  	s29 =	sand.u32 @!p1 $0x3FFFFF00, s31;
	s31 =	simm.s32 @!p1 $0x40;
	p0 =	slt.u32 s28, $0x14  }
.Ltmp5:
0x47: {  	s0 =	ssub.s32 @!p1 $0x1C400, s0;
	s29 =	sadd.s32 @!p1 $0x13C80, s29;
	(pc) =	sbr.rel @!p0 .LBB2_7-.Ltmp5, $4  }
0x48: {  	[tilespmem:s0], [sflag:$0x3] =	stream.indirect.gather @!p1 [hbm4b:s1+s31], $0x80, s29, s31, $0xb8;
	[tilespmem:$0x1E400] =	vst v63  }
0x49: {  	s26 =	sadd.s32 $0x15080, s26;
	s31 =	sadd.s32 $0x1A400, s30  }
0x4a: {  	[spmem:s2] =	stream.indirect.scatter.add.f32 [tilespmem:s31], [sflag:$0x4], $0x80, s26, s17, $0xb8;
	[tilespmem:$0x1E400] =	vst v63  }
0x4b: {  	s26 =	smov.u32 s28  }
.LBB2_3:
0x4c: {  	p0 =	seq.s32 s26, $0x0  }
0x4d: {  	p1 =	seq.s32 @!p0 s26, $0x13  }
0x4e: {  	_ =	swait.ge [sflag:s21], $0x2000;
	p1 =	por p0, !p1  }
.Ltmp6:
0x4f: {  	[sflag:s21] =	ssyncset.done $0x0;
	(pc) =	sbr.rel @p1 .LBB2_5-.Ltmp6, $4  }
0x50: {  	s28 =	simm.s32 @!p0 $0x2;
	[sflag:s21] =	ssyncadd.s32 $0xFFFFE000  }
0x51: {  	_ =	swait.ge @!p0 [sflag:s28], $0x2000  }
0x52: {  	[sflag:s28] =	ssyncset.done @!p0 $0x0  }
0x53: {  	s29 =	sand.u32 $0x1, s26;
	[sflag:s28] =	ssyncadd.s32 @!p0 $0xFFFFE000  }
.Ltmp7:
0x54: {  	(pc) =	sbr.rel .LBB2_6-.Ltmp7, $2  }
0x55: {  	_ =	sdelay $0x2  }
0x56: {  	s28 =	simm.s32 @!p0 $0x14;
	p1 =	por @!p0 $0x1, $0x1  }
.LBB2_9:
0x57: {  	_ =	sfence.sel $0x180000  }
0x58: {  	[bflag:$0x0] =	sbarrier.arrive $0xFFFF  }
0x59: {  	_ =	strace $0x90000047  }
0x5a: {  	[bflag:$0x2] =	sbarrier.arrive $0xFFFF  }
0x5b: {  	p0 =	sne.s32 s3, $0x0;
	s0 =	rddreg [dreg:$0x3]  }
0x5c: {  	s0 =	sadd.s32 @!p0 $0x100000, s0  }
0x5d: {  	[sflag:s0] =	ssyncadd.tile.s32 @!p0 $0x1;
	_ =	shalt  }
.Lfunc_end2:
_tile_overlayer_lowered:
.L_overlay_start_2:
0x5e: {  	(tag) =	ssettag $0x2  }
0x5f: {  	s0 =	rddreg [dreg:$0x0];
	s2 =	stileid.u32  }
0x60: {  	s1 =	rddreg [dreg:$0x1];
	p0 =	sne.s32 s2, $0x0  }
0x61: {  	s3 =	rddreg [dreg:$0x2];
	[bflag:$0x3] =	sbarrier.arrive $0xFFFF;
	s2 =	simm.s32 @!p0 $0x1C05  }
0x62: {  	[timem:s3], [sflag:s2] =	dma.local @!p0 [hbm:s0], s1  }
0x63: {  	s0 =	simm.s32 @!p0 $0x5  }
0x64: {  	_ =	swait.ge @!p0 [sflag:s0], s1  }
0x65: {  	s1 =	ssub.s32 @!p0 $0x0, s1;
	[sflag:s0] =	ssyncset.done @!p0 $0x0  }
0x66: {  	[sflag:s0] =	ssyncadd.s32 @!p0 s1  }
0x67: {  	[bflag:$0x3] =	sbarrier.arrive $0xFFFF  }
0x68: {  	_ =	shalt  }

// kernel: kernel.15.cloned.1.call-start
scs
__scs_entry_jumppad:
0x0: {  	(pc) =	sbr.rel $0x88, $3  }
0x1: {  	(tag) =	ssettag $0x0;
	lr =	simm.s32 $0x1  }
0x2: {  	[smem:$0x3F9C] =	sst lr;
	_ =	strace $0xD0000000  }
0x3: {  	_ = 	snop  }
0x4: {  	_ = 	snop  }
0x5: {  	_ = 	snop  }
0x6: {  	_ = 	snop  }
0x7: {  	_ = 	snop  }
__scs_overlays_trampoline_lowered:
0x8: {  	[smem:$0x3FAB] =	sst s0  }
0x9: {  	[smem:$0x3FAC] =	sst s1  }
0xa: {  	[smem:$0x3FAD] =	sst s2  }
0xb: {  	[smem:$0x3FAE] =	sst s3  }
0xc: {  	[smem:$0x3FAF] =	sst s4  }
0xd: {  	[smem:$0x3FB0] =	sst s5  }
0xe: {  	[smem:$0x3FB1] =	sst s6  }
0xf: {  	[smem:$0x3FB2] =	sst s7  }
0x10: {  	[smem:$0x3FB3] =	sst s8  }
0x11: {  	[smem:$0x3FB4] =	sst s9;
	s0 =	simm.s32 @!p0 $0x0  }
0x12: {  	s1 =	sld [smem:$0x3F9A];
	s0 =	simm.s32 @p0 $0x1  }
0x13: {  	[smem:$0x3FB5] =	sst s0;
	s0 =	simm.s32 @!p1 $0x0  }
0x14: {  	s2 =	sld [smem:$0x3F99];
	s0 =	simm.s32 @p1 $0x1  }
0x15: {  	[smem:$0x3FB6] =	sst s0;
	s0 =	simm.s32 @!p2 $0x0  }
0x16: {  	s3 =	sld [smem:$0x3FDB];
	s0 =	simm.s32 @p2 $0x1  }
0x17: {  	s4 =	simm.s32 $0x1BF5;
	[smem:$0x3FB8] =	sst s0  }
0x18: {  	s0 =	sld [smem:$0x3F9B];
	_ =	swait.ge [sflag:s4], $0x0  }
0x19: {  	s7 =	sld [smem:$0x3F9C]  }
0x1a: {  	s8 =	sadd.s32 $0xFFFFE003, lr  }
0x1b: {  	s9 =	sadd.s32 $0xFFFFFEF7, lr;
	s5 =	simm.s32 $0xFFFFFFFF;
	p2 =	slt.u32 s8, $0xFFFFF086  }
0x1c: {  	p1 =	slt.u32 s9, $0xF7A;
	s5 =	simm.s32 @!p2 $0x0  }
0x1d: {  	s5 =	simm.s32 @p1 $0x1;
	p0 =	seq.s32 s7, s2  }
0x1e: {  	s7 =	smul.u32 @!p0 $0xF7A, s2;
	p2 =	seq.s32 @!p0 s5, $0x0  }
0x1f: {  	s9 =	smul.u32 $0xF7A, s1;
	s8 =	simm.s32 @!p0 $0x1BF5;
	p2 =	por !p2, p0  }
0x20: {  	[sflag:s8] =	ssyncset.s32 @!p0 $0xFFFFF086;
	s6 =	sadd.s32 @!p0 s3, s7;
	s7 =	simm.s32 @!p0 $0x108  }
0x21: {  	s3 =	sadd.s32 s3, s9;
	s6 =	sadd.s32 @!p0 $0x88, s6;
	s7 =	simm.s32 @p2 $0x1082  }
0x22: {  	[simem:s7], [sflag:s8] =	dma.local @!p0 [hbm:s6], $0xF7A  }
0x23: {  	s9 =	sor.u32 $0xD0000000, s2;
	s6 =	simm.s32 $0x108;
	_ =	swait.ge @!p0 [sflag:s8], $0x0  }
0x24: {  	s3 =	sadd.s32 $0x88, s3;
	s6 =	simm.s32 @!p1 $0x1082;
	[sflag:s4] =	ssyncset.s32 $0xFFFFF086  }
0x25: {  	[simem:s6], [sflag:s4] =	dma.local [hbm:s3], $0xF7A  }
0x26: {  	[smem:$0x3F9C] =	sst s1;
	(tag) =	ssettag s2;
	_ =	strace s9  }
0x27: {  	s1 =	sld [smem:$0x3FAC]  }
0x28: {  	s2 =	sld [smem:$0x3FAD]  }
0x29: {  	s4 =	sld [smem:$0x3FAF]  }
0x2a: {  	p0 =	seq.s32 s5, $0x0;
	s5 =	sld [smem:$0x3FB0]  }
0x2b: {  	s6 =	sld [smem:$0x3FB1]  }
0x2c: {  	s7 =	sld [smem:$0x3FB2]  }
0x2d: {  	s3 =	simm.s32 $0x108;
	s8 =	sld [smem:$0x3FB3]  }
0x2e: {  	s3 =	simm.s32 @!p0 $0x1082;
	s9 =	sld [smem:$0x3FB4]  }
0x2f: {  	lr =	sadd.s32 s0, s3;
	s0 =	sld [smem:$0x3FAB]  }
0x30: {  	s3 =	sld [smem:$0x3FAE]  }
0x31: {  	[smem:$0x3FB7] =	sst s10  }
0x32: {  	s10 =	sld [smem:$0x3FB5];
	_ =	sdelay $0x3  }
0x33: {  	p0 =	seq.s32 s10, $0x1;
	s10 =	sld [smem:$0x3FB7];
	_ =	sdelay $0x3  }
0x34: {  	[smem:$0x3FB7] =	sst s10  }
0x35: {  	s10 =	sld [smem:$0x3FB6];
	_ =	sdelay $0x3  }
0x36: {  	p1 =	seq.s32 s10, $0x1;
	s10 =	sld [smem:$0x3FB7];
	_ =	sdelay $0x3  }
0x37: {  	[smem:$0x3FB7] =	sst s10  }
0x38: {  	s10 =	sld [smem:$0x3FB8]  }
0x39: {  	_ = 	snop;
	(pc) =	sbr.ind lr, $3  }
0x3a: {  	_ = 	snop  }
0x3b: {  	_ = 	snop  }
0x3c: {  	p2 =	seq.s32 s10, $0x1;
	s10 =	sld [smem:$0x3FB7]  }
0x3d: {  	_ =	shalt  }
0x3e: {  	_ =	shalt  }
0x3f: {  	_ =	shalt  }
0x40: {  	_ =	shalt  }
0x41: {  	_ =	shalt  }
0x42: {  	_ =	shalt  }
0x43: {  	_ =	shalt  }
0x44: {  	_ =	shalt  }
0x45: {  	_ =	shalt  }
0x46: {  	_ =	shalt  }
0x47: {  	_ =	shalt  }
0x48: {  	_ =	shalt  }
0x49: {  	_ =	shalt  }
0x4a: {  	_ =	shalt  }
0x4b: {  	_ =	shalt  }
0x4c: {  	_ =	shalt  }
0x4d: {  	_ =	shalt  }
0x4e: {  	_ =	shalt  }
0x4f: {  	_ =	shalt  }
0x50: {  	_ =	shalt  }
0x51: {  	_ =	shalt  }
0x52: {  	_ =	shalt  }
0x53: {  	_ =	shalt  }
0x54: {  	_ =	shalt  }
0x55: {  	_ =	shalt  }
0x56: {  	_ =	shalt  }
0x57: {  	_ =	shalt  }
0x58: {  	_ =	shalt  }
0x59: {  	_ =	shalt  }
0x5a: {  	_ =	shalt  }
0x5b: {  	_ =	shalt  }
0x5c: {  	_ =	shalt  }
0x5d: {  	_ =	shalt  }
0x5e: {  	_ =	shalt  }
0x5f: {  	_ =	shalt  }
0x60: {  	_ =	shalt  }
0x61: {  	_ =	shalt  }
0x62: {  	_ =	shalt  }
0x63: {  	_ =	shalt  }
0x64: {  	_ =	shalt  }
0x65: {  	_ =	shalt  }
0x66: {  	_ =	shalt  }
0x67: {  	_ =	shalt  }
0x68: {  	_ =	shalt  }
0x69: {  	_ =	shalt  }
0x6a: {  	_ =	shalt  }
0x6b: {  	_ =	shalt  }
0x6c: {  	_ =	shalt  }
0x6d: {  	_ =	shalt  }
0x6e: {  	_ =	shalt  }
0x6f: {  	_ =	shalt  }
0x70: {  	_ =	shalt  }
0x71: {  	_ =	shalt  }
0x72: {  	_ =	shalt  }
0x73: {  	_ =	shalt  }
0x74: {  	_ =	shalt  }
0x75: {  	_ =	shalt  }
0x76: {  	_ =	shalt  }
0x77: {  	_ =	shalt  }
0x78: {  	_ =	shalt  }
0x79: {  	_ =	shalt  }
0x7a: {  	_ =	shalt  }
0x7b: {  	_ =	shalt  }
0x7c: {  	_ =	shalt  }
0x7d: {  	_ =	shalt  }
0x7e: {  	_ =	shalt  }
0x7f: {  	_ =	shalt  }
0x80: {  	_ =	shalt  }
0x81: {  	_ =	shalt  }
0x82: {  	_ =	shalt  }
0x83: {  	_ =	shalt  }
0x84: {  	_ =	shalt  }
0x85: {  	_ =	shalt  }
0x86: {  	_ =	shalt  }
0x87: {  	_ =	shalt  }
.Lfunc_end0:
.L_simem_size_0:
called_computation.2_lowered:
.L_overlay_start_0:
0x88: {  	s2 =	sld [smem:$0x3FD9]  }
0x89: {  	s3 =	sld [smem:$0x3FFE];
	_ =	sdelay $0x1  }
0x8a: {  	s1 =	srdreg.scid  }
0x8b: {  	s0 =	sand.u32 $0x1, s1  }
0x8c: {  	s17 =	sshll.u32 s0, $0xA;
	s2 =	sadd.s32 s3, s2  }
0x8d: {  	s2 =	sadd.s32 s2, s17  }
0x8e: {  	[smem:$0x3FC3] =	sst s2  }
0x8f: {  	_ = 	snop  }
0x90: {  	s2 =	sld [smem:$0x3FD0];
	(tm) =	ssettm $0x1  }
0x91: {  	s18 =	sld [smem:$0x3FFB];
	_ =	sdelay $0x3  }
0x92: {  	_ =	strace s18  }
0x93: {  	s3 =	sld [smem:$0x3FFC];
	_ =	sdelay $0x3  }
0x94: {  	_ =	strace s3  }
0x95: {  	s3 =	sld [smem:$0x3FFD];
	_ =	sdelay $0x3  }
0x96: {  	_ =	strace s3  }
0x97: {  	_ =	strace $0x8FFFFFFF  }
0x98: {  	s19 =	sld [smem:$0x3FDB];
	_ =	sdelay $0x1  }
0x99: {  	s4 =	simm.s32 $_scs_section_size  }
0x9a: {  	s5 =	simm.s32 $_size__tile_overlayer_lowered;
	s6 =	simm.s32 $_tile_overlayer_lowered  }
0x9b: {  	s22 =	simm.s32 $0x1BFF;
	s21 =	sshll.u32 s6, $0x1;
	s3 =	sadd.s32 s4, s19  }
0x9c: {  	s7 =	simm.s32 $0x0;
	s20 =	sshll.u32 s5, $0x1;
	s5 =	sadd.s32 s21, s3  }
0x9d: {  	[timem:s7], [sflag:s22] =	dma.local [hbm:s5], s20  }
0x9e: {  	_ =	swait.ge [sflag:s22], s20  }
0x9f: {  	s4 =	ssub.s32 $0x0, s20;
	[sflag:s22] =	ssyncset.done $0x0  }
0xa0: {  	[sflag:s22] =	ssyncadd.s32 s4;
	_ =	sdelay $0x1  }
0xa1: {  	s23 =	simm.s32 $0x1B8B  }
0xa2: {  	_ =	swait.ge [sflag:s23], $0x1  }
0xa3: {  	[sflag:s23] =	ssyncset.done $0x0  }
0xa4: {  	s25 =	simm.s32 $0x1B8E;
	s24 =	sld [smem:$0x3FFE];
	[sflag:s23] =	ssyncadd.s32 $0xFFFFFFFF  }
0xa5: {  	s26 =	simm.s32 $execute0_lowered;
	[smem:$0x3FD2] =	sst s25  }
0xa6: {  	s5 =	sshll.u32 s26, $0x1;
	_ =	strace $0x8000004C;
	[dreg:$0x1] =	wrdreg $0xFFFFFFFF  }
0xa7: {  	s28 =	simm.s32 $_size_execute0_lowered;
	s3 =	sadd.s32 s3, s5;
	[dreg:$0x0] =	wrdreg $0x0  }
0xa8: {  	s5 =	sshll.u32 s28, $0x1;
	[dreg:$0x2] =	wrdreg s3  }
0xa9: {  	[dreg:$0x3] =	wrdreg s5  }
0xaa: {  	[dreg:$0x4] =	wrdreg $0xC0  }
0xab: {  	_ =	task [dreg:s7], $0x5FFFF  }
0xac: {  	[dreg:$0x1] =	wrdreg $0xFFFFFFFF  }
0xad: {  	[dreg:$0x0] =	wrdreg $0x60  }
0xae: {  	[dreg:$0x2] =	wrdreg s2  }
0xaf: {  	[dreg:$0x3] =	wrdreg s24  }
0xb0: {  	[dreg:$0x4] =	wrdreg $0x0  }
0xb1: {  	[dreg:$0x5] =	wrdreg $0x9  }
0xb2: {  	_ =	task.clear_ibuf [dreg:s7], $0x6FFFF;
	_ =	strace $0x9000004C  }
0xb3: {  	s29 =	simm.s32 $0x9;
	_ =	strace $0x8000004E  }
0xb4: {  	_ =	swait.ge [sflag:s29], $0x1  }
0xb5: {  	[sflag:s29] =	ssyncadd.s32 $0xFFFFFFFF  }
0xb6: {  	_ =	strace $0x9000004E  }
0xb7: {  	_ =	sfence  }
0xb8: {  	s30 =	sld [smem:$0x0];
	_ =	sdelay $0x2  }
0xb9: {  	s31 =	sshll.u32 s1, $0xD;
	s1 =	sshrl.u32 s1, $0x2  }
0xba: {  	s3 =	sand.u32 $0x4000, s31;
	s1 =	sadd.s32 s1, s30  }
0xbb: {  	s0 =	sor.u32 s3, s0;
	s1 =	sshll.u32 s1, $0x11  }
0xbc: {  	s0 =	sor.u32 s1, s0  }
0xbd: {  	s0 =	sadd.s32 $0x8F2B, s0  }
0xbe: {  	[sflag:s0] =	ssyncadd.remote.s32 $0x1  }
0xbf: {  	_ =	sfence.sel $0xFFFF  }
0xc0: {  	[dreg:$0x0] =	wrdreg $0xFFFFFFFF;
	(pc) =	sbr.abs _section_cstart, $3  }
0xc1: {  	[dreg:$0x1] =	wrdreg $0xFFFFFFFF  }
0xc2: {  	_ =	task.clear_ibuf [dreg:s7], $0x2FFFF;
	_ =	strace $0x9FFFFFFF  }
0xc3: {  	(tm) =	ssettm $0x7FFFFFFF  }
tec
execute0_lowered:
.L_overlay_start_1:
0x0: {  	(tag) =	ssettag $0x1  }
0x1: {  	s1 =	rddreg [dreg:$0x0]  }
0x2: {  	s8 =	rddreg [dreg:$0x1]  }
0x3: {  	s2 =	rddreg [dreg:$0x2]  }
0x4: {  	s3 =	srdreg.scid;
	s4 =	simm.s32 $0x0;
	s16 =	simm.s32 $0x15000  }
0x5: {  	s17 =	simm.s32 $0x40;
	s18 =	simm.s32 $0x16400;
	s19 =	simm.s32 $0x13C80  }
0x6: {  	s20 =	simm.s32 $0x1A400;
	s21 =	simm.s32 $0x1;
	s22 =	simm.s32 $0x3  }
0x7: {  	s23 =	simm.s32 $0x2;
	s10 =	sand.u32 $0x1, s3;
	s3 =	stileid.u32  }
0x8: {  	s24 =	simm.s32 $0x4;
	[smem:$0x7FF] =	sst s4;
	s7 =	smul.u32 $0x13C000, s10  }
0x9: {  	s5 =	sadd.s32 $0x2A400, s8;
	s6 =	sadd.s32 $0x2400, s8;
	s9 =	smul.u32 $0x13C00, s3  }
0xa: {  	_ =	strace $0x8000004D;
	s11 =	ssub.s32 $0x2, s10;
	s12 =	smul.u32 $0x4F000, s3  }
0xb: {  	s31 =	sshll.u32 s3, $0x6;
	s10 =	smul.u32 $0xA0000, s10;
	s29 =	sshrl.u32 s11, $0x1  }
.Ltmp0:
0xc: {  	s7 =	sadd.s32 s9, s7;
	s14 =	ssub.s32 s11, s29;
	(pc) =	sbr.rel .LBB2_1-.Ltmp0, $4  }
0xd: {  	s30 =	sshrl.u32 s12, $0x2;
	s9 =	sshrl.u32 s7, $0x3;
	s7 =	sadd.s32 $0x52400, s8  }
0xe: {  	s15 =	sadd.s32 s30, s2;
	s12 =	smax.u32 s14, $0x1;
	s14 =	simm.s32 $0x5  }
0xf: {  	s13 =	sadd.s32 s9, s8;
	s8 =	sor.u32 $0x1C05, s31;
	s9 =	smul.u32 $0x140, s3  }
0x10: {  	s11 =	sadd.s32 $0x54C00, s13;
	s13 =	sshrl.u32 s15, $0x3;
	s15 =	simm.s32 $0x13C00  }
.LBB2_8:
0x11: {  	s4 =	sadd.s32 $0x1, s4  }
0x12: {  	p0 =	sne.s32 s4, s12  }
.Ltmp1:
0x13: {  	[bflag:$0x0] =	sbarrier.arrive $0xFFFF;
	(pc) =	sbr.rel @!p0 .LBB2_9-.Ltmp1, $4  }
0x14: {  	[hbm:s11], [sflag:s8] =	dma.local [spmem:s13], $0x2780  }
0x15: {  	_ =	swait.ge [sflag:s14], $0x2780  }
0x16: {  	[sflag:s14] =	ssyncset.done $0x0  }
0x17: {  	[sflag:s14] =	ssyncadd.s32 $0xFFFFD880  }
.LBB2_1:
0x18: {  	[spmem:s13], [sflag:s8] =	dma.local [hbm:s7], $0x2780  }
.Ltmp2:
0x19: {  	_ =	swait.ge [sflag:s14], $0x2780;
	(pc) =	sbr.rel .LBB2_2-.Ltmp2, $4  }
0x1a: {  	[sflag:s14] =	ssyncset.done $0x0  }
0x1b: {  	[sflag:s14] =	ssyncadd.s32 $0xFFFFD880  }
0x1c: {  	[bflag:$0x0] =	sbarrier.arrive $0xFFFF  }
0x1d: {  	s25 =	simm.s32 $0x0  }
.LBB2_7:
0x1e: {  	s25 =	sadd.s32 $0x1, s25  }
0x1f: {  	_ =	swait.ge [sflag:s23], $0x2000;
	p0 =	sne.s32 s25, $0x8  }
.Ltmp3:
0x20: {  	[sflag:s23] =	ssyncset.done $0x0;
	(pc) =	sbr.rel @!p0 .LBB2_8-.Ltmp3, $4  }
0x21: {  	[sflag:s23] =	ssyncadd.s32 $0xFFFFE000  }
0x22: {  	_ =	swait.ge [sflag:s24], $0x2000  }
0x23: {  	[sflag:s24] =	ssyncset.done $0x0  }
0x24: {  	[sflag:s24] =	ssyncadd.s32 $0xFFFFE000  }
.LBB2_2:
0x25: {  	s26 =	smul.u32 $0x28, s25;
	_ =	sdelay $0x1  }
0x26: {  	s26 =	sadd.s32 s9, s26  }
0x27: {  	s26 =	sshll.u32 s26, $0x7  }
0x28: {  	s26 =	sadd.s32 s10, s26  }
0x29: {  	s28 =	sshrl.u32 s26, $0x3  }
0x2a: {  	s26 =	simm.s32 $0x0;
	s29 =	sadd.s32 s5, s28  }
0x2b: {  	[tilespmem:s15], [sflag:$0x5] =	stream.linear.gather [hbm4b:s29+s26], $0x1400, $0x38;
	[tilespmem:$0x1E400] =	vst v63  }
0x2c: {  	_ =	swait.ge [sflag:s14], $0x1400  }
0x2d: {  	[sflag:s14] =	ssyncset.done $0x0  }
0x2e: {  	s28 =	sadd.s32 s6, s28;
	[sflag:s14] =	ssyncadd.s32 $0xFFFFEC00  }
0x2f: {  	[tilespmem:s16], [sflag:$0x5] =	stream.linear.gather [hbm4b:s28+s26], $0x1400, $0x38;
	[tilespmem:$0x1E400] =	vst v63  }
0x30: {  	_ =	swait.ge [sflag:s14], $0x1400  }
.Ltmp4:
0x31: {  	[sflag:s14] =	ssyncset.done $0x0;
	(pc) =	sbr.rel .LBB2_3-.Ltmp4, $4  }
0x32: {  	[sflag:s14] =	ssyncadd.s32 $0xFFFFEC00  }
0x33: {  	[tilespmem:s18], [sflag:$0x1] =	stream.indirect.gather [hbm4b:s1+s17], $0x80, s15, s17, $0xb8;
	[tilespmem:$0x1E400] =	vst v63  }
0x34: {  	_ = 	snop  }
0x35: {  	[tilespmem:s20], [sflag:$0x3] =	stream.indirect.gather [hbm4b:s1+s17], $0x80, s19, s17, $0xb8;
	[tilespmem:$0x1E400] =	vst v63  }
.LBB2_5:
0x36: {  	s28 =	sadd.s32 @!p0 $0x1, s26  }
0x37: {  	s28 =	simm.s32 @p0 $0x1  }
0x38: {  	s30 =	sshll.u32 s28, $0x8  }
0x39: {  	s31 =	sshll.u32 s29, $0xD;
	s30 =	sand.u32 $0x3FFFFF00, s30  }
0x3a: {  	p1 =	por $0x0, $0x0;
	s31 =	ssub.s32 $0x18400, s31;
	s30 =	sadd.s32 $0x13C00, s30  }
0x3b: {  	[tilespmem:s31], [sflag:$0x1] =	stream.indirect.gather [hbm4b:s1+s17], $0x80, s30, s17, $0xb8;
	[tilespmem:$0x1E400] =	vst v63  }
.LBB2_6:
0x3c: {  	s26 =	sshll.u32 s26, $0x8  }
0x3d: {  	s30 =	sshll.u32 s29, $0xD;
	s26 =	sand.u32 $0x3FFFFF00, s26  }
0x3e: {  	s31 =	sadd.s32 $0x16400, s30;
	s0 =	sadd.s32 $0x15000, s26  }
0x3f: {  	[spmem:s2] =	stream.indirect.scatter.add.f32 [tilespmem:s31], [sflag:$0x2], $0x80, s0, s17, $0xb8;
	[tilespmem:$0x1E400] =	vst v63  }
0x40: {  	_ =	swait.ge [sflag:s22], $0x2000  }
0x41: {  	[sflag:s22] =	ssyncset.done $0x0  }
0x42: {  	s0 =	simm.s32 @!p0 $0x4;
	[sflag:s22] =	ssyncadd.s32 $0xFFFFE000  }
0x43: {  	_ =	swait.ge @!p0 [sflag:s0], $0x2000  }
0x44: {  	[sflag:s0] =	ssyncset.done @!p0 $0x0  }
0x45: {  	s31 =	sshll.u32 @!p1 s28, $0x8;
	[sflag:s0] =	ssyncadd.s32 @!p0 $0xFFFFE000;
	s0 =	sshll.u32 @!p1 s29, $0xD  }
0x46: {  	s29 =	sand.u32 @!p1 $0x3FFFFF00, s31;
	s31 =	simm.s32 @!p1 $0x40;
	p0 =	slt.u32 s28, $0x14  }
.Ltmp5:
0x47: {  	s0 =	ssub.s32 @!p1 $0x1C400, s0;
	s29 =	sadd.s32 @!p1 $0x13C80, s29;
	(pc) =	sbr.rel @!p0 .LBB2_7-.Ltmp5, $4  }
0x48: {  	[tilespmem:s0], [sflag:$0x3] =	stream.indirect.gather @!p1 [hbm4b:s1+s31], $0x80, s29, s31, $0xb8;
	[tilespmem:$0x1E400] =	vst v63  }
0x49: {  	s26 =	sadd.s32 $0x15080, s26;
	s31 =	sadd.s32 $0x1A400, s30  }
0x4a: {  	[spmem:s2] =	stream.indirect.scatter.add.f32 [tilespmem:s31], [sflag:$0x4], $0x80, s26, s17, $0xb8;
	[tilespmem:$0x1E400] =	vst v63  }
0x4b: {  	s26 =	smov.u32 s28  }
.LBB2_3:
0x4c: {  	p0 =	seq.s32 s26, $0x0  }
0x4d: {  	p1 =	seq.s32 @!p0 s26, $0x13  }
0x4e: {  	_ =	swait.ge [sflag:s21], $0x2000;
	p1 =	por p0, !p1  }
.Ltmp6:
0x4f: {  	[sflag:s21] =	ssyncset.done $0x0;
	(pc) =	sbr.rel @p1 .LBB2_5-.Ltmp6, $4  }
0x50: {  	s28 =	simm.s32 @!p0 $0x2;
	[sflag:s21] =	ssyncadd.s32 $0xFFFFE000  }
0x51: {  	_ =	swait.ge @!p0 [sflag:s28], $0x2000  }
0x52: {  	[sflag:s28] =	ssyncset.done @!p0 $0x0  }
0x53: {  	s29 =	sand.u32 $0x1, s26;
	[sflag:s28] =	ssyncadd.s32 @!p0 $0xFFFFE000  }
.Ltmp7:
0x54: {  	(pc) =	sbr.rel .LBB2_6-.Ltmp7, $2  }
0x55: {  	_ =	sdelay $0x2  }
0x56: {  	s28 =	simm.s32 @!p0 $0x14;
	p1 =	por @!p0 $0x1, $0x1  }
.LBB2_9:
0x57: {  	_ =	sfence.sel $0x180000  }
0x58: {  	[bflag:$0x0] =	sbarrier.arrive $0xFFFF  }
0x59: {  	_ =	strace $0x9000004D  }
0x5a: {  	[bflag:$0x2] =	sbarrier.arrive $0xFFFF  }
0x5b: {  	p0 =	sne.s32 s3, $0x0;
	s0 =	rddreg [dreg:$0x3]  }
0x5c: {  	s0 =	sadd.s32 @!p0 $0x100000, s0  }
0x5d: {  	[sflag:s0] =	ssyncadd.tile.s32 @!p0 $0x1;
	_ =	shalt  }
.Lfunc_end2:
_tile_overlayer_lowered:
.L_overlay_start_2:
0x5e: {  	(tag) =	ssettag $0x2  }
0x5f: {  	s0 =	rddreg [dreg:$0x0];
	s2 =	stileid.u32  }
0x60: {  	s1 =	rddreg [dreg:$0x1];
	p0 =	sne.s32 s2, $0x0  }
0x61: {  	s3 =	rddreg [dreg:$0x2];
	[bflag:$0x3] =	sbarrier.arrive $0xFFFF;
	s2 =	simm.s32 @!p0 $0x1C05  }
0x62: {  	[timem:s3], [sflag:s2] =	dma.local @!p0 [hbm:s0], s1  }
0x63: {  	s0 =	simm.s32 @!p0 $0x5  }
0x64: {  	_ =	swait.ge @!p0 [sflag:s0], s1  }
0x65: {  	s1 =	ssub.s32 @!p0 $0x0, s1;
	[sflag:s0] =	ssyncset.done @!p0 $0x0  }
0x66: {  	[sflag:s0] =	ssyncadd.s32 @!p0 s1  }
0x67: {  	[bflag:$0x3] =	sbarrier.arrive $0xFFFF  }
0x68: {  	_ =	shalt  }

// kernel: kernel.18.cloned.1.call-start
scs
__scs_entry_jumppad:
0x0: {  	(pc) =	sbr.rel $0x88, $3  }
0x1: {  	(tag) =	ssettag $0x0;
	lr =	simm.s32 $0x1  }
0x2: {  	[smem:$0x3F9C] =	sst lr;
	_ =	strace $0xD0000000  }
0x3: {  	_ = 	snop  }
0x4: {  	_ = 	snop  }
0x5: {  	_ = 	snop  }
0x6: {  	_ = 	snop  }
0x7: {  	_ = 	snop  }
__scs_overlays_trampoline_lowered:
0x8: {  	[smem:$0x3FAB] =	sst s0  }
0x9: {  	[smem:$0x3FAC] =	sst s1  }
0xa: {  	[smem:$0x3FAD] =	sst s2  }
0xb: {  	[smem:$0x3FAE] =	sst s3  }
0xc: {  	[smem:$0x3FAF] =	sst s4  }
0xd: {  	[smem:$0x3FB0] =	sst s5  }
0xe: {  	[smem:$0x3FB1] =	sst s6  }
0xf: {  	[smem:$0x3FB2] =	sst s7  }
0x10: {  	[smem:$0x3FB3] =	sst s8  }
0x11: {  	[smem:$0x3FB4] =	sst s9;
	s0 =	simm.s32 @!p0 $0x0  }
0x12: {  	s1 =	sld [smem:$0x3F9A];
	s0 =	simm.s32 @p0 $0x1  }
0x13: {  	[smem:$0x3FB5] =	sst s0;
	s0 =	simm.s32 @!p1 $0x0  }
0x14: {  	s2 =	sld [smem:$0x3F99];
	s0 =	simm.s32 @p1 $0x1  }
0x15: {  	[smem:$0x3FB6] =	sst s0;
	s0 =	simm.s32 @!p2 $0x0  }
0x16: {  	s3 =	sld [smem:$0x3FDB];
	s0 =	simm.s32 @p2 $0x1  }
0x17: {  	s4 =	simm.s32 $0x1BF5;
	[smem:$0x3FB8] =	sst s0  }
0x18: {  	s0 =	sld [smem:$0x3F9B];
	_ =	swait.ge [sflag:s4], $0x0  }
0x19: {  	s7 =	sld [smem:$0x3F9C]  }
0x1a: {  	s8 =	sadd.s32 $0xFFFFE003, lr  }
0x1b: {  	s9 =	sadd.s32 $0xFFFFFEF7, lr;
	s5 =	simm.s32 $0xFFFFFFFF;
	p2 =	slt.u32 s8, $0xFFFFF086  }
0x1c: {  	p1 =	slt.u32 s9, $0xF7A;
	s5 =	simm.s32 @!p2 $0x0  }
0x1d: {  	s5 =	simm.s32 @p1 $0x1;
	p0 =	seq.s32 s7, s2  }
0x1e: {  	s7 =	smul.u32 @!p0 $0xF7A, s2;
	p2 =	seq.s32 @!p0 s5, $0x0  }
0x1f: {  	s9 =	smul.u32 $0xF7A, s1;
	s8 =	simm.s32 @!p0 $0x1BF5;
	p2 =	por !p2, p0  }
0x20: {  	[sflag:s8] =	ssyncset.s32 @!p0 $0xFFFFF086;
	s6 =	sadd.s32 @!p0 s3, s7;
	s7 =	simm.s32 @!p0 $0x108  }
0x21: {  	s3 =	sadd.s32 s3, s9;
	s6 =	sadd.s32 @!p0 $0x88, s6;
	s7 =	simm.s32 @p2 $0x1082  }
0x22: {  	[simem:s7], [sflag:s8] =	dma.local @!p0 [hbm:s6], $0xF7A  }
0x23: {  	s9 =	sor.u32 $0xD0000000, s2;
	s6 =	simm.s32 $0x108;
	_ =	swait.ge @!p0 [sflag:s8], $0x0  }
0x24: {  	s3 =	sadd.s32 $0x88, s3;
	s6 =	simm.s32 @!p1 $0x1082;
	[sflag:s4] =	ssyncset.s32 $0xFFFFF086  }
0x25: {  	[simem:s6], [sflag:s4] =	dma.local [hbm:s3], $0xF7A  }
0x26: {  	[smem:$0x3F9C] =	sst s1;
	(tag) =	ssettag s2;
	_ =	strace s9  }
0x27: {  	s1 =	sld [smem:$0x3FAC]  }
0x28: {  	s2 =	sld [smem:$0x3FAD]  }
0x29: {  	s4 =	sld [smem:$0x3FAF]  }
0x2a: {  	p0 =	seq.s32 s5, $0x0;
	s5 =	sld [smem:$0x3FB0]  }
0x2b: {  	s6 =	sld [smem:$0x3FB1]  }
0x2c: {  	s7 =	sld [smem:$0x3FB2]  }
0x2d: {  	s3 =	simm.s32 $0x108;
	s8 =	sld [smem:$0x3FB3]  }
0x2e: {  	s3 =	simm.s32 @!p0 $0x1082;
	s9 =	sld [smem:$0x3FB4]  }
0x2f: {  	lr =	sadd.s32 s0, s3;
	s0 =	sld [smem:$0x3FAB]  }
0x30: {  	s3 =	sld [smem:$0x3FAE]  }
0x31: {  	[smem:$0x3FB7] =	sst s10  }
0x32: {  	s10 =	sld [smem:$0x3FB5];
	_ =	sdelay $0x3  }
0x33: {  	p0 =	seq.s32 s10, $0x1;
	s10 =	sld [smem:$0x3FB7];
	_ =	sdelay $0x3  }
0x34: {  	[smem:$0x3FB7] =	sst s10  }
0x35: {  	s10 =	sld [smem:$0x3FB6];
	_ =	sdelay $0x3  }
0x36: {  	p1 =	seq.s32 s10, $0x1;
	s10 =	sld [smem:$0x3FB7];
	_ =	sdelay $0x3  }
0x37: {  	[smem:$0x3FB7] =	sst s10  }
0x38: {  	s10 =	sld [smem:$0x3FB8]  }
0x39: {  	_ = 	snop;
	(pc) =	sbr.ind lr, $3  }
0x3a: {  	_ = 	snop  }
0x3b: {  	_ = 	snop  }
0x3c: {  	p2 =	seq.s32 s10, $0x1;
	s10 =	sld [smem:$0x3FB7]  }
0x3d: {  	_ =	shalt  }
0x3e: {  	_ =	shalt  }
0x3f: {  	_ =	shalt  }
0x40: {  	_ =	shalt  }
0x41: {  	_ =	shalt  }
0x42: {  	_ =	shalt  }
0x43: {  	_ =	shalt  }
0x44: {  	_ =	shalt  }
0x45: {  	_ =	shalt  }
0x46: {  	_ =	shalt  }
0x47: {  	_ =	shalt  }
0x48: {  	_ =	shalt  }
0x49: {  	_ =	shalt  }
0x4a: {  	_ =	shalt  }
0x4b: {  	_ =	shalt  }
0x4c: {  	_ =	shalt  }
0x4d: {  	_ =	shalt  }
0x4e: {  	_ =	shalt  }
0x4f: {  	_ =	shalt  }
0x50: {  	_ =	shalt  }
0x51: {  	_ =	shalt  }
0x52: {  	_ =	shalt  }
0x53: {  	_ =	shalt  }
0x54: {  	_ =	shalt  }
0x55: {  	_ =	shalt  }
0x56: {  	_ =	shalt  }
0x57: {  	_ =	shalt  }
0x58: {  	_ =	shalt  }
0x59: {  	_ =	shalt  }
0x5a: {  	_ =	shalt  }
0x5b: {  	_ =	shalt  }
0x5c: {  	_ =	shalt  }
0x5d: {  	_ =	shalt  }
0x5e: {  	_ =	shalt  }
0x5f: {  	_ =	shalt  }
0x60: {  	_ =	shalt  }
0x61: {  	_ =	shalt  }
0x62: {  	_ =	shalt  }
0x63: {  	_ =	shalt  }
0x64: {  	_ =	shalt  }
0x65: {  	_ =	shalt  }
0x66: {  	_ =	shalt  }
0x67: {  	_ =	shalt  }
0x68: {  	_ =	shalt  }
0x69: {  	_ =	shalt  }
0x6a: {  	_ =	shalt  }
0x6b: {  	_ =	shalt  }
0x6c: {  	_ =	shalt  }
0x6d: {  	_ =	shalt  }
0x6e: {  	_ =	shalt  }
0x6f: {  	_ =	shalt  }
0x70: {  	_ =	shalt  }
0x71: {  	_ =	shalt  }
0x72: {  	_ =	shalt  }
0x73: {  	_ =	shalt  }
0x74: {  	_ =	shalt  }
0x75: {  	_ =	shalt  }
0x76: {  	_ =	shalt  }
0x77: {  	_ =	shalt  }
0x78: {  	_ =	shalt  }
0x79: {  	_ =	shalt  }
0x7a: {  	_ =	shalt  }
0x7b: {  	_ =	shalt  }
0x7c: {  	_ =	shalt  }
0x7d: {  	_ =	shalt  }
0x7e: {  	_ =	shalt  }
0x7f: {  	_ =	shalt  }
0x80: {  	_ =	shalt  }
0x81: {  	_ =	shalt  }
0x82: {  	_ =	shalt  }
0x83: {  	_ =	shalt  }
0x84: {  	_ =	shalt  }
0x85: {  	_ =	shalt  }
0x86: {  	_ =	shalt  }
0x87: {  	_ =	shalt  }
.Lfunc_end0:
.L_simem_size_0:
called_computation.3_lowered:
.L_overlay_start_0:
0x88: {  	s2 =	sld [smem:$0x3FD9]  }
0x89: {  	s3 =	sld [smem:$0x3FFE];
	_ =	sdelay $0x1  }
0x8a: {  	s1 =	srdreg.scid  }
0x8b: {  	s0 =	sand.u32 $0x1, s1  }
0x8c: {  	s17 =	sshll.u32 s0, $0xA;
	s2 =	sadd.s32 s3, s2  }
0x8d: {  	s2 =	sadd.s32 s2, s17  }
0x8e: {  	[smem:$0x3FC3] =	sst s2  }
0x8f: {  	_ = 	snop  }
0x90: {  	s2 =	sld [smem:$0x3FD0];
	(tm) =	ssettm $0x1  }
0x91: {  	s18 =	sld [smem:$0x3FFB];
	_ =	sdelay $0x3  }
0x92: {  	_ =	strace s18  }
0x93: {  	s3 =	sld [smem:$0x3FFC];
	_ =	sdelay $0x3  }
0x94: {  	_ =	strace s3  }
0x95: {  	s3 =	sld [smem:$0x3FFD];
	_ =	sdelay $0x3  }
0x96: {  	_ =	strace s3  }
0x97: {  	_ =	strace $0x8FFFFFFF  }
0x98: {  	s19 =	sld [smem:$0x3FDB];
	_ =	sdelay $0x1  }
0x99: {  	s4 =	simm.s32 $_scs_section_size  }
0x9a: {  	s5 =	simm.s32 $_size__tile_overlayer_lowered;
	s6 =	simm.s32 $_tile_overlayer_lowered  }
0x9b: {  	s22 =	simm.s32 $0x1BFF;
	s21 =	sshll.u32 s6, $0x1;
	s3 =	sadd.s32 s4, s19  }
0x9c: {  	s7 =	simm.s32 $0x0;
	s20 =	sshll.u32 s5, $0x1;
	s5 =	sadd.s32 s21, s3  }
0x9d: {  	[timem:s7], [sflag:s22] =	dma.local [hbm:s5], s20  }
0x9e: {  	_ =	swait.ge [sflag:s22], s20  }
0x9f: {  	s4 =	ssub.s32 $0x0, s20;
	[sflag:s22] =	ssyncset.done $0x0  }
0xa0: {  	[sflag:s22] =	ssyncadd.s32 s4;
	_ =	sdelay $0x1  }
0xa1: {  	s23 =	simm.s32 $0x1B8B  }
0xa2: {  	_ =	swait.ge [sflag:s23], $0x1  }
0xa3: {  	[sflag:s23] =	ssyncset.done $0x0  }
0xa4: {  	s25 =	simm.s32 $0x1B8E;
	s24 =	sld [smem:$0x3FFE];
	[sflag:s23] =	ssyncadd.s32 $0xFFFFFFFF  }
0xa5: {  	s26 =	simm.s32 $execute0_lowered;
	[smem:$0x3FD2] =	sst s25  }
0xa6: {  	s5 =	sshll.u32 s26, $0x1;
	_ =	strace $0x8000004F;
	[dreg:$0x1] =	wrdreg $0xFFFFFFFF  }
0xa7: {  	s28 =	simm.s32 $_size_execute0_lowered;
	s3 =	sadd.s32 s3, s5;
	[dreg:$0x0] =	wrdreg $0x0  }
0xa8: {  	s5 =	sshll.u32 s28, $0x1;
	[dreg:$0x2] =	wrdreg s3  }
0xa9: {  	[dreg:$0x3] =	wrdreg s5  }
0xaa: {  	[dreg:$0x4] =	wrdreg $0xC0  }
0xab: {  	_ =	task [dreg:s7], $0x5FFFF  }
0xac: {  	[dreg:$0x1] =	wrdreg $0xFFFFFFFF  }
0xad: {  	[dreg:$0x0] =	wrdreg $0x60  }
0xae: {  	[dreg:$0x2] =	wrdreg s2  }
0xaf: {  	[dreg:$0x3] =	wrdreg s24  }
0xb0: {  	[dreg:$0x4] =	wrdreg $0x0  }
0xb1: {  	[dreg:$0x5] =	wrdreg $0x9  }
0xb2: {  	_ =	task.clear_ibuf [dreg:s7], $0x6FFFF;
	_ =	strace $0x9000004F  }
0xb3: {  	s29 =	simm.s32 $0x9;
	_ =	strace $0x80000051  }
0xb4: {  	_ =	swait.ge [sflag:s29], $0x1  }
0xb5: {  	[sflag:s29] =	ssyncadd.s32 $0xFFFFFFFF  }
0xb6: {  	_ =	strace $0x90000051  }
0xb7: {  	_ =	sfence  }
0xb8: {  	s30 =	sld [smem:$0x0];
	_ =	sdelay $0x2  }
0xb9: {  	s31 =	sshll.u32 s1, $0xD;
	s1 =	sshrl.u32 s1, $0x2  }
0xba: {  	s3 =	sand.u32 $0x4000, s31;
	s1 =	sadd.s32 s1, s30  }
0xbb: {  	s0 =	sor.u32 s3, s0;
	s1 =	sshll.u32 s1, $0x11  }
0xbc: {  	s0 =	sor.u32 s1, s0  }
0xbd: {  	s0 =	sadd.s32 $0x8F2B, s0  }
0xbe: {  	[sflag:s0] =	ssyncadd.remote.s32 $0x1  }
0xbf: {  	_ =	sfence.sel $0xFFFF  }
0xc0: {  	[dreg:$0x0] =	wrdreg $0xFFFFFFFF;
	(pc) =	sbr.abs _section_cstart, $3  }
0xc1: {  	[dreg:$0x1] =	wrdreg $0xFFFFFFFF  }
0xc2: {  	_ =	task.clear_ibuf [dreg:s7], $0x2FFFF;
	_ =	strace $0x9FFFFFFF  }
0xc3: {  	(tm) =	ssettm $0x7FFFFFFF  }
tec
execute0_lowered:
.L_overlay_start_1:
0x0: {  	(tag) =	ssettag $0x1  }
0x1: {  	s1 =	rddreg [dreg:$0x0]  }
0x2: {  	s8 =	rddreg [dreg:$0x1]  }
0x3: {  	s2 =	rddreg [dreg:$0x2]  }
0x4: {  	s3 =	srdreg.scid;
	s4 =	simm.s32 $0x0;
	s16 =	simm.s32 $0x15000  }
0x5: {  	s17 =	simm.s32 $0x40;
	s18 =	simm.s32 $0x16400;
	s19 =	simm.s32 $0x13C80  }
0x6: {  	s20 =	simm.s32 $0x1A400;
	s21 =	simm.s32 $0x1;
	s22 =	simm.s32 $0x3  }
0x7: {  	s23 =	simm.s32 $0x2;
	s10 =	sand.u32 $0x1, s3;
	s3 =	stileid.u32  }
0x8: {  	s24 =	simm.s32 $0x4;
	[smem:$0x7FF] =	sst s4;
	s7 =	smul.u32 $0x13C000, s10  }
0x9: {  	s5 =	sadd.s32 $0x2A400, s8;
	s6 =	sadd.s32 $0x2400, s8;
	s9 =	smul.u32 $0x13C00, s3  }
0xa: {  	_ =	strace $0x80000050;
	s11 =	ssub.s32 $0x2, s10;
	s12 =	smul.u32 $0x4F000, s3  }
0xb: {  	s31 =	sshll.u32 s3, $0x6;
	s10 =	smul.u32 $0xA0000, s10;
	s29 =	sshrl.u32 s11, $0x1  }
.Ltmp0:
0xc: {  	s7 =	sadd.s32 s9, s7;
	s14 =	ssub.s32 s11, s29;
	(pc) =	sbr.rel .LBB2_1-.Ltmp0, $4  }
0xd: {  	s30 =	sshrl.u32 s12, $0x2;
	s9 =	sshrl.u32 s7, $0x3;
	s7 =	sadd.s32 $0x52400, s8  }
0xe: {  	s15 =	sadd.s32 s30, s2;
	s12 =	smax.u32 s14, $0x1;
	s14 =	simm.s32 $0x5  }
0xf: {  	s13 =	sadd.s32 s9, s8;
	s8 =	sor.u32 $0x1C05, s31;
	s9 =	smul.u32 $0x140, s3  }
0x10: {  	s11 =	sadd.s32 $0x54C00, s13;
	s13 =	sshrl.u32 s15, $0x3;
	s15 =	simm.s32 $0x13C00  }
.LBB2_8:
0x11: {  	s4 =	sadd.s32 $0x1, s4  }
0x12: {  	p0 =	sne.s32 s4, s12  }
.Ltmp1:
0x13: {  	[bflag:$0x0] =	sbarrier.arrive $0xFFFF;
	(pc) =	sbr.rel @!p0 .LBB2_9-.Ltmp1, $4  }
0x14: {  	[hbm:s11], [sflag:s8] =	dma.local [spmem:s13], $0x2780  }
0x15: {  	_ =	swait.ge [sflag:s14], $0x2780  }
0x16: {  	[sflag:s14] =	ssyncset.done $0x0  }
0x17: {  	[sflag:s14] =	ssyncadd.s32 $0xFFFFD880  }
.LBB2_1:
0x18: {  	[spmem:s13], [sflag:s8] =	dma.local [hbm:s7], $0x2780  }
.Ltmp2:
0x19: {  	_ =	swait.ge [sflag:s14], $0x2780;
	(pc) =	sbr.rel .LBB2_2-.Ltmp2, $4  }
0x1a: {  	[sflag:s14] =	ssyncset.done $0x0  }
0x1b: {  	[sflag:s14] =	ssyncadd.s32 $0xFFFFD880  }
0x1c: {  	[bflag:$0x0] =	sbarrier.arrive $0xFFFF  }
0x1d: {  	s25 =	simm.s32 $0x0  }
.LBB2_7:
0x1e: {  	s25 =	sadd.s32 $0x1, s25  }
0x1f: {  	_ =	swait.ge [sflag:s23], $0x2000;
	p0 =	sne.s32 s25, $0x8  }
.Ltmp3:
0x20: {  	[sflag:s23] =	ssyncset.done $0x0;
	(pc) =	sbr.rel @!p0 .LBB2_8-.Ltmp3, $4  }
0x21: {  	[sflag:s23] =	ssyncadd.s32 $0xFFFFE000  }
0x22: {  	_ =	swait.ge [sflag:s24], $0x2000  }
0x23: {  	[sflag:s24] =	ssyncset.done $0x0  }
0x24: {  	[sflag:s24] =	ssyncadd.s32 $0xFFFFE000  }
.LBB2_2:
0x25: {  	s26 =	smul.u32 $0x28, s25;
	_ =	sdelay $0x1  }
0x26: {  	s26 =	sadd.s32 s9, s26  }
0x27: {  	s26 =	sshll.u32 s26, $0x7  }
0x28: {  	s26 =	sadd.s32 s10, s26  }
0x29: {  	s28 =	sshrl.u32 s26, $0x3  }
0x2a: {  	s26 =	simm.s32 $0x0;
	s29 =	sadd.s32 s5, s28  }
0x2b: {  	[tilespmem:s15], [sflag:$0x5] =	stream.linear.gather [hbm4b:s29+s26], $0x1400, $0x38;
	[tilespmem:$0x1E400] =	vst v63  }
0x2c: {  	_ =	swait.ge [sflag:s14], $0x1400  }
0x2d: {  	[sflag:s14] =	ssyncset.done $0x0  }
0x2e: {  	s28 =	sadd.s32 s6, s28;
	[sflag:s14] =	ssyncadd.s32 $0xFFFFEC00  }
0x2f: {  	[tilespmem:s16], [sflag:$0x5] =	stream.linear.gather [hbm4b:s28+s26], $0x1400, $0x38;
	[tilespmem:$0x1E400] =	vst v63  }
0x30: {  	_ =	swait.ge [sflag:s14], $0x1400  }
.Ltmp4:
0x31: {  	[sflag:s14] =	ssyncset.done $0x0;
	(pc) =	sbr.rel .LBB2_3-.Ltmp4, $4  }
0x32: {  	[sflag:s14] =	ssyncadd.s32 $0xFFFFEC00  }
0x33: {  	[tilespmem:s18], [sflag:$0x1] =	stream.indirect.gather [hbm4b:s1+s17], $0x80, s15, s17, $0xb8;
	[tilespmem:$0x1E400] =	vst v63  }
0x34: {  	_ = 	snop  }
0x35: {  	[tilespmem:s20], [sflag:$0x3] =	stream.indirect.gather [hbm4b:s1+s17], $0x80, s19, s17, $0xb8;
	[tilespmem:$0x1E400] =	vst v63  }
.LBB2_5:
0x36: {  	s28 =	sadd.s32 @!p0 $0x1, s26  }
0x37: {  	s28 =	simm.s32 @p0 $0x1  }
0x38: {  	s30 =	sshll.u32 s28, $0x8  }
0x39: {  	s31 =	sshll.u32 s29, $0xD;
	s30 =	sand.u32 $0x3FFFFF00, s30  }
0x3a: {  	p1 =	por $0x0, $0x0;
	s31 =	ssub.s32 $0x18400, s31;
	s30 =	sadd.s32 $0x13C00, s30  }
0x3b: {  	[tilespmem:s31], [sflag:$0x1] =	stream.indirect.gather [hbm4b:s1+s17], $0x80, s30, s17, $0xb8;
	[tilespmem:$0x1E400] =	vst v63  }
.LBB2_6:
0x3c: {  	s26 =	sshll.u32 s26, $0x8  }
0x3d: {  	s30 =	sshll.u32 s29, $0xD;
	s26 =	sand.u32 $0x3FFFFF00, s26  }
0x3e: {  	s31 =	sadd.s32 $0x16400, s30;
	s0 =	sadd.s32 $0x15000, s26  }
0x3f: {  	[spmem:s2] =	stream.indirect.scatter.add.f32 [tilespmem:s31], [sflag:$0x2], $0x80, s0, s17, $0xb8;
	[tilespmem:$0x1E400] =	vst v63  }
0x40: {  	_ =	swait.ge [sflag:s22], $0x2000  }
0x41: {  	[sflag:s22] =	ssyncset.done $0x0  }
0x42: {  	s0 =	simm.s32 @!p0 $0x4;
	[sflag:s22] =	ssyncadd.s32 $0xFFFFE000  }
0x43: {  	_ =	swait.ge @!p0 [sflag:s0], $0x2000  }
0x44: {  	[sflag:s0] =	ssyncset.done @!p0 $0x0  }
0x45: {  	s31 =	sshll.u32 @!p1 s28, $0x8;
	[sflag:s0] =	ssyncadd.s32 @!p0 $0xFFFFE000;
	s0 =	sshll.u32 @!p1 s29, $0xD  }
0x46: {  	s29 =	sand.u32 @!p1 $0x3FFFFF00, s31;
	s31 =	simm.s32 @!p1 $0x40;
	p0 =	slt.u32 s28, $0x14  }
.Ltmp5:
0x47: {  	s0 =	ssub.s32 @!p1 $0x1C400, s0;
	s29 =	sadd.s32 @!p1 $0x13C80, s29;
	(pc) =	sbr.rel @!p0 .LBB2_7-.Ltmp5, $4  }
0x48: {  	[tilespmem:s0], [sflag:$0x3] =	stream.indirect.gather @!p1 [hbm4b:s1+s31], $0x80, s29, s31, $0xb8;
	[tilespmem:$0x1E400] =	vst v63  }
0x49: {  	s26 =	sadd.s32 $0x15080, s26;
	s31 =	sadd.s32 $0x1A400, s30  }
0x4a: {  	[spmem:s2] =	stream.indirect.scatter.add.f32 [tilespmem:s31], [sflag:$0x4], $0x80, s26, s17, $0xb8;
	[tilespmem:$0x1E400] =	vst v63  }
0x4b: {  	s26 =	smov.u32 s28  }
.LBB2_3:
0x4c: {  	p0 =	seq.s32 s26, $0x0  }
0x4d: {  	p1 =	seq.s32 @!p0 s26, $0x13  }
0x4e: {  	_ =	swait.ge [sflag:s21], $0x2000;
	p1 =	por p0, !p1  }
.Ltmp6:
0x4f: {  	[sflag:s21] =	ssyncset.done $0x0;
	(pc) =	sbr.rel @p1 .LBB2_5-.Ltmp6, $4  }
0x50: {  	s28 =	simm.s32 @!p0 $0x2;
	[sflag:s21] =	ssyncadd.s32 $0xFFFFE000  }
0x51: {  	_ =	swait.ge @!p0 [sflag:s28], $0x2000  }
0x52: {  	[sflag:s28] =	ssyncset.done @!p0 $0x0  }
0x53: {  	s29 =	sand.u32 $0x1, s26;
	[sflag:s28] =	ssyncadd.s32 @!p0 $0xFFFFE000  }
.Ltmp7:
0x54: {  	(pc) =	sbr.rel .LBB2_6-.Ltmp7, $2  }
0x55: {  	_ =	sdelay $0x2  }
0x56: {  	s28 =	simm.s32 @!p0 $0x14;
	p1 =	por @!p0 $0x1, $0x1  }
.LBB2_9:
0x57: {  	_ =	sfence.sel $0x180000  }
0x58: {  	[bflag:$0x0] =	sbarrier.arrive $0xFFFF  }
0x59: {  	_ =	strace $0x90000050  }
0x5a: {  	[bflag:$0x2] =	sbarrier.arrive $0xFFFF  }
0x5b: {  	p0 =	sne.s32 s3, $0x0;
	s0 =	rddreg [dreg:$0x3]  }
0x5c: {  	s0 =	sadd.s32 @!p0 $0x100000, s0  }
0x5d: {  	[sflag:s0] =	ssyncadd.tile.s32 @!p0 $0x1;
	_ =	shalt  }
.Lfunc_end2:
_tile_overlayer_lowered:
.L_overlay_start_2:
0x5e: {  	(tag) =	ssettag $0x2  }
0x5f: {  	s0 =	rddreg [dreg:$0x0];
	s2 =	stileid.u32  }
0x60: {  	s1 =	rddreg [dreg:$0x1];
	p0 =	sne.s32 s2, $0x0  }
0x61: {  	s3 =	rddreg [dreg:$0x2];
	[bflag:$0x3] =	sbarrier.arrive $0xFFFF;
	s2 =	simm.s32 @!p0 $0x1C05  }
0x62: {  	[timem:s3], [sflag:s2] =	dma.local @!p0 [hbm:s0], s1  }
0x63: {  	s0 =	simm.s32 @!p0 $0x5  }
0x64: {  	_ =	swait.ge @!p0 [sflag:s0], s1  }
0x65: {  	s1 =	ssub.s32 @!p0 $0x0, s1;
	[sflag:s0] =	ssyncset.done @!p0 $0x0  }
0x66: {  	[sflag:s0] =	ssyncadd.s32 @!p0 s1  }
0x67: {  	[bflag:$0x3] =	sbarrier.arrive $0xFFFF  }
0x68: {  	_ =	shalt  }

// kernel: kernel.9.cloned.1.call-start
scs
__scs_entry_jumppad:
0x0: {  	(pc) =	sbr.rel $0x88, $3  }
0x1: {  	(tag) =	ssettag $0x0;
	lr =	simm.s32 $0x1  }
0x2: {  	[smem:$0x3F9C] =	sst lr;
	_ =	strace $0xD0000000  }
0x3: {  	_ = 	snop  }
0x4: {  	_ = 	snop  }
0x5: {  	_ = 	snop  }
0x6: {  	_ = 	snop  }
0x7: {  	_ = 	snop  }
__scs_overlays_trampoline_lowered:
0x8: {  	[smem:$0x3FAB] =	sst s0  }
0x9: {  	[smem:$0x3FAC] =	sst s1  }
0xa: {  	[smem:$0x3FAD] =	sst s2  }
0xb: {  	[smem:$0x3FAE] =	sst s3  }
0xc: {  	[smem:$0x3FAF] =	sst s4  }
0xd: {  	[smem:$0x3FB0] =	sst s5  }
0xe: {  	[smem:$0x3FB1] =	sst s6  }
0xf: {  	[smem:$0x3FB2] =	sst s7  }
0x10: {  	[smem:$0x3FB3] =	sst s8  }
0x11: {  	[smem:$0x3FB4] =	sst s9;
	s0 =	simm.s32 @!p0 $0x0  }
0x12: {  	s1 =	sld [smem:$0x3F9A];
	s0 =	simm.s32 @p0 $0x1  }
0x13: {  	[smem:$0x3FB5] =	sst s0;
	s0 =	simm.s32 @!p1 $0x0  }
0x14: {  	s2 =	sld [smem:$0x3F99];
	s0 =	simm.s32 @p1 $0x1  }
0x15: {  	[smem:$0x3FB6] =	sst s0;
	s0 =	simm.s32 @!p2 $0x0  }
0x16: {  	s3 =	sld [smem:$0x3FDB];
	s0 =	simm.s32 @p2 $0x1  }
0x17: {  	s4 =	simm.s32 $0x1BF5;
	[smem:$0x3FB8] =	sst s0  }
0x18: {  	s0 =	sld [smem:$0x3F9B];
	_ =	swait.ge [sflag:s4], $0x0  }
0x19: {  	s7 =	sld [smem:$0x3F9C]  }
0x1a: {  	s8 =	sadd.s32 $0xFFFFE003, lr  }
0x1b: {  	s9 =	sadd.s32 $0xFFFFFEF7, lr;
	s5 =	simm.s32 $0xFFFFFFFF;
	p2 =	slt.u32 s8, $0xFFFFF086  }
0x1c: {  	p1 =	slt.u32 s9, $0xF7A;
	s5 =	simm.s32 @!p2 $0x0  }
0x1d: {  	s5 =	simm.s32 @p1 $0x1;
	p0 =	seq.s32 s7, s2  }
0x1e: {  	s7 =	smul.u32 @!p0 $0xF7A, s2;
	p2 =	seq.s32 @!p0 s5, $0x0  }
0x1f: {  	s9 =	smul.u32 $0xF7A, s1;
	s8 =	simm.s32 @!p0 $0x1BF5;
	p2 =	por !p2, p0  }
0x20: {  	[sflag:s8] =	ssyncset.s32 @!p0 $0xFFFFF086;
	s6 =	sadd.s32 @!p0 s3, s7;
	s7 =	simm.s32 @!p0 $0x108  }
0x21: {  	s3 =	sadd.s32 s3, s9;
	s6 =	sadd.s32 @!p0 $0x88, s6;
	s7 =	simm.s32 @p2 $0x1082  }
0x22: {  	[simem:s7], [sflag:s8] =	dma.local @!p0 [hbm:s6], $0xF7A  }
0x23: {  	s9 =	sor.u32 $0xD0000000, s2;
	s6 =	simm.s32 $0x108;
	_ =	swait.ge @!p0 [sflag:s8], $0x0  }
0x24: {  	s3 =	sadd.s32 $0x88, s3;
	s6 =	simm.s32 @!p1 $0x1082;
	[sflag:s4] =	ssyncset.s32 $0xFFFFF086  }
0x25: {  	[simem:s6], [sflag:s4] =	dma.local [hbm:s3], $0xF7A  }
0x26: {  	[smem:$0x3F9C] =	sst s1;
	(tag) =	ssettag s2;
	_ =	strace s9  }
0x27: {  	s1 =	sld [smem:$0x3FAC]  }
0x28: {  	s2 =	sld [smem:$0x3FAD]  }
0x29: {  	s4 =	sld [smem:$0x3FAF]  }
0x2a: {  	p0 =	seq.s32 s5, $0x0;
	s5 =	sld [smem:$0x3FB0]  }
0x2b: {  	s6 =	sld [smem:$0x3FB1]  }
0x2c: {  	s7 =	sld [smem:$0x3FB2]  }
0x2d: {  	s3 =	simm.s32 $0x108;
	s8 =	sld [smem:$0x3FB3]  }
0x2e: {  	s3 =	simm.s32 @!p0 $0x1082;
	s9 =	sld [smem:$0x3FB4]  }
0x2f: {  	lr =	sadd.s32 s0, s3;
	s0 =	sld [smem:$0x3FAB]  }
0x30: {  	s3 =	sld [smem:$0x3FAE]  }
0x31: {  	[smem:$0x3FB7] =	sst s10  }
0x32: {  	s10 =	sld [smem:$0x3FB5];
	_ =	sdelay $0x3  }
0x33: {  	p0 =	seq.s32 s10, $0x1;
	s10 =	sld [smem:$0x3FB7];
	_ =	sdelay $0x3  }
0x34: {  	[smem:$0x3FB7] =	sst s10  }
0x35: {  	s10 =	sld [smem:$0x3FB6];
	_ =	sdelay $0x3  }
0x36: {  	p1 =	seq.s32 s10, $0x1;
	s10 =	sld [smem:$0x3FB7];
	_ =	sdelay $0x3  }
0x37: {  	[smem:$0x3FB7] =	sst s10  }
0x38: {  	s10 =	sld [smem:$0x3FB8]  }
0x39: {  	_ = 	snop;
	(pc) =	sbr.ind lr, $3  }
0x3a: {  	_ = 	snop  }
0x3b: {  	_ = 	snop  }
0x3c: {  	p2 =	seq.s32 s10, $0x1;
	s10 =	sld [smem:$0x3FB7]  }
0x3d: {  	_ =	shalt  }
0x3e: {  	_ =	shalt  }
0x3f: {  	_ =	shalt  }
0x40: {  	_ =	shalt  }
0x41: {  	_ =	shalt  }
0x42: {  	_ =	shalt  }
0x43: {  	_ =	shalt  }
0x44: {  	_ =	shalt  }
0x45: {  	_ =	shalt  }
0x46: {  	_ =	shalt  }
0x47: {  	_ =	shalt  }
0x48: {  	_ =	shalt  }
0x49: {  	_ =	shalt  }
0x4a: {  	_ =	shalt  }
0x4b: {  	_ =	shalt  }
0x4c: {  	_ =	shalt  }
0x4d: {  	_ =	shalt  }
0x4e: {  	_ =	shalt  }
0x4f: {  	_ =	shalt  }
0x50: {  	_ =	shalt  }
0x51: {  	_ =	shalt  }
0x52: {  	_ =	shalt  }
0x53: {  	_ =	shalt  }
0x54: {  	_ =	shalt  }
0x55: {  	_ =	shalt  }
0x56: {  	_ =	shalt  }
0x57: {  	_ =	shalt  }
0x58: {  	_ =	shalt  }
0x59: {  	_ =	shalt  }
0x5a: {  	_ =	shalt  }
0x5b: {  	_ =	shalt  }
0x5c: {  	_ =	shalt  }
0x5d: {  	_ =	shalt  }
0x5e: {  	_ =	shalt  }
0x5f: {  	_ =	shalt  }
0x60: {  	_ =	shalt  }
0x61: {  	_ =	shalt  }
0x62: {  	_ =	shalt  }
0x63: {  	_ =	shalt  }
0x64: {  	_ =	shalt  }
0x65: {  	_ =	shalt  }
0x66: {  	_ =	shalt  }
0x67: {  	_ =	shalt  }
0x68: {  	_ =	shalt  }
0x69: {  	_ =	shalt  }
0x6a: {  	_ =	shalt  }
0x6b: {  	_ =	shalt  }
0x6c: {  	_ =	shalt  }
0x6d: {  	_ =	shalt  }
0x6e: {  	_ =	shalt  }
0x6f: {  	_ =	shalt  }
0x70: {  	_ =	shalt  }
0x71: {  	_ =	shalt  }
0x72: {  	_ =	shalt  }
0x73: {  	_ =	shalt  }
0x74: {  	_ =	shalt  }
0x75: {  	_ =	shalt  }
0x76: {  	_ =	shalt  }
0x77: {  	_ =	shalt  }
0x78: {  	_ =	shalt  }
0x79: {  	_ =	shalt  }
0x7a: {  	_ =	shalt  }
0x7b: {  	_ =	shalt  }
0x7c: {  	_ =	shalt  }
0x7d: {  	_ =	shalt  }
0x7e: {  	_ =	shalt  }
0x7f: {  	_ =	shalt  }
0x80: {  	_ =	shalt  }
0x81: {  	_ =	shalt  }
0x82: {  	_ =	shalt  }
0x83: {  	_ =	shalt  }
0x84: {  	_ =	shalt  }
0x85: {  	_ =	shalt  }
0x86: {  	_ =	shalt  }
0x87: {  	_ =	shalt  }
.Lfunc_end0:
.L_simem_size_0:
called_computation_lowered:
.L_overlay_start_0:
0x88: {  	s2 =	sld [smem:$0x3FD9]  }
0x89: {  	s3 =	sld [smem:$0x3FFE];
	_ =	sdelay $0x1  }
0x8a: {  	s1 =	srdreg.scid  }
0x8b: {  	s0 =	sand.u32 $0x1, s1  }
0x8c: {  	s17 =	sshll.u32 s0, $0xA;
	s2 =	sadd.s32 s3, s2  }
0x8d: {  	s2 =	sadd.s32 s2, s17  }
0x8e: {  	[smem:$0x3FC3] =	sst s2  }
0x8f: {  	_ = 	snop  }
0x90: {  	s18 =	sld [smem:$0x3FD0];
	(tm) =	ssettm $0x1  }
0x91: {  	s19 =	sld [smem:$0x3FFB];
	_ =	sdelay $0x3  }
0x92: {  	_ =	strace s19  }
0x93: {  	s2 =	sld [smem:$0x3FFC];
	_ =	sdelay $0x3  }
0x94: {  	_ =	strace s2  }
0x95: {  	s2 =	sld [smem:$0x3FFD];
	_ =	sdelay $0x3  }
0x96: {  	_ =	strace s2  }
0x97: {  	_ =	strace $0x8FFFFFFF  }
0x98: {  	s20 =	sld [smem:$0x3FDB];
	_ =	sdelay $0x1  }
0x99: {  	s4 =	simm.s32 $_scs_section_size  }
0x9a: {  	s5 =	simm.s32 $_size__tile_overlayer_lowered;
	s6 =	simm.s32 $_tile_overlayer_lowered  }
0x9b: {  	s7 =	simm.s32 $0x1BFF;
	s21 =	sshll.u32 s6, $0x1;
	s4 =	sadd.s32 s4, s20  }
0x9c: {  	s22 =	simm.s32 $0x0;
	s5 =	sshll.u32 s5, $0x1;
	s6 =	sadd.s32 s21, s4  }
0x9d: {  	[timem:s22], [sflag:s7] =	dma.local [hbm:s6], s5  }
0x9e: {  	_ =	swait.ge [sflag:s7], s5  }
0x9f: {  	s5 =	ssub.s32 $0x0, s5;
	[sflag:s7] =	ssyncset.done $0x0  }
0xa0: {  	[sflag:s7] =	ssyncadd.s32 s5;
	_ =	sdelay $0x1  }
0xa1: {  	s23 =	simm.s32 $0x1B8B  }
0xa2: {  	_ =	swait.ge [sflag:s23], $0x1  }
0xa3: {  	[sflag:s23] =	ssyncset.done $0x0  }
0xa4: {  	[sflag:s23] =	ssyncadd.s32 $0xFFFFFFFF  }
0xa5: {  	s5 =	sld [smem:$0x0]  }
0xa6: {  	s6 =	sand.u32 $0xFFFFFFFE, s1  }
0xa7: {  	p0 =	sne.s32 s1, s6  }
0xa8: {  	s6 =	sshll.u32 @p0 s6, $0xE  }
0xa9: {  	s6 =	sadd.s32 @p0 $0x11B8D, s6;
	s7 =	sshll.u32 @p0 s5, $0x11  }
0xaa: {  	s6 =	sor.u32 @p0 s7, s6  }
0xab: {  	[sflag:s6] =	ssyncadd.remote.s32 @p0 $0x1;
	_ =	sdelay $0x1  }
0xac: {  	s6 =	simm.s32 @p0 $0x1B8D  }
0xad: {  	_ =	swait.eq @p0 [sflag:s6], $0x1  }
0xae: {  	[sflag:s6] =	ssyncadd.s32 @p0 $0xFFFFFFFF  }
0xaf: {  	s7 =	sshll.u32 @!p0 s1, $0xE  }
0xb0: {  	s7 =	sor.u32 @!p0 $0x4000, s7;
	s6 =	simm.s32 @!p0 $0x1B8D  }
0xb1: {  	s5 =	sshll.u32 @!p0 s5, $0x11;
	s7 =	sadd.s32 @!p0 $0x11B8D, s7;
	_ =	swait.eq @!p0 [sflag:s6], $0x1  }
0xb2: {  	s5 =	sor.u32 @!p0 s5, s7;
	[sflag:s6] =	ssyncadd.s32 @!p0 $0xFFFFFFFF  }
0xb3: {  	s25 =	simm.s32 $0x1B8E;
	s24 =	sld [smem:$0x3FFE];
	[sflag:s5] =	ssyncadd.remote.s32 @!p0 $0x1  }
0xb4: {  	s26 =	simm.s32 $execute0_lowered;
	[smem:$0x3FD2] =	sst s25  }
0xb5: {  	s6 =	sshll.u32 s26, $0x1;
	_ =	strace $0x80000049;
	[dreg:$0x1] =	wrdreg $0xFFFFFFFF  }
0xb6: {  	s28 =	simm.s32 $_size_execute0_lowered;
	s4 =	sadd.s32 s4, s6;
	[dreg:$0x0] =	wrdreg $0x0  }
0xb7: {  	s6 =	sshll.u32 s28, $0x1;
	[dreg:$0x2] =	wrdreg s4  }
0xb8: {  	[dreg:$0x3] =	wrdreg s6  }
0xb9: {  	[dreg:$0x4] =	wrdreg $0xC0  }
0xba: {  	_ =	task [dreg:s22], $0x5FFFF  }
0xbb: {  	[dreg:$0x1] =	wrdreg $0xFFFFFFFF  }
0xbc: {  	[dreg:$0x0] =	wrdreg $0x60  }
0xbd: {  	[dreg:$0x2] =	wrdreg s24  }
0xbe: {  	[dreg:$0x3] =	wrdreg s18  }
0xbf: {  	[dreg:$0x4] =	wrdreg $0x0  }
0xc0: {  	[dreg:$0x5] =	wrdreg $0x9  }
0xc1: {  	_ =	task.clear_ibuf [dreg:s22], $0x6FFFF;
	_ =	strace $0x90000049  }
0xc2: {  	s29 =	simm.s32 $0x9;
	_ =	strace $0x8000004B  }
0xc3: {  	_ =	swait.ge [sflag:s29], $0x1  }
0xc4: {  	[sflag:s29] =	ssyncadd.s32 $0xFFFFFFFF  }
0xc5: {  	_ =	strace $0x9000004B  }
0xc6: {  	_ =	sfence  }
0xc7: {  	s30 =	sld [smem:$0x0];
	_ =	sdelay $0x2  }
0xc8: {  	s31 =	sshll.u32 s1, $0xD;
	s1 =	sshrl.u32 s1, $0x2  }
0xc9: {  	s4 =	sand.u32 $0x4000, s31;
	s1 =	sadd.s32 s1, s30  }
0xca: {  	s0 =	sor.u32 s4, s0;
	s1 =	sshll.u32 s1, $0x11  }
0xcb: {  	s0 =	sor.u32 s1, s0  }
0xcc: {  	s0 =	sadd.s32 $0x8F2B, s0  }
0xcd: {  	[sflag:s0] =	ssyncadd.remote.s32 $0x1  }
0xce: {  	_ =	sfence.sel $0xFFFF  }
0xcf: {  	[dreg:$0x0] =	wrdreg $0xFFFFFFFF;
	(pc) =	sbr.abs _section_cstart, $3  }
0xd0: {  	[dreg:$0x1] =	wrdreg $0xFFFFFFFF  }
0xd1: {  	_ =	task.clear_ibuf [dreg:s22], $0x2FFFF;
	_ =	strace $0x9FFFFFFF  }
0xd2: {  	(tm) =	ssettm $0x7FFFFFFF  }
0xd3: {  	_ =	shalt  }
tec
execute0_lowered:
.L_overlay_start_1:
0x0: {  	(tag) =	ssettag $0x1  }
0x1: {  	s7 =	rddreg [dreg:$0x0]  }
0x2: {  	s2 =	rddreg [dreg:$0x1];
	s0 =	srdreg.scid  }
0x3: {  	s3 =	rddreg [dreg:$0x2];
	s1 =	stileid.u32  }
0x4: {  	s4 =	simm.s32 $0x0;
	s15 =	simm.s32 $0x40;
	s16 =	simm.s32 $0x1  }
0x5: {  	s9 =	sand.u32 $0x1, s0;
	s0 =	rddreg [dreg:$0x3];
	s8 =	smul.u32 $0x13C00, s1  }
0x6: {  	s17 =	simm.s32 $0x0;
	[smem:$0x7FF] =	sst s4;
	s11 =	smul.u32 $0x4F000, s1  }
0x7: {  	s5 =	sadd.s32 $0x2400, s7;
	s31 =	sshll.u32 s1, $0x6;
	s6 =	smul.u32 $0x13C000, s9  }
0x8: {  	_ =	strace $0x8000004A;
	s10 =	ssub.s32 $0x2, s9;
	s9 =	smul.u32 $0xA0000, s9  }
0x9: {  	s29 =	sshrl.u32 s10, $0x1;
	s30 =	sshrl.u32 s11, $0x2;
	s6 =	sadd.s32 s8, s6  }
0xa: {  	s13 =	ssub.s32 s10, s29;
	s14 =	sadd.s32 s30, s3;
	s8 =	sshrl.u32 s6, $0x3  }
0xb: {  	s6 =	sadd.s32 $0x52400, s7;
	s11 =	smax.u32 s13, $0x1;
	s13 =	simm.s32 $0x2  }
0xc: {  	s12 =	sadd.s32 s8, s7;
	s7 =	sor.u32 $0x1C02, s31;
	s8 =	smul.u32 $0x140, s1  }
0xd: {  	s10 =	sadd.s32 $0xA3C00, s12;
	s12 =	sshrl.u32 s14, $0x3;
	s14 =	simm.s32 $0x15000  }
.LBB2_1:
0xe: {  	[spmem:s12], [sflag:s7] =	dma.local [hbm:s6], $0x2780  }
0xf: {  	_ =	swait.ge [sflag:s13], $0x2780  }
0x10: {  	[sflag:s13] =	ssyncset.done $0x0  }
0x11: {  	[sflag:s13] =	ssyncadd.s32 $0xFFFFD880  }
0x12: {  	[tilespmem:s14], [sflag:$0x2] =	stream.linear.gather [hbm4b:s2+s4], $0x2000, $0x38;
	[tilespmem:$0x17000] =	vst v63  }
0x13: {  	_ =	swait.ge [sflag:s13], $0x2000  }
0x14: {  	[sflag:s13] =	ssyncset.done $0x0  }
0x15: {  	[sflag:s13] =	ssyncadd.s32 $0xFFFFE000  }
0x16: {  	s18 =	simm.s32 $0x0;
	[bflag:$0x0] =	sbarrier.arrive $0xFFFF  }
.LBB2_2:
0x17: {  	s19 =	smul.u32 $0x28, s18;
	_ =	sdelay $0x1  }
0x18: {  	s19 =	sadd.s32 s8, s19  }
0x19: {  	s19 =	sshll.u32 s19, $0x7  }
0x1a: {  	s19 =	sadd.s32 s9, s19  }
0x1b: {  	s19 =	sshrl.u32 s19, $0x3  }
0x1c: {  	s21 =	simm.s32 $0x0;
	s20 =	sadd.s32 s5, s19;
	s19 =	simm.s32 $0x13C00  }
0x1d: {  	[tilespmem:s19], [sflag:$0x2] =	stream.linear.gather [hbm4b:s20+s21], $0x1400, $0x38;
	[tilespmem:$0x17000] =	vst v63  }
0x1e: {  	_ =	swait.ge [sflag:s13], $0x1400  }
0x1f: {  	p0 =	por $0x1, $0x1;
	[sflag:s13] =	ssyncset.done $0x0  }
0x20: {  	s21 =	simm.s32 @!p0 $0x1;
	[sflag:s13] =	ssyncadd.s32 $0xFFFFEC00  }
0x21: {  	[spmem:s3] =	stream.indirect.scatter.add.f32 [tilespmem:s14], [sflag:$0x1], $0x80, s19, s15, $0xb8;
	[tilespmem:$0x17000] =	vst v63  }
0x22: {  	_ =	swait.ge @!p0 [sflag:s21], $0x2000  }
0x23: {  	s20 =	simm.s32 $0x1;
	[sflag:s21] =	ssyncset.done @!p0 $0x0  }
.LBB2_3:
0x24: {  	[sflag:s21] =	ssyncadd.s32 @!p0 $0xFFFFE000  }
0x25: {  	s19 =	sadd.s32 $0x80, s19;
	s21 =	smov.u32 s20;
	s20 =	sadd.s32 $0x1, s20  }
0x26: {  	p1 =	sne.s32 s20, $0x28  }
0x27: {  	[spmem:s3] =	stream.indirect.scatter.add.f32 [tilespmem:s14], [sflag:$0x1], $0x80, s19, s15, $0xb8;
	[tilespmem:$0x17000] =	vst v63  }
.Ltmp0:
0x28: {  	_ = 	snop;
	(pc) =	sbr.rel @p1 .LBB2_3-.Ltmp0, $4  }
0x29: {  	p0 =	slt.u32 s21, $0x8  }
0x2a: {  	s21 =	simm.s32 @!p0 $0x1  }
0x2b: {  	_ =	swait.ge @!p0 [sflag:s21], $0x2000  }
0x2c: {  	[sflag:s21] =	ssyncset.done @!p0 $0x0  }
0x2d: {  	[sflag:s21] =	ssyncadd.s32 @!p0 $0xFFFFE000  }
0x2e: {  	_ =	swait.ge [sflag:s16], $0x2000  }
0x2f: {  	[sflag:s16] =	ssyncset.done $0x0  }
0x30: {  	[sflag:s16] =	ssyncadd.s32 $0xFFFFE000  }
0x31: {  	_ =	swait.ge [sflag:s16], $0x2000  }
0x32: {  	[sflag:s16] =	ssyncset.done $0x0  }
0x33: {  	[sflag:s16] =	ssyncadd.s32 $0xFFFFE000  }
0x34: {  	_ =	swait.ge [sflag:s16], $0x2000  }
0x35: {  	[sflag:s16] =	ssyncset.done $0x0  }
0x36: {  	[sflag:s16] =	ssyncadd.s32 $0xFFFFE000  }
0x37: {  	_ =	swait.ge [sflag:s16], $0x2000  }
0x38: {  	[sflag:s16] =	ssyncset.done $0x0  }
0x39: {  	[sflag:s16] =	ssyncadd.s32 $0xFFFFE000  }
0x3a: {  	_ =	swait.ge [sflag:s16], $0x2000  }
0x3b: {  	[sflag:s16] =	ssyncset.done $0x0  }
0x3c: {  	[sflag:s16] =	ssyncadd.s32 $0xFFFFE000  }
0x3d: {  	_ =	swait.ge [sflag:s16], $0x2000  }
0x3e: {  	[sflag:s16] =	ssyncset.done $0x0  }
0x3f: {  	s18 =	sadd.s32 $0x1, s18;
	[sflag:s16] =	ssyncadd.s32 $0xFFFFE000  }
0x40: {  	p0 =	sne.s32 s18, $0x8;
	_ =	swait.ge [sflag:s16], $0x2000  }
.Ltmp1:
0x41: {  	[sflag:s16] =	ssyncset.done $0x0;
	(pc) =	sbr.rel @p0 .LBB2_2-.Ltmp1, $4  }
0x42: {  	[sflag:s16] =	ssyncadd.s32 $0xFFFFE000  }
0x43: {  	_ =	swait.ge [sflag:s16], $0x2000  }
0x44: {  	[sflag:s16] =	ssyncset.done $0x0  }
0x45: {  	[sflag:s16] =	ssyncadd.s32 $0xFFFFE000  }
0x46: {  	s17 =	sadd.s32 $0x1, s17  }
0x47: {  	p0 =	sne.s32 s17, s11  }
.Ltmp2:
0x48: {  	[bflag:$0x0] =	sbarrier.arrive $0xFFFF;
	(pc) =	sbr.rel @p0 .LBB2_1-.Ltmp2, $4  }
0x49: {  	[hbm:s10], [sflag:s7] =	dma.local [spmem:s12], $0x2780  }
0x4a: {  	_ =	swait.ge [sflag:s13], $0x2780  }
0x4b: {  	[sflag:s13] =	ssyncset.done $0x0  }
0x4c: {  	[sflag:s13] =	ssyncadd.s32 $0xFFFFD880  }
0x4d: {  	_ =	sfence.sel $0x180000  }
0x4e: {  	[bflag:$0x0] =	sbarrier.arrive $0xFFFF  }
0x4f: {  	p0 =	sne.s32 s1, $0x0;
	_ =	strace $0x9000004A  }
0x50: {  	s0 =	sadd.s32 @!p0 $0x100000, s0;
	[bflag:$0x2] =	sbarrier.arrive $0xFFFF  }
0x51: {  	[sflag:s0] =	ssyncadd.tile.s32 @!p0 $0x1;
	_ =	shalt  }
.Lfunc_end2:
_tile_overlayer_lowered:
.L_overlay_start_2:
0x52: {  	(tag) =	ssettag $0x2  }
0x53: {  	s0 =	rddreg [dreg:$0x0];
	s2 =	stileid.u32  }
0x54: {  	s1 =	rddreg [dreg:$0x1];
	p0 =	sne.s32 s2, $0x0  }
0x55: {  	s3 =	rddreg [dreg:$0x2];
	[bflag:$0x3] =	sbarrier.arrive $0xFFFF;
	s2 =	simm.s32 @!p0 $0x1C02  }
0x56: {  	[timem:s3], [sflag:s2] =	dma.local @!p0 [hbm:s0], s1  }
0x57: {  	s0 =	simm.s32 @!p0 $0x2  }
0x58: {  	_ =	swait.ge @!p0 [sflag:s0], s1  }
0x59: {  	s1 =	ssub.s32 @!p0 $0x0, s1;
	[sflag:s0] =	ssyncset.done @!p0 $0x0  }
0x5a: {  	[sflag:s0] =	ssyncadd.s32 @!p0 s1  }
0x5b: {  	[bflag:$0x3] =	sbarrier.arrive $0xFFFF  }
0x5c: {  	_ =	shalt  }

</sc_bundles>
